<compile_context>
chip_gen: v7x
topology: tpu7x:2x2x1
jax: 0.10.2.dev20260603
libtpu: 0.0.44.dev20260713+nightly
codegen_flags: <defaults>
</compile_context>

<pallas_src>
import jax
import jax.numpy as jnp
from jax import lax
from jax.experimental import pallas as pl
from jax.experimental.pallas import tpu as pltpu
from jax.experimental.pallas import tpu_sc as plsc

_EMBEDDING_DIM = 32
_BATCH = 16384
_HIST = 50
_B = _BATCH * _HIST

_info = plsc.get_sparse_core_info()
_NC, _NS = _info.num_cores, _info.num_subcores
_NW = _NC * _NS
_SB = 512
_NSB = _B // _SB
_SB_PER_W = _NSB // _NW
_IDX_PER_W = _SB_PER_W * _SB
_SB_PER_H = _BATCH // _SB
_NBUF = 3


def _gather_body(table_hbm, idx_hbm, out_hbm, idx_v, rows_v, tile_v, gsem, wsem):
    wid = lax.axis_index("s") * _NC + lax.axis_index("c")
    w_base = wid * _IDX_PER_W
    w_sb0 = wid * _SB_PER_W

    pltpu.sync_copy(idx_hbm.at[pl.ds(w_base, _IDX_PER_W)], idx_v)

    iota = lax.iota(jnp.int32, 16)
    dbase = [((iota + d0) >> 3) * 4096 + ((iota + d0) & 7) * 128 for d0 in (0, 16)]

    def fire_gather(b, sb_loc):
        pltpu.async_copy(
            table_hbm.at[idx_v.at[pl.ds(sb_loc * _SB, _SB)]],
            rows_v.at[b],
            gsem.at[b],
        )

    def transpose_sb(b):
        @plsc.parallel_loop(0, _SB, step=1, unroll=16)
        def _(j):
            base = (j >> 7) * 1024 + (j & 127)
            for half in range(2):
                x = rows_v[b, j, pl.ds(half * 16, 16)]
                plsc.store_scatter(tile_v.at[b], [dbase[half] + base], x)

    def fire_writes(b, sb_loc):
        s = w_sb0 + sb_loc
        h = s // _SB_PER_H
        col = (s - h * _SB_PER_H) * 4096
        for dr in range(4):
            pltpu.async_copy(
                tile_v.at[b, pl.ds(dr * 4096, 4096)],
                out_hbm.at[h, dr, pl.ds(col, 4096)],
                wsem.at[b],
            )

    def drain_gather(b):
        pltpu.make_async_copy(
            table_hbm.at[pl.ds(0, _SB)], rows_v.at[b], gsem.at[b]
        ).wait()

    def drain_writes(b):
        for dr in range(4):
            pltpu.make_async_copy(
                out_hbm.at[0, 0, pl.ds(0, 4096)],
                tile_v.at[b, pl.ds(dr * 4096, 4096)],
                wsem.at[b],
            ).wait()

    for b in range(_NBUF):
        fire_gather(b, b)

    n_outer = _SB_PER_W // _NBUF

    def outer(o, _):
        for b in range(_NBUF):
            sb_loc = o * _NBUF + b
            drain_gather(b)

            @pl.when(o > 0)
            def _():
                drain_writes(b)

            transpose_sb(b)
            fire_writes(b, sb_loc)
            nxt = sb_loc + _NBUF

            @pl.when(nxt < _SB_PER_W)
            def _():
                fire_gather(b, nxt)

        return ()

    lax.fori_loop(0, n_outer, outer, ())

    for b in range(_SB_PER_W - n_outer * _NBUF):
        sb_loc = n_outer * _NBUF + b
        drain_gather(b)
        drain_writes(b)
        transpose_sb(b)
        fire_writes(b, sb_loc)

    for b in range(_NBUF):
        drain_writes(b)


@jax.jit
def _embedding_sc(token_ids_flat, lookup_table_NM):
    mesh = plsc.VectorSubcoreMesh(core_axis_name="c", subcore_axis_name="s")
    run = pl.kernel(
        _gather_body,
        out_type=jax.ShapeDtypeStruct((_HIST, 4, _BATCH * 8), jnp.float32),
        mesh=mesh,
        scratch_types=[
            pltpu.VMEM((_IDX_PER_W,), jnp.int32),
            pltpu.VMEM((_NBUF, _SB, _EMBEDDING_DIM), jnp.float32),
            pltpu.VMEM((_NBUF, 4 * 4096), jnp.float32),
            pltpu.SemaphoreType.DMA((_NBUF,)),
            pltpu.SemaphoreType.DMA((_NBUF,)),
        ],
        compiler_params=pltpu.CompilerParams(
            use_tc_tiling_on_sc=False, needs_layout_passes=False
        ),
    )
    return run(lookup_table_NM, token_ids_flat)


def kernel(token_ids, lookup_table_NM):
    flat = token_ids.T.reshape(_B).astype(jnp.int32)
    lin = _embedding_sc(flat, lookup_table_NM)
    out = (
        lin.reshape(_HIST, 4, _BATCH // 128, 8, 128)
        .transpose(2, 4, 0, 1, 3)
        .reshape(_BATCH, _HIST, _EMBEDDING_DIM)
    )
    return out

# --- scband reference (transcript-rebuilt; emitter-appended) ---
"""Pipeline reference for scband-embedding-60309930770513 (READ-ONLY COPY).

The authoritative reference and input builder live on the scoring server;
editing this copy changes nothing except your own understanding.
"""

import jax, jax.numpy as jnp
import numpy as np

NUM_EMBEDDINGS = 1000000
EMBEDDING_DIM = 32
BATCH = 16384
HIST = 50

def _trunc_normal(key, shape, mean=0.0, std=1.0, a=-3.0, b=3.0):
    u = jax.random.truncated_normal(key, a, b, shape, dtype=jnp.float32)
    return u * std + mean

def setup_inputs(seed: int = 0) -> dict:
    key = jax.random.key(seed)
    k_idx, k_tab = jax.random.split(key)
    token_ids = jax.random.randint(k_idx, (BATCH, HIST), 0, NUM_EMBEDDINGS, dtype=jnp.int64 if jax.config.jax_enable_x64 else jnp.int32)
    lookup_table_NM = _trunc_normal(k_tab, (NUM_EMBEDDINGS, EMBEDDING_DIM))
    return {"token_ids": token_ids, "lookup_table_NM": lookup_table_NM}

def reference(token_ids, lookup_table_NM):
    # Faithful to: self.lookup_table_NM[token_ids_BC, :]
    return jnp.take(lookup_table_NM, token_ids, axis=0)

if __name__ == "__main__":
    import jax
    _d = setup_inputs()
    print(jax.jit(kernel)(*tuple(_d.values())))

</pallas_src>

<mosaic_0001>
#map = affine_map<(d0, d1) -> (0, 0)>
#map1 = affine_map<(d0, d1) -> (0)>
#map2 = affine_map<(d0, d1) -> (0, 0, 0)>
module attributes {stable_mosaic.version = 14 : i64} {
  func.func @_gather_body(%arg0: i32, %arg1: i32, %arg2: memref<1000000x32xf32, #tpu.memory_space<hbm>>, %arg3: memref<819200xi32, #tpu.memory_space<hbm>>, %arg4: memref<50x4x131072xf32, #tpu.memory_space<hbm>>, %arg5: memref<25600xi32, #tpu.memory_space<vmem>>, %arg6: memref<3x512x32xf32, #tpu.memory_space<vmem>>, %arg7: memref<3x16384xf32, #tpu.memory_space<vmem>>, %arg8: memref<3x!tpu.dma_semaphore, #tpu.memory_space<semaphore_mem>>, %arg9: memref<3x!tpu.dma_semaphore, #tpu.memory_space<semaphore_mem>>) attributes {dimension_semantics = [#tpu.dimension_semantics<core_parallel>, #tpu.dimension_semantics<subcore_parallel>], iteration_bounds = array<i64: 2, 16>, scalar_prefetch = 0 : i64, scratch_operands = 5 : i64, tpu.core_type = #tpu.core_type<sc_vector_subcore>, window_params = [{transform_indices = #map}, {transform_indices = #map1}, {transform_indices = #map2}]} {
    %mul3A = arith.constant 2 : i32
    %mul3A_0 = arith.muli %arg1, %mul3A : i32
    %add3A = arith.addi %mul3A_0, %arg0 : i32
    %mul3A_1 = arith.constant 25600 : i32
    %mul3A_2 = arith.muli %add3A, %mul3A_1 : i32
    %mul3A_3 = arith.constant 50 : i32
    %mul3A_4 = arith.muli %add3A, %mul3A_3 : i32
    "tpu.region"() ({
      %run_scoped3A = tpu.sem_alloc : memref<!tpu.dma_semaphore, #tpu.memory_space<semaphore_mem>>
      %dma_start3A_658 = tpu.memref_slice %arg3[%mul3A_2] : memref<819200xi32, #tpu.memory_space<hbm>> -> memref<25600xi32, #tpu.memory_space<hbm>>
      %dma_start3A_659 = tpu.memref_slice %arg3[%mul3A_2] : memref<819200xi32, #tpu.memory_space<hbm>> -> memref<25600xi32, #tpu.memory_space<hbm>>
      tpu.enqueue_dma source(%dma_start3A_659 : memref<25600xi32, #tpu.memory_space<hbm>>) target(%arg5 : memref<25600xi32, #tpu.memory_space<vmem>>) target_semaphore(%run_scoped3A : memref<!tpu.dma_semaphore, #tpu.memory_space<semaphore_mem>>)
      %dma_wait3A_660 = tpu.memref_slice %arg3[%mul3A_2] : memref<819200xi32, #tpu.memory_space<hbm>> -> memref<25600xi32, #tpu.memory_space<hbm>>
      %dma_wait3A_661 = tpu.memref_slice %arg3[%mul3A_2] : memref<819200xi32, #tpu.memory_space<hbm>> -> memref<25600xi32, #tpu.memory_space<hbm>>
      tpu.wait_dma2 semaphore(%run_scoped3A : memref<!tpu.dma_semaphore, #tpu.memory_space<semaphore_mem>>) src(%dma_wait3A_661 : memref<25600xi32, #tpu.memory_space<hbm>>) dst(%arg5 : memref<25600xi32, #tpu.memory_space<vmem>>)
      tpu.yield
    }) : () -> ()
    %iota3A = tpu.iota {dimensions = array<i32: 0>} : vector<16xi32>
    %add3A_5 = arith.constant 0 : i32
    %add3A_6 = vector.broadcast %add3A_5 : i32 to vector<16xi32>
    %add3A_7 = arith.addi %iota3A, %add3A_6 : vector<16xi32>
    %shift_right_arithmetic3A = arith.constant 3 : i32
    %shift_right_arithmetic3A_8 = vector.broadcast %shift_right_arithmetic3A : i32 to vector<16xi32>
    %shift_right_arithmetic3A_9 = arith.shrsi %add3A_7, %shift_right_arithmetic3A_8 : vector<16xi32>
    %mul3A_10 = arith.constant 4096 : i32
    %mul3A_11 = vector.broadcast %mul3A_10 : i32 to vector<16xi32>
    %mul3A_12 = arith.muli %shift_right_arithmetic3A_9, %mul3A_11 : vector<16xi32>
    %add3A_13 = arith.constant 0 : i32
    %add3A_14 = vector.broadcast %add3A_13 : i32 to vector<16xi32>
    %add3A_15 = arith.addi %iota3A, %add3A_14 : vector<16xi32>
    %and3A = arith.constant 7 : i32
    %and3A_16 = vector.broadcast %and3A : i32 to vector<16xi32>
    %and3A_17 = arith.andi %add3A_15, %and3A_16 : vector<16xi32>
    %mul3A_18 = arith.constant 128 : i32
    %mul3A_19 = vector.broadcast %mul3A_18 : i32 to vector<16xi32>
    %mul3A_20 = arith.muli %and3A_17, %mul3A_19 : vector<16xi32>
    %add3A_21 = arith.addi %mul3A_12, %mul3A_20 : vector<16xi32>
    %add3A_22 = arith.constant 16 : i32
    %add3A_23 = vector.broadcast %add3A_22 : i32 to vector<16xi32>
    %add3A_24 = arith.addi %iota3A, %add3A_23 : vector<16xi32>
    %shift_right_arithmetic3A_25 = arith.constant 3 : i32
    %shift_right_arithmetic3A_26 = vector.broadcast %shift_right_arithmetic3A_25 : i32 to vector<16xi32>
    %shift_right_arithmetic3A_27 = arith.shrsi %add3A_24, %shift_right_arithmetic3A_26 : vector<16xi32>
    %mul3A_28 = arith.constant 4096 : i32
    %mul3A_29 = vector.broadcast %mul3A_28 : i32 to vector<16xi32>
    %mul3A_30 = arith.muli %shift_right_arithmetic3A_27, %mul3A_29 : vector<16xi32>
    %add3A_31 = arith.constant 16 : i32
    %add3A_32 = vector.broadcast %add3A_31 : i32 to vector<16xi32>
    %add3A_33 = arith.addi %iota3A, %add3A_32 : vector<16xi32>
    %and3A_34 = arith.constant 7 : i32
    %and3A_35 = vector.broadcast %and3A_34 : i32 to vector<16xi32>
    %and3A_36 = arith.andi %add3A_33, %and3A_35 : vector<16xi32>
    %mul3A_37 = arith.constant 128 : i32
    %mul3A_38 = vector.broadcast %mul3A_37 : i32 to vector<16xi32>
    %mul3A_39 = arith.muli %and3A_36, %mul3A_38 : vector<16xi32>
    %add3A_40 = arith.addi %mul3A_30, %mul3A_39 : vector<16xi32>
    %dma_start3A = arith.constant 0 : i32
    %dma_start3A_41 = arith.constant 0 : i32
    %dma_start3A_42 = arith.constant 0 : i32
    %dma_start3A_43 = arith.constant 0 : i32
    %dma_start3A_44 = tpu.memref_slice %arg6[%dma_start3A, %dma_start3A_42, %dma_start3A_43] : memref<3x512x32xf32, #tpu.memory_space<vmem>> -> memref<1x512x32xf32, #tpu.memory_space<vmem>>
    %dma_start3A_45 = tpu.memref_squeeze %dma_start3A_44 : memref<1x512x32xf32, #tpu.memory_space<vmem>> -> memref<512x32xf32, #tpu.memory_space<vmem>>
    %dma_start3A_46 = arith.constant 0 : i32
    %dma_start3A_47 = tpu.memref_slice %arg5[%dma_start3A_46] : memref<25600xi32, #tpu.memory_space<vmem>> -> memref<512xi32, #tpu.memory_space<vmem>>
    %dma_start3A_48 = arith.constant 0 : i32
    %dma_start3A_49 = arith.constant 0 : i32
    %dma_start3A_50 = tpu.memref_slice %arg2[%dma_start3A_48, %dma_start3A_49] : memref<1000000x32xf32, #tpu.memory_space<hbm>> -> memref<1000000x32xf32, #tpu.memory_space<hbm>>
    %dma_start3A_51 = tpu.memref_slice %arg8[%dma_start3A_41] : memref<3x!tpu.dma_semaphore, #tpu.memory_space<semaphore_mem>> -> memref<1x!tpu.dma_semaphore, #tpu.memory_space<semaphore_mem>>
    %dma_start3A_52 = tpu.memref_squeeze %dma_start3A_51 : memref<1x!tpu.dma_semaphore, #tpu.memory_space<semaphore_mem>> -> memref<!tpu.dma_semaphore, #tpu.memory_space<semaphore_mem>>
    tpu.enqueue_indirect_dma source(%dma_start3A_50 : memref<1000000x32xf32, #tpu.memory_space<hbm>>) target(%dma_start3A_45 : memref<512x32xf32, #tpu.memory_space<vmem>>) offsets(%dma_start3A_47 : memref<512xi32, #tpu.memory_space<vmem>>) semaphore(%dma_start3A_52 : memref<!tpu.dma_semaphore, #tpu.memory_space<semaphore_mem>>)
    %dma_start3A_53 = arith.constant 1 : i32
    %dma_start3A_54 = arith.constant 1 : i32
    %dma_start3A_55 = arith.constant 0 : i32
    %dma_start3A_56 = arith.constant 0 : i32
    %dma_start3A_57 = tpu.memref_slice %arg6[%dma_start3A_53, %dma_start3A_55, %dma_start3A_56] : memref<3x512x32xf32, #tpu.memory_space<vmem>> -> memref<1x512x32xf32, #tpu.memory_space<vmem>>
    %dma_start3A_58 = tpu.memref_squeeze %dma_start3A_57 : memref<1x512x32xf32, #tpu.memory_space<vmem>> -> memref<512x32xf32, #tpu.memory_space<vmem>>
    %dma_start3A_59 = arith.constant 512 : i32
    %dma_start3A_60 = tpu.memref_slice %arg5[%dma_start3A_59] : memref<25600xi32, #tpu.memory_space<vmem>> -> memref<512xi32, #tpu.memory_space<vmem>>
    %dma_start3A_61 = arith.constant 0 : i32
    %dma_start3A_62 = arith.constant 0 : i32
    %dma_start3A_63 = tpu.memref_slice %arg2[%dma_start3A_61, %dma_start3A_62] : memref<1000000x32xf32, #tpu.memory_space<hbm>> -> memref<1000000x32xf32, #tpu.memory_space<hbm>>
    %dma_start3A_64 = tpu.memref_slice %arg8[%dma_start3A_54] : memref<3x!tpu.dma_semaphore, #tpu.memory_space<semaphore_mem>> -> memref<1x!tpu.dma_semaphore, #tpu.memory_space<semaphore_mem>>
    %dma_start3A_65 = tpu.memref_squeeze %dma_start3A_64 : memref<1x!tpu.dma_semaphore, #tpu.memory_space<semaphore_mem>> -> memref<!tpu.dma_semaphore, #tpu.memory_space<semaphore_mem>>
    tpu.enqueue_indirect_dma source(%dma_start3A_63 : memref<1000000x32xf32, #tpu.memory_space<hbm>>) target(%dma_start3A_58 : memref<512x32xf32, #tpu.memory_space<vmem>>) offsets(%dma_start3A_60 : memref<512xi32, #tpu.memory_space<vmem>>) semaphore(%dma_start3A_65 : memref<!tpu.dma_semaphore, #tpu.memory_space<semaphore_mem>>)
    %dma_start3A_66 = arith.constant 2 : i32
    %dma_start3A_67 = arith.constant 2 : i32
    %dma_start3A_68 = arith.constant 0 : i32
    %dma_start3A_69 = arith.constant 0 : i32
    %dma_start3A_70 = tpu.memref_slice %arg6[%dma_start3A_66, %dma_start3A_68, %dma_start3A_69] : memref<3x512x32xf32, #tpu.memory_space<vmem>> -> memref<1x512x32xf32, #tpu.memory_space<vmem>>
    %dma_start3A_71 = tpu.memref_squeeze %dma_start3A_70 : memref<1x512x32xf32, #tpu.memory_space<vmem>> -> memref<512x32xf32, #tpu.memory_space<vmem>>
    %dma_start3A_72 = arith.constant 1024 : i32
    %dma_start3A_73 = tpu.memref_slice %arg5[%dma_start3A_72] : memref<25600xi32, #tpu.memory_space<vmem>> -> memref<512xi32, #tpu.memory_space<vmem>>
    %dma_start3A_74 = arith.constant 0 : i32
    %dma_start3A_75 = arith.constant 0 : i32
    %dma_start3A_76 = tpu.memref_slice %arg2[%dma_start3A_74, %dma_start3A_75] : memref<1000000x32xf32, #tpu.memory_space<hbm>> -> memref<1000000x32xf32, #tpu.memory_space<hbm>>
    %dma_start3A_77 = tpu.memref_slice %arg8[%dma_start3A_67] : memref<3x!tpu.dma_semaphore, #tpu.memory_space<semaphore_mem>> -> memref<1x!tpu.dma_semaphore, #tpu.memory_space<semaphore_mem>>
    %dma_start3A_78 = tpu.memref_squeeze %dma_start3A_77 : memref<1x!tpu.dma_semaphore, #tpu.memory_space<semaphore_mem>> -> memref<!tpu.dma_semaphore, #tpu.memory_space<semaphore_mem>>
    tpu.enqueue_indirect_dma source(%dma_start3A_76 : memref<1000000x32xf32, #tpu.memory_space<hbm>>) target(%dma_start3A_71 : memref<512x32xf32, #tpu.memory_space<vmem>>) offsets(%dma_start3A_73 : memref<512xi32, #tpu.memory_space<vmem>>) semaphore(%dma_start3A_78 : memref<!tpu.dma_semaphore, #tpu.memory_space<semaphore_mem>>)
    %scan3A = arith.constant 0 : i32
    %scan3A_79 = arith.constant 16 : i32
    %scan3A_80 = arith.addi %scan3A, %scan3A_79 : i32
    %scan3A_81 = arith.constant 1 : i32
    scf.for %scan3A_658 = %scan3A to %scan3A_80 step %scan3A_81  : i32 {
      %mul3A_659 = arith.constant 3 : i32
      %mul3A_660 = arith.muli %scan3A_658, %mul3A_659 : i32
      %add3A_661 = arith.constant 0 : i32
      %add3A_662 = arith.addi %mul3A_660, %add3A_661 : i32
      %dma_wait3A_663 = arith.constant 0 : i32
      %dma_wait3A_664 = arith.constant 0 : i32
      %dma_wait3A_665 = arith.constant 0 : i32
      %dma_wait3A_666 = arith.constant 0 : i32
      %dma_wait3A_667 = tpu.memref_slice %arg6[%dma_wait3A_663, %dma_wait3A_665, %dma_wait3A_666] : memref<3x512x32xf32, #tpu.memory_space<vmem>> -> memref<1x512x32xf32, #tpu.memory_space<vmem>>
      %dma_wait3A_668 = tpu.memref_squeeze %dma_wait3A_667 : memref<1x512x32xf32, #tpu.memory_space<vmem>> -> memref<512x32xf32, #tpu.memory_space<vmem>>
      %dma_wait3A_669 = arith.constant 0 : i32
      %dma_wait3A_670 = arith.constant 0 : i32
      %dma_wait3A_671 = tpu.memref_slice %arg2[%dma_wait3A_669, %dma_wait3A_670] : memref<1000000x32xf32, #tpu.memory_space<hbm>> -> memref<512x32xf32, #tpu.memory_space<hbm>>
      %dma_wait3A_672 = tpu.memref_slice %arg8[%dma_wait3A_664] : memref<3x!tpu.dma_semaphore, #tpu.memory_space<semaphore_mem>> -> memref<1x!tpu.dma_semaphore, #tpu.memory_space<semaphore_mem>>
      %dma_wait3A_673 = tpu.memref_squeeze %dma_wait3A_672 : memref<1x!tpu.dma_semaphore, #tpu.memory_space<semaphore_mem>> -> memref<!tpu.dma_semaphore, #tpu.memory_space<semaphore_mem>>
      %dma_wait3A_674 = arith.constant 0 : i32
      %dma_wait3A_675 = arith.constant 0 : i32
      %dma_wait3A_676 = tpu.memref_slice %arg6[%dma_wait3A_663, %dma_wait3A_674, %dma_wait3A_675] : memref<3x512x32xf32, #tpu.memory_space<vmem>> -> memref<1x512x32xf32, #tpu.memory_space<vmem>>
      %dma_wait3A_677 = tpu.memref_squeeze %dma_wait3A_676 : memref<1x512x32xf32, #tpu.memory_space<vmem>> -> memref<512x32xf32, #tpu.memory_space<vmem>>
      %dma_wait3A_678 = arith.constant 0 : i32
      %dma_wait3A_679 = arith.constant 0 : i32
      %dma_wait3A_680 = tpu.memref_slice %arg2[%dma_wait3A_678, %dma_wait3A_679] : memref<1000000x32xf32, #tpu.memory_space<hbm>> -> memref<512x32xf32, #tpu.memory_space<hbm>>
      tpu.wait_dma2 semaphore(%dma_wait3A_673 : memref<!tpu.dma_semaphore, #tpu.memory_space<semaphore_mem>>) src(%dma_wait3A_680 : memref<512x32xf32, #tpu.memory_space<hbm>>) dst(%dma_wait3A_677 : memref<512x32xf32, #tpu.memory_space<vmem>>)
      %gt3A = arith.constant 0 : i32
      %gt3A_681 = arith.cmpi sgt, %scan3A_658, %gt3A : i32
      %convert_element_type3A = arith.extui %gt3A_681 : i1 to i32
      %cond3A = arith.constant 0 : i32
      %cond3A_682 = arith.cmpi ne, %convert_element_type3A, %cond3A : i32
      scf.if %cond3A_682 {
        %dma_wait3A_1036 = arith.constant 0 : i32
        %dma_wait3A_1037 = arith.constant 0 : i32
        %dma_wait3A_1038 = arith.constant 0 : i32
        %dma_wait3A_1039 = arith.constant 0 : i32
        %dma_wait3A_1040 = arith.constant 0 : i32
        %dma_wait3A_1041 = tpu.memref_slice %arg7[%dma_wait3A_1038, %dma_wait3A_1040] : memref<3x16384xf32, #tpu.memory_space<vmem>> -> memref<1x4096xf32, #tpu.memory_space<vmem>>
        %dma_wait3A_1042 = tpu.memref_squeeze %dma_wait3A_1041 : memref<1x4096xf32, #tpu.memory_space<vmem>> -> memref<4096xf32, #tpu.memory_space<vmem>>
        %dma_wait3A_1043 = arith.constant 0 : i32
        %dma_wait3A_1044 = tpu.memref_slice %arg4[%dma_wait3A_1036, %dma_wait3A_1037, %dma_wait3A_1043] : memref<50x4x131072xf32, #tpu.memory_space<hbm>> -> memref<1x1x4096xf32, #tpu.memory_space<hbm>>
        %dma_wait3A_1045 = tpu.memref_squeeze %dma_wait3A_1044 : memref<1x1x4096xf32, #tpu.memory_space<hbm>> -> memref<4096xf32, #tpu.memory_space<hbm>>
        %dma_wait3A_1046 = tpu.memref_slice %arg9[%dma_wait3A_1039] : memref<3x!tpu.dma_semaphore, #tpu.memory_space<semaphore_mem>> -> memref<1x!tpu.dma_semaphore, #tpu.memory_space<semaphore_mem>>
        %dma_wait3A_1047 = tpu.memref_squeeze %dma_wait3A_1046 : memref<1x!tpu.dma_semaphore, #tpu.memory_space<semaphore_mem>> -> memref<!tpu.dma_semaphore, #tpu.memory_space<semaphore_mem>>
        %dma_wait3A_1048 = arith.constant 0 : i32
        %dma_wait3A_1049 = tpu.memref_slice %arg7[%dma_wait3A_1038, %dma_wait3A_1048] : memref<3x16384xf32, #tpu.memory_space<vmem>> -> memref<1x4096xf32, #tpu.memory_space<vmem>>
        %dma_wait3A_1050 = tpu.memref_squeeze %dma_wait3A_1049 : memref<1x4096xf32, #tpu.memory_space<vmem>> -> memref<4096xf32, #tpu.memory_space<vmem>>
        %dma_wait3A_1051 = arith.constant 0 : i32
        %dma_wait3A_1052 = tpu.memref_slice %arg4[%dma_wait3A_1036, %dma_wait3A_1037, %dma_wait3A_1051] : memref<50x4x131072xf32, #tpu.memory_space<hbm>> -> memref<1x1x4096xf32, #tpu.memory_space<hbm>>
        %dma_wait3A_1053 = tpu.memref_squeeze %dma_wait3A_1052 : memref<1x1x4096xf32, #tpu.memory_space<hbm>> -> memref<4096xf32, #tpu.memory_space<hbm>>
        tpu.wait_dma2 semaphore(%dma_wait3A_1047 : memref<!tpu.dma_semaphore, #tpu.memory_space<semaphore_mem>>) src(%dma_wait3A_1053 : memref<4096xf32, #tpu.memory_space<hbm>>) dst(%dma_wait3A_1050 : memref<4096xf32, #tpu.memory_space<vmem>>)
        %dma_wait3A_1054 = arith.constant 0 : i32
        %dma_wait3A_1055 = arith.constant 0 : i32
        %dma_wait3A_1056 = arith.constant 0 : i32
        %dma_wait3A_1057 = arith.constant 0 : i32
        %dma_wait3A_1058 = arith.constant 4096 : i32
        %dma_wait3A_1059 = tpu.memref_slice %arg7[%dma_wait3A_1056, %dma_wait3A_1058] : memref<3x16384xf32, #tpu.memory_space<vmem>> -> memref<1x4096xf32, #tpu.memory_space<vmem>>
        %dma_wait3A_1060 = tpu.memref_squeeze %dma_wait3A_1059 : memref<1x4096xf32, #tpu.memory_space<vmem>> -> memref<4096xf32, #tpu.memory_space<vmem>>
        %dma_wait3A_1061 = arith.constant 0 : i32
        %dma_wait3A_1062 = tpu.memref_slice %arg4[%dma_wait3A_1054, %dma_wait3A_1055, %dma_wait3A_1061] : memref<50x4x131072xf32, #tpu.memory_space<hbm>> -> memref<1x1x4096xf32, #tpu.memory_space<hbm>>
        %dma_wait3A_1063 = tpu.memref_squeeze %dma_wait3A_1062 : memref<1x1x4096xf32, #tpu.memory_space<hbm>> -> memref<4096xf32, #tpu.memory_space<hbm>>
        %dma_wait3A_1064 = tpu.memref_slice %arg9[%dma_wait3A_1057] : memref<3x!tpu.dma_semaphore, #tpu.memory_space<semaphore_mem>> -> memref<1x!tpu.dma_semaphore, #tpu.memory_space<semaphore_mem>>
        %dma_wait3A_1065 = tpu.memref_squeeze %dma_wait3A_1064 : memref<1x!tpu.dma_semaphore, #tpu.memory_space<semaphore_mem>> -> memref<!tpu.dma_semaphore, #tpu.memory_space<semaphore_mem>>
        %dma_wait3A_1066 = arith.constant 4096 : i32
        %dma_wait3A_1067 = tpu.memref_slice %arg7[%dma_wait3A_1056, %dma_wait3A_1066] : memref<3x16384xf32, #tpu.memory_space<vmem>> -> memref<1x4096xf32, #tpu.memory_space<vmem>>
        %dma_wait3A_1068 = tpu.memref_squeeze %dma_wait3A_1067 : memref<1x4096xf32, #tpu.memory_space<vmem>> -> memref<4096xf32, #tpu.memory_space<vmem>>
        %dma_wait3A_1069 = arith.constant 0 : i32
        %dma_wait3A_1070 = tpu.memref_slice %arg4[%dma_wait3A_1054, %dma_wait3A_1055, %dma_wait3A_1069] : memref<50x4x131072xf32, #tpu.memory_space<hbm>> -> memref<1x1x4096xf32, #tpu.memory_space<hbm>>
        %dma_wait3A_1071 = tpu.memref_squeeze %dma_wait3A_1070 : memref<1x1x4096xf32, #tpu.memory_space<hbm>> -> memref<4096xf32, #tpu.memory_space<hbm>>
        tpu.wait_dma2 semaphore(%dma_wait3A_1065 : memref<!tpu.dma_semaphore, #tpu.memory_space<semaphore_mem>>) src(%dma_wait3A_1071 : memref<4096xf32, #tpu.memory_space<hbm>>) dst(%dma_wait3A_1068 : memref<4096xf32, #tpu.memory_space<vmem>>)
        %dma_wait3A_1072 = arith.constant 0 : i32
        %dma_wait3A_1073 = arith.constant 0 : i32
        %dma_wait3A_1074 = arith.constant 0 : i32
        %dma_wait3A_1075 = arith.constant 0 : i32
        %dma_wait3A_1076 = arith.constant 8192 : i32
        %dma_wait3A_1077 = tpu.memref_slice %arg7[%dma_wait3A_1074, %dma_wait3A_1076] : memref<3x16384xf32, #tpu.memory_space<vmem>> -> memref<1x4096xf32, #tpu.memory_space<vmem>>
        %dma_wait3A_1078 = tpu.memref_squeeze %dma_wait3A_1077 : memref<1x4096xf32, #tpu.memory_space<vmem>> -> memref<4096xf32, #tpu.memory_space<vmem>>
        %dma_wait3A_1079 = arith.constant 0 : i32
        %dma_wait3A_1080 = tpu.memref_slice %arg4[%dma_wait3A_1072, %dma_wait3A_1073, %dma_wait3A_1079] : memref<50x4x131072xf32, #tpu.memory_space<hbm>> -> memref<1x1x4096xf32, #tpu.memory_space<hbm>>
        %dma_wait3A_1081 = tpu.memref_squeeze %dma_wait3A_1080 : memref<1x1x4096xf32, #tpu.memory_space<hbm>> -> memref<4096xf32, #tpu.memory_space<hbm>>
        %dma_wait3A_1082 = tpu.memref_slice %arg9[%dma_wait3A_1075] : memref<3x!tpu.dma_semaphore, #tpu.memory_space<semaphore_mem>> -> memref<1x!tpu.dma_semaphore, #tpu.memory_space<semaphore_mem>>
        %dma_wait3A_1083 = tpu.memref_squeeze %dma_wait3A_1082 : memref<1x!tpu.dma_semaphore, #tpu.memory_space<semaphore_mem>> -> memref<!tpu.dma_semaphore, #tpu.memory_space<semaphore_mem>>
        %dma_wait3A_1084 = arith.constant 8192 : i32
        %dma_wait3A_1085 = tpu.memref_slice %arg7[%dma_wait3A_1074, %dma_wait3A_1084] : memref<3x16384xf32, #tpu.memory_space<vmem>> -> memref<1x4096xf32, #tpu.memory_space<vmem>>
        %dma_wait3A_1086 = tpu.memref_squeeze %dma_wait3A_1085 : memref<1x4096xf32, #tpu.memory_space<vmem>> -> memref<4096xf32, #tpu.memory_space<vmem>>
        %dma_wait3A_1087 = arith.constant 0 : i32
        %dma_wait3A_1088 = tpu.memref_slice %arg4[%dma_wait3A_1072, %dma_wait3A_1073, %dma_wait3A_1087] : memref<50x4x131072xf32, #tpu.memory_space<hbm>> -> memref<1x1x4096xf32, #tpu.memory_space<hbm>>
        %dma_wait3A_1089 = tpu.memref_squeeze %dma_wait3A_1088 : memref<1x1x4096xf32, #tpu.memory_space<hbm>> -> memref<4096xf32, #tpu.memory_space<hbm>>
        tpu.wait_dma2 semaphore(%dma_wait3A_1083 : memref<!tpu.dma_semaphore, #tpu.memory_space<semaphore_mem>>) src(%dma_wait3A_1089 : memref<4096xf32, #tpu.memory_space<hbm>>) dst(%dma_wait3A_1086 : memref<4096xf32, #tpu.memory_space<vmem>>)
        %dma_wait3A_1090 = arith.constant 0 : i32
        %dma_wait3A_1091 = arith.constant 0 : i32
        %dma_wait3A_1092 = arith.constant 0 : i32
        %dma_wait3A_1093 = arith.constant 0 : i32
        %dma_wait3A_1094 = arith.constant 12288 : i32
        %dma_wait3A_1095 = tpu.memref_slice %arg7[%dma_wait3A_1092, %dma_wait3A_1094] : memref<3x16384xf32, #tpu.memory_space<vmem>> -> memref<1x4096xf32, #tpu.memory_space<vmem>>
        %dma_wait3A_1096 = tpu.memref_squeeze %dma_wait3A_1095 : memref<1x4096xf32, #tpu.memory_space<vmem>> -> memref<4096xf32, #tpu.memory_space<vmem>>
        %dma_wait3A_1097 = arith.constant 0 : i32
        %dma_wait3A_1098 = tpu.memref_slice %arg4[%dma_wait3A_1090, %dma_wait3A_1091, %dma_wait3A_1097] : memref<50x4x131072xf32, #tpu.memory_space<hbm>> -> memref<1x1x4096xf32, #tpu.memory_space<hbm>>
        %dma_wait3A_1099 = tpu.memref_squeeze %dma_wait3A_1098 : memref<1x1x4096xf32, #tpu.memory_space<hbm>> -> memref<4096xf32, #tpu.memory_space<hbm>>
        %dma_wait3A_1100 = tpu.memref_slice %arg9[%dma_wait3A_1093] : memref<3x!tpu.dma_semaphore, #tpu.memory_space<semaphore_mem>> -> memref<1x!tpu.dma_semaphore, #tpu.memory_space<semaphore_mem>>
        %dma_wait3A_1101 = tpu.memref_squeeze %dma_wait3A_1100 : memref<1x!tpu.dma_semaphore, #tpu.memory_space<semaphore_mem>> -> memref<!tpu.dma_semaphore, #tpu.memory_space<semaphore_mem>>
        %dma_wait3A_1102 = arith.constant 12288 : i32
        %dma_wait3A_1103 = tpu.memref_slice %arg7[%dma_wait3A_1092, %dma_wait3A_1102] : memref<3x16384xf32, #tpu.memory_space<vmem>> -> memref<1x4096xf32, #tpu.memory_space<vmem>>
        %dma_wait3A_1104 = tpu.memref_squeeze %dma_wait3A_1103 : memref<1x4096xf32, #tpu.memory_space<vmem>> -> memref<4096xf32, #tpu.memory_space<vmem>>
        %dma_wait3A_1105 = arith.constant 0 : i32
        %dma_wait3A_1106 = tpu.memref_slice %arg4[%dma_wait3A_1090, %dma_wait3A_1091, %dma_wait3A_1105] : memref<50x4x131072xf32, #tpu.memory_space<hbm>> -> memref<1x1x4096xf32, #tpu.memory_space<hbm>>
        %dma_wait3A_1107 = tpu.memref_squeeze %dma_wait3A_1106 : memref<1x1x4096xf32, #tpu.memory_space<hbm>> -> memref<4096xf32, #tpu.memory_space<hbm>>
        tpu.wait_dma2 semaphore(%dma_wait3A_1101 : memref<!tpu.dma_semaphore, #tpu.memory_space<semaphore_mem>>) src(%dma_wait3A_1107 : memref<4096xf32, #tpu.memory_space<hbm>>) dst(%dma_wait3A_1104 : memref<4096xf32, #tpu.memory_space<vmem>>)
      } else {
      }
      %parallel_loop3A_683 = arith.constant 0 : i32
      %parallel_loop3A_684 = arith.constant 512 : i32
      %parallel_loop3A_685 = arith.constant 1 : i32
      scf.for %parallel_loop3A_1036 = %parallel_loop3A_683 to %parallel_loop3A_684 step %parallel_loop3A_685  : i32 {
        %parallel_loop3A_1037 = arith.constant 7 : i32
        %parallel_loop3A_1038 = arith.shrsi %parallel_loop3A_1036, %parallel_loop3A_1037 : i32
        %parallel_loop3A_1039 = arith.constant 1024 : i32
        %parallel_loop3A_1040 = arith.muli %parallel_loop3A_1038, %parallel_loop3A_1039 : i32
        %parallel_loop3A_1041 = arith.constant 127 : i32
        %parallel_loop3A_1042 = arith.andi %parallel_loop3A_1036, %parallel_loop3A_1041 : i32
        %parallel_loop3A_1043 = arith.addi %parallel_loop3A_1040, %parallel_loop3A_1042 : i32
        %parallel_loop3A_1044 = arith.constant 0 : i32
        %parallel_loop3A_1045 = arith.index_cast %parallel_loop3A_1044 : i32 to index
        %parallel_loop3A_1046 = arith.index_cast %parallel_loop3A_1036 : i32 to index
        %parallel_loop3A_1047 = arith.constant 0 : index
        %parallel_loop3A_1048 = tpu.vector_load %arg6[%parallel_loop3A_1045, %parallel_loop3A_1046, %parallel_loop3A_1047] {strides = array<i32>} : memref<3x512x32xf32, #tpu.memory_space<vmem>>, vector<16xf32>,
        %parallel_loop3A_1049 = vector.broadcast %parallel_loop3A_1043 : i32 to vector<16xi32>
        %parallel_loop3A_1050 = arith.addi %add3A_21, %parallel_loop3A_1049 : vector<16xi32>
        %parallel_loop3A_1051 = arith.constant 0 : i32
        %parallel_loop3A_1052 = arith.constant 0 : i32
        %parallel_loop3A_1053 = tpu.memref_slice %arg7[%parallel_loop3A_1051, %parallel_loop3A_1052] : memref<3x16384xf32, #tpu.memory_space<vmem>> -> memref<1x16384xf32, #tpu.memory_space<vmem>>
        %parallel_loop3A_1054 = tpu.memref_squeeze %parallel_loop3A_1053 : memref<1x16384xf32, #tpu.memory_space<vmem>> -> memref<16384xf32, #tpu.memory_space<vmem>>
        tpu.vector_store_idx %parallel_loop3A_1054[%parallel_loop3A_1050], %parallel_loop3A_1048 : memref<16384xf32, #tpu.memory_space<vmem>>[vector<16xi32>], vector<16xf32>,
        %parallel_loop3A_1055 = arith.constant 0 : i32
        %parallel_loop3A_1056 = arith.index_cast %parallel_loop3A_1055 : i32 to index
        %parallel_loop3A_1057 = arith.index_cast %parallel_loop3A_1036 : i32 to index
        %parallel_loop3A_1058 = arith.constant 16 : index
        %parallel_loop3A_1059 = tpu.vector_load %arg6[%parallel_loop3A_1056, %parallel_loop3A_1057, %parallel_loop3A_1058] {strides = array<i32>} : memref<3x512x32xf32, #tpu.memory_space<vmem>>, vector<16xf32>,
        %parallel_loop3A_1060 = vector.broadcast %parallel_loop3A_1043 : i32 to vector<16xi32>
        %parallel_loop3A_1061 = arith.addi %add3A_40, %parallel_loop3A_1060 : vector<16xi32>
        %parallel_loop3A_1062 = arith.constant 0 : i32
        %parallel_loop3A_1063 = arith.constant 0 : i32
        %parallel_loop3A_1064 = tpu.memref_slice %arg7[%parallel_loop3A_1062, %parallel_loop3A_1063] : memref<3x16384xf32, #tpu.memory_space<vmem>> -> memref<1x16384xf32, #tpu.memory_space<vmem>>
        %parallel_loop3A_1065 = tpu.memref_squeeze %parallel_loop3A_1064 : memref<1x16384xf32, #tpu.memory_space<vmem>> -> memref<16384xf32, #tpu.memory_space<vmem>>
        tpu.vector_store_idx %parallel_loop3A_1065[%parallel_loop3A_1061], %parallel_loop3A_1059 : memref<16384xf32, #tpu.memory_space<vmem>>[vector<16xi32>], vector<16xf32>,
      } {sc.loop_unroll_factor = 16 : i64, sc.parallel_access}
      %add3A_686 = arith.addi %mul3A_4, %add3A_662 : i32
      %jit3A_687 = arith.constant 32 : i32
      %div3A_688 = arith.divsi %add3A_686, %jit3A_687 : i32
      %sign3A_689 = arith.constant 0 : i32
      %sign3A_690 = arith.cmpi sgt, %add3A_686, %sign3A_689 : i32
      %sign3A_691 = arith.extui %sign3A_690 : i1 to i32
      %sign3A_692 = arith.constant 0 : i32
      %sign3A_693 = arith.cmpi slt, %add3A_686, %sign3A_692 : i32
      %sign3A_694 = arith.extui %sign3A_693 : i1 to i32
      %sign3A_695 = arith.subi %sign3A_691, %sign3A_694 : i32
      %sign3A_696 = arith.constant 0 : i32
      %sign3A_697 = arith.cmpi sgt, %jit3A_687, %sign3A_696 : i32
      %sign3A_698 = arith.extui %sign3A_697 : i1 to i32
      %sign3A_699 = arith.constant 0 : i32
      %sign3A_700 = arith.cmpi slt, %jit3A_687, %sign3A_699 : i32
      %sign3A_701 = arith.extui %sign3A_700 : i1 to i32
      %sign3A_702 = arith.subi %sign3A_698, %sign3A_701 : i32
      %ne3A_703 = arith.cmpi ne, %sign3A_695, %sign3A_702 : i32
      %rem3A_704 = arith.remsi %add3A_686, %jit3A_687 : i32
      %ne3A_705 = arith.constant 0 : i32
      %ne3A_706 = arith.cmpi ne, %rem3A_704, %ne3A_705 : i32
      %and3A_707 = arith.andi %ne3A_703, %ne3A_706 : i1
      %sub3A_708 = arith.constant 1 : i32
      %sub3A_709 = arith.subi %div3A_688, %sub3A_708 : i32
      %select_n3A_710 = arith.select %and3A_707, %sub3A_709, %div3A_688 : i32
      %mul3A_711 = arith.constant 32 : i32
      %mul3A_712 = arith.muli %select_n3A_710, %mul3A_711 : i32
      %sub3A_713 = arith.subi %add3A_686, %mul3A_712 : i32
      %mul3A_714 = arith.constant 4096 : i32
      %mul3A_715 = arith.muli %sub3A_713, %mul3A_714 : i32
      %dma_start3A_716 = arith.constant 0 : i32
      %dma_start3A_717 = arith.constant 0 : i32
      %dma_start3A_718 = arith.constant 0 : i32
      %dma_start3A_719 = arith.constant 0 : i32
      %dma_start3A_720 = tpu.memref_slice %arg7[%dma_start3A_716, %dma_start3A_719] : memref<3x16384xf32, #tpu.memory_space<vmem>> -> memref<1x4096xf32, #tpu.memory_space<vmem>>
      %dma_start3A_721 = tpu.memref_squeeze %dma_start3A_720 : memref<1x4096xf32, #tpu.memory_space<vmem>> -> memref<4096xf32, #tpu.memory_space<vmem>>
      %dma_start3A_722 = tpu.memref_slice %arg4[%select_n3A_710, %dma_start3A_717, %mul3A_715] : memref<50x4x131072xf32, #tpu.memory_space<hbm>> -> memref<1x1x4096xf32, #tpu.memory_space<hbm>>
      %dma_start3A_723 = tpu.memref_squeeze %dma_start3A_722 : memref<1x1x4096xf32, #tpu.memory_space<hbm>> -> memref<4096xf32, #tpu.memory_space<hbm>>
      %dma_start3A_724 = tpu.memref_slice %arg9[%dma_start3A_718] : memref<3x!tpu.dma_semaphore, #tpu.memory_space<semaphore_mem>> -> memref<1x!tpu.dma_semaphore, #tpu.memory_space<semaphore_mem>>
      %dma_start3A_725 = tpu.memref_squeeze %dma_start3A_724 : memref<1x!tpu.dma_semaphore, #tpu.memory_space<semaphore_mem>> -> memref<!tpu.dma_semaphore, #tpu.memory_space<semaphore_mem>>
      %dma_start3A_726 = tpu.memref_slice %arg4[%select_n3A_710, %dma_start3A_717, %mul3A_715] : memref<50x4x131072xf32, #tpu.memory_space<hbm>> -> memref<1x1x4096xf32, #tpu.memory_space<hbm>>
      %dma_start3A_727 = tpu.memref_squeeze %dma_start3A_726 : memref<1x1x4096xf32, #tpu.memory_space<hbm>> -> memref<4096xf32, #tpu.memory_space<hbm>>
      %dma_start3A_728 = arith.constant 0 : i32
      %dma_start3A_729 = tpu.memref_slice %arg7[%dma_start3A_716, %dma_start3A_728] : memref<3x16384xf32, #tpu.memory_space<vmem>> -> memref<1x4096xf32, #tpu.memory_space<vmem>>
      %dma_start3A_730 = tpu.memref_squeeze %dma_start3A_729 : memref<1x4096xf32, #tpu.memory_space<vmem>> -> memref<4096xf32, #tpu.memory_space<vmem>>
      tpu.enqueue_dma source(%dma_start3A_730 : memref<4096xf32, #tpu.memory_space<vmem>>) target(%dma_start3A_727 : memref<4096xf32, #tpu.memory_space<hbm>>) target_semaphore(%dma_start3A_725 : memref<!tpu.dma_semaphore, #tpu.memory_space<semaphore_mem>>)
      %dma_start3A_731 = arith.constant 0 : i32
      %dma_start3A_732 = arith.constant 1 : i32
      %dma_start3A_733 = arith.constant 0 : i32
      %dma_start3A_734 = arith.constant 4096 : i32
      %dma_start3A_735 = tpu.memref_slice %arg7[%dma_start3A_731, %dma_start3A_734] : memref<3x16384xf32, #tpu.memory_space<vmem>> -> memref<1x4096xf32, #tpu.memory_space<vmem>>
      %dma_start3A_736 = tpu.memref_squeeze %dma_start3A_735 : memref<1x4096xf32, #tpu.memory_space<vmem>> -> memref<4096xf32, #tpu.memory_space<vmem>>
      %dma_start3A_737 = tpu.memref_slice %arg4[%select_n3A_710, %dma_start3A_732, %mul3A_715] : memref<50x4x131072xf32, #tpu.memory_space<hbm>> -> memref<1x1x4096xf32, #tpu.memory_space<hbm>>
      %dma_start3A_738 = tpu.memref_squeeze %dma_start3A_737 : memref<1x1x4096xf32, #tpu.memory_space<hbm>> -> memref<4096xf32, #tpu.memory_space<hbm>>
      %dma_start3A_739 = tpu.memref_slice %arg9[%dma_start3A_733] : memref<3x!tpu.dma_semaphore, #tpu.memory_space<semaphore_mem>> -> memref<1x!tpu.dma_semaphore, #tpu.memory_space<semaphore_mem>>
      %dma_start3A_740 = tpu.memref_squeeze %dma_start3A_739 : memref<1x!tpu.dma_semaphore, #tpu.memory_space<semaphore_mem>> -> memref<!tpu.dma_semaphore, #tpu.memory_space<semaphore_mem>>
      %dma_start3A_741 = tpu.memref_slice %arg4[%select_n3A_710, %dma_start3A_732, %mul3A_715] : memref<50x4x131072xf32, #tpu.memory_space<hbm>> -> memref<1x1x4096xf32, #tpu.memory_space<hbm>>
      %dma_start3A_742 = tpu.memref_squeeze %dma_start3A_741 : memref<1x1x4096xf32, #tpu.memory_space<hbm>> -> memref<4096xf32, #tpu.memory_space<hbm>>
      %dma_start3A_743 = arith.constant 4096 : i32
      %dma_start3A_744 = tpu.memref_slice %arg7[%dma_start3A_731, %dma_start3A_743] : memref<3x16384xf32, #tpu.memory_space<vmem>> -> memref<1x4096xf32, #tpu.memory_space<vmem>>
      %dma_start3A_745 = tpu.memref_squeeze %dma_start3A_744 : memref<1x4096xf32, #tpu.memory_space<vmem>> -> memref<4096xf32, #tpu.memory_space<vmem>>
      tpu.enqueue_dma source(%dma_start3A_745 : memref<4096xf32, #tpu.memory_space<vmem>>) target(%dma_start3A_742 : memref<4096xf32, #tpu.memory_space<hbm>>) target_semaphore(%dma_start3A_740 : memref<!tpu.dma_semaphore, #tpu.memory_space<semaphore_mem>>)
      %dma_start3A_746 = arith.constant 0 : i32
      %dma_start3A_747 = arith.constant 2 : i32
      %dma_start3A_748 = arith.constant 0 : i32
      %dma_start3A_749 = arith.constant 8192 : i32
      %dma_start3A_750 = tpu.memref_slice %arg7[%dma_start3A_746, %dma_start3A_749] : memref<3x16384xf32, #tpu.memory_space<vmem>> -> memref<1x4096xf32, #tpu.memory_space<vmem>>
      %dma_start3A_751 = tpu.memref_squeeze %dma_start3A_750 : memref<1x4096xf32, #tpu.memory_space<vmem>> -> memref<4096xf32, #tpu.memory_space<vmem>>
      %dma_start3A_752 = tpu.memref_slice %arg4[%select_n3A_710, %dma_start3A_747, %mul3A_715] : memref<50x4x131072xf32, #tpu.memory_space<hbm>> -> memref<1x1x4096xf32, #tpu.memory_space<hbm>>
      %dma_start3A_753 = tpu.memref_squeeze %dma_start3A_752 : memref<1x1x4096xf32, #tpu.memory_space<hbm>> -> memref<4096xf32, #tpu.memory_space<hbm>>
      %dma_start3A_754 = tpu.memref_slice %arg9[%dma_start3A_748] : memref<3x!tpu.dma_semaphore, #tpu.memory_space<semaphore_mem>> -> memref<1x!tpu.dma_semaphore, #tpu.memory_space<semaphore_mem>>
      %dma_start3A_755 = tpu.memref_squeeze %dma_start3A_754 : memref<1x!tpu.dma_semaphore, #tpu.memory_space<semaphore_mem>> -> memref<!tpu.dma_semaphore, #tpu.memory_space<semaphore_mem>>
      %dma_start3A_756 = tpu.memref_slice %arg4[%select_n3A_710, %dma_start3A_747, %mul3A_715] : memref<50x4x131072xf32, #tpu.memory_space<hbm>> -> memref<1x1x4096xf32, #tpu.memory_space<hbm>>
      %dma_start3A_757 = tpu.memref_squeeze %dma_start3A_756 : memref<1x1x4096xf32, #tpu.memory_space<hbm>> -> memref<4096xf32, #tpu.memory_space<hbm>>
      %dma_start3A_758 = arith.constant 8192 : i32
      %dma_start3A_759 = tpu.memref_slice %arg7[%dma_start3A_746, %dma_start3A_758] : memref<3x16384xf32, #tpu.memory_space<vmem>> -> memref<1x4096xf32, #tpu.memory_space<vmem>>
      %dma_start3A_760 = tpu.memref_squeeze %dma_start3A_759 : memref<1x4096xf32, #tpu.memory_space<vmem>> -> memref<4096xf32, #tpu.memory_space<vmem>>
      tpu.enqueue_dma source(%dma_start3A_760 : memref<4096xf32, #tpu.memory_space<vmem>>) target(%dma_start3A_757 : memref<4096xf32, #tpu.memory_space<hbm>>) target_semaphore(%dma_start3A_755 : memref<!tpu.dma_semaphore, #tpu.memory_space<semaphore_mem>>)
      %dma_start3A_761 = arith.constant 0 : i32
      %dma_start3A_762 = arith.constant 3 : i32
      %dma_start3A_763 = arith.constant 0 : i32
      %dma_start3A_764 = arith.constant 12288 : i32
      %dma_start3A_765 = tpu.memref_slice %arg7[%dma_start3A_761, %dma_start3A_764] : memref<3x16384xf32, #tpu.memory_space<vmem>> -> memref<1x4096xf32, #tpu.memory_space<vmem>>
      %dma_start3A_766 = tpu.memref_squeeze %dma_start3A_765 : memref<1x4096xf32, #tpu.memory_space<vmem>> -> memref<4096xf32, #tpu.memory_space<vmem>>
      %dma_start3A_767 = tpu.memref_slice %arg4[%select_n3A_710, %dma_start3A_762, %mul3A_715] : memref<50x4x131072xf32, #tpu.memory_space<hbm>> -> memref<1x1x4096xf32, #tpu.memory_space<hbm>>
      %dma_start3A_768 = tpu.memref_squeeze %dma_start3A_767 : memref<1x1x4096xf32, #tpu.memory_space<hbm>> -> memref<4096xf32, #tpu.memory_space<hbm>>
      %dma_start3A_769 = tpu.memref_slice %arg9[%dma_start3A_763] : memref<3x!tpu.dma_semaphore, #tpu.memory_space<semaphore_mem>> -> memref<1x!tpu.dma_semaphore, #tpu.memory_space<semaphore_mem>>
      %dma_start3A_770 = tpu.memref_squeeze %dma_start3A_769 : memref<1x!tpu.dma_semaphore, #tpu.memory_space<semaphore_mem>> -> memref<!tpu.dma_semaphore, #tpu.memory_space<semaphore_mem>>
      %dma_start3A_771 = tpu.memref_slice %arg4[%select_n3A_710, %dma_start3A_762, %mul3A_715] : memref<50x4x131072xf32, #tpu.memory_space<hbm>> -> memref<1x1x4096xf32, #tpu.memory_space<hbm>>
      %dma_start3A_772 = tpu.memref_squeeze %dma_start3A_771 : memref<1x1x4096xf32, #tpu.memory_space<hbm>> -> memref<4096xf32, #tpu.memory_space<hbm>>
      %dma_start3A_773 = arith.constant 12288 : i32
      %dma_start3A_774 = tpu.memref_slice %arg7[%dma_start3A_761, %dma_start3A_773] : memref<3x16384xf32, #tpu.memory_space<vmem>> -> memref<1x4096xf32, #tpu.memory_space<vmem>>
      %dma_start3A_775 = tpu.memref_squeeze %dma_start3A_774 : memref<1x4096xf32, #tpu.memory_space<vmem>> -> memref<4096xf32, #tpu.memory_space<vmem>>
      tpu.enqueue_dma source(%dma_start3A_775 : memref<4096xf32, #tpu.memory_space<vmem>>) target(%dma_start3A_772 : memref<4096xf32, #tpu.memory_space<hbm>>) target_semaphore(%dma_start3A_770 : memref<!tpu.dma_semaphore, #tpu.memory_space<semaphore_mem>>)
      %add3A_776 = arith.constant 3 : i32
      %add3A_777 = arith.addi %add3A_662, %add3A_776 : i32
      %lt3A = arith.constant 50 : i32
      %lt3A_778 = arith.cmpi slt, %add3A_777, %lt3A : i32
      %convert_element_type3A_779 = arith.extui %lt3A_778 : i1 to i32
      %cond3A_780 = arith.constant 0 : i32
      %cond3A_781 = arith.cmpi ne, %convert_element_type3A_779, %cond3A_780 : i32
      scf.if %cond3A_781 {
        %mul3A_1036 = arith.constant 512 : i32
        %mul3A_1037 = arith.muli %add3A_777, %mul3A_1036 : i32
        %dma_start3A_1038 = arith.constant 0 : i32
        %dma_start3A_1039 = arith.constant 0 : i32
        %dma_start3A_1040 = arith.constant 0 : i32
        %dma_start3A_1041 = arith.constant 0 : i32
        %dma_start3A_1042 = tpu.memref_slice %arg6[%dma_start3A_1038, %dma_start3A_1040, %dma_start3A_1041] : memref<3x512x32xf32, #tpu.memory_space<vmem>> -> memref<1x512x32xf32, #tpu.memory_space<vmem>>
        %dma_start3A_1043 = tpu.memref_squeeze %dma_start3A_1042 : memref<1x512x32xf32, #tpu.memory_space<vmem>> -> memref<512x32xf32, #tpu.memory_space<vmem>>
        %dma_start3A_1044 = tpu.memref_slice %arg5[%mul3A_1037] : memref<25600xi32, #tpu.memory_space<vmem>> -> memref<512xi32, #tpu.memory_space<vmem>>
        %dma_start3A_1045 = arith.constant 0 : i32
        %dma_start3A_1046 = arith.constant 0 : i32
        %dma_start3A_1047 = tpu.memref_slice %arg2[%dma_start3A_1045, %dma_start3A_1046] : memref<1000000x32xf32, #tpu.memory_space<hbm>> -> memref<1000000x32xf32, #tpu.memory_space<hbm>>
        %dma_start3A_1048 = tpu.memref_slice %arg8[%dma_start3A_1039] : memref<3x!tpu.dma_semaphore, #tpu.memory_space<semaphore_mem>> -> memref<1x!tpu.dma_semaphore, #tpu.memory_space<semaphore_mem>>
        %dma_start3A_1049 = tpu.memref_squeeze %dma_start3A_1048 : memref<1x!tpu.dma_semaphore, #tpu.memory_space<semaphore_mem>> -> memref<!tpu.dma_semaphore, #tpu.memory_space<semaphore_mem>>
        tpu.enqueue_indirect_dma source(%dma_start3A_1047 : memref<1000000x32xf32, #tpu.memory_space<hbm>>) target(%dma_start3A_1043 : memref<512x32xf32, #tpu.memory_space<vmem>>) offsets(%dma_start3A_1044 : memref<512xi32, #tpu.memory_space<vmem>>) semaphore(%dma_start3A_1049 : memref<!tpu.dma_semaphore, #tpu.memory_space<semaphore_mem>>)
      } else {
      }
      %mul3A_782 = arith.constant 3 : i32
      %mul3A_783 = arith.muli %scan3A_658, %mul3A_782 : i32
      %add3A_784 = arith.constant 1 : i32
      %add3A_785 = arith.addi %mul3A_783, %add3A_784 : i32
      %dma_wait3A_786 = arith.constant 1 : i32
      %dma_wait3A_787 = arith.constant 1 : i32
      %dma_wait3A_788 = arith.constant 0 : i32
      %dma_wait3A_789 = arith.constant 0 : i32
      %dma_wait3A_790 = tpu.memref_slice %arg6[%dma_wait3A_786, %dma_wait3A_788, %dma_wait3A_789] : memref<3x512x32xf32, #tpu.memory_space<vmem>> -> memref<1x512x32xf32, #tpu.memory_space<vmem>>
      %dma_wait3A_791 = tpu.memref_squeeze %dma_wait3A_790 : memref<1x512x32xf32, #tpu.memory_space<vmem>> -> memref<512x32xf32, #tpu.memory_space<vmem>>
      %dma_wait3A_792 = arith.constant 0 : i32
      %dma_wait3A_793 = arith.constant 0 : i32
      %dma_wait3A_794 = tpu.memref_slice %arg2[%dma_wait3A_792, %dma_wait3A_793] : memref<1000000x32xf32, #tpu.memory_space<hbm>> -> memref<512x32xf32, #tpu.memory_space<hbm>>
      %dma_wait3A_795 = tpu.memref_slice %arg8[%dma_wait3A_787] : memref<3x!tpu.dma_semaphore, #tpu.memory_space<semaphore_mem>> -> memref<1x!tpu.dma_semaphore, #tpu.memory_space<semaphore_mem>>
      %dma_wait3A_796 = tpu.memref_squeeze %dma_wait3A_795 : memref<1x!tpu.dma_semaphore, #tpu.memory_space<semaphore_mem>> -> memref<!tpu.dma_semaphore, #tpu.memory_space<semaphore_mem>>
      %dma_wait3A_797 = arith.constant 0 : i32
      %dma_wait3A_798 = arith.constant 0 : i32
      %dma_wait3A_799 = tpu.memref_slice %arg6[%dma_wait3A_786, %dma_wait3A_797, %dma_wait3A_798] : memref<3x512x32xf32, #tpu.memory_space<vmem>> -> memref<1x512x32xf32, #tpu.memory_space<vmem>>
      %dma_wait3A_800 = tpu.memref_squeeze %dma_wait3A_799 : memref<1x512x32xf32, #tpu.memory_space<vmem>> -> memref<512x32xf32, #tpu.memory_space<vmem>>
      %dma_wait3A_801 = arith.constant 0 : i32
      %dma_wait3A_802 = arith.constant 0 : i32
      %dma_wait3A_803 = tpu.memref_slice %arg2[%dma_wait3A_801, %dma_wait3A_802] : memref<1000000x32xf32, #tpu.memory_space<hbm>> -> memref<512x32xf32, #tpu.memory_space<hbm>>
      tpu.wait_dma2 semaphore(%dma_wait3A_796 : memref<!tpu.dma_semaphore, #tpu.memory_space<semaphore_mem>>) src(%dma_wait3A_803 : memref<512x32xf32, #tpu.memory_space<hbm>>) dst(%dma_wait3A_800 : memref<512x32xf32, #tpu.memory_space<vmem>>)
      %gt3A_804 = arith.constant 0 : i32
      %gt3A_805 = arith.cmpi sgt, %scan3A_658, %gt3A_804 : i32
      %convert_element_type3A_806 = arith.extui %gt3A_805 : i1 to i32
      %cond3A_807 = arith.constant 0 : i32
      %cond3A_808 = arith.cmpi ne, %convert_element_type3A_806, %cond3A_807 : i32
      scf.if %cond3A_808 {
        %dma_wait3A_1036 = arith.constant 0 : i32
        %dma_wait3A_1037 = arith.constant 0 : i32
        %dma_wait3A_1038 = arith.constant 1 : i32
        %dma_wait3A_1039 = arith.constant 1 : i32
        %dma_wait3A_1040 = arith.constant 0 : i32
        %dma_wait3A_1041 = tpu.memref_slice %arg7[%dma_wait3A_1038, %dma_wait3A_1040] : memref<3x16384xf32, #tpu.memory_space<vmem>> -> memref<1x4096xf32, #tpu.memory_space<vmem>>
        %dma_wait3A_1042 = tpu.memref_squeeze %dma_wait3A_1041 : memref<1x4096xf32, #tpu.memory_space<vmem>> -> memref<4096xf32, #tpu.memory_space<vmem>>
        %dma_wait3A_1043 = arith.constant 0 : i32
        %dma_wait3A_1044 = tpu.memref_slice %arg4[%dma_wait3A_1036, %dma_wait3A_1037, %dma_wait3A_1043] : memref<50x4x131072xf32, #tpu.memory_space<hbm>> -> memref<1x1x4096xf32, #tpu.memory_space<hbm>>
        %dma_wait3A_1045 = tpu.memref_squeeze %dma_wait3A_1044 : memref<1x1x4096xf32, #tpu.memory_space<hbm>> -> memref<4096xf32, #tpu.memory_space<hbm>>
        %dma_wait3A_1046 = tpu.memref_slice %arg9[%dma_wait3A_1039] : memref<3x!tpu.dma_semaphore, #tpu.memory_space<semaphore_mem>> -> memref<1x!tpu.dma_semaphore, #tpu.memory_space<semaphore_mem>>
        %dma_wait3A_1047 = tpu.memref_squeeze %dma_wait3A_1046 : memref<1x!tpu.dma_semaphore, #tpu.memory_space<semaphore_mem>> -> memref<!tpu.dma_semaphore, #tpu.memory_space<semaphore_mem>>
        %dma_wait3A_1048 = arith.constant 0 : i32
        %dma_wait3A_1049 = tpu.memref_slice %arg7[%dma_wait3A_1038, %dma_wait3A_1048] : memref<3x16384xf32, #tpu.memory_space<vmem>> -> memref<1x4096xf32, #tpu.memory_space<vmem>>
        %dma_wait3A_1050 = tpu.memref_squeeze %dma_wait3A_1049 : memref<1x4096xf32, #tpu.memory_space<vmem>> -> memref<4096xf32, #tpu.memory_space<vmem>>
        %dma_wait3A_1051 = arith.constant 0 : i32
        %dma_wait3A_1052 = tpu.memref_slice %arg4[%dma_wait3A_1036, %dma_wait3A_1037, %dma_wait3A_1051] : memref<50x4x131072xf32, #tpu.memory_space<hbm>> -> memref<1x1x4096xf32, #tpu.memory_space<hbm>>
        %dma_wait3A_1053 = tpu.memref_squeeze %dma_wait3A_1052 : memref<1x1x4096xf32, #tpu.memory_space<hbm>> -> memref<4096xf32, #tpu.memory_space<hbm>>
        tpu.wait_dma2 semaphore(%dma_wait3A_1047 : memref<!tpu.dma_semaphore, #tpu.memory_space<semaphore_mem>>) src(%dma_wait3A_1053 : memref<4096xf32, #tpu.memory_space<hbm>>) dst(%dma_wait3A_1050 : memref<4096xf32, #tpu.memory_space<vmem>>)
        %dma_wait3A_1054 = arith.constant 0 : i32
        %dma_wait3A_1055 = arith.constant 0 : i32
        %dma_wait3A_1056 = arith.constant 1 : i32
        %dma_wait3A_1057 = arith.constant 1 : i32
        %dma_wait3A_1058 = arith.constant 4096 : i32
        %dma_wait3A_1059 = tpu.memref_slice %arg7[%dma_wait3A_1056, %dma_wait3A_1058] : memref<3x16384xf32, #tpu.memory_space<vmem>> -> memref<1x4096xf32, #tpu.memory_space<vmem>>
        %dma_wait3A_1060 = tpu.memref_squeeze %dma_wait3A_1059 : memref<1x4096xf32, #tpu.memory_space<vmem>> -> memref<4096xf32, #tpu.memory_space<vmem>>
        %dma_wait3A_1061 = arith.constant 0 : i32
        %dma_wait3A_1062 = tpu.memref_slice %arg4[%dma_wait3A_1054, %dma_wait3A_1055, %dma_wait3A_1061] : memref<50x4x131072xf32, #tpu.memory_space<hbm>> -> memref<1x1x4096xf32, #tpu.memory_space<hbm>>
        %dma_wait3A_1063 = tpu.memref_squeeze %dma_wait3A_1062 : memref<1x1x4096xf32, #tpu.memory_space<hbm>> -> memref<4096xf32, #tpu.memory_space<hbm>>
        %dma_wait3A_1064 = tpu.memref_slice %arg9[%dma_wait3A_1057] : memref<3x!tpu.dma_semaphore, #tpu.memory_space<semaphore_mem>> -> memref<1x!tpu.dma_semaphore, #tpu.memory_space<semaphore_mem>>
        %dma_wait3A_1065 = tpu.memref_squeeze %dma_wait3A_1064 : memref<1x!tpu.dma_semaphore, #tpu.memory_space<semaphore_mem>> -> memref<!tpu.dma_semaphore, #tpu.memory_space<semaphore_mem>>
        %dma_wait3A_1066 = arith.constant 4096 : i32
        %dma_wait3A_1067 = tpu.memref_slice %arg7[%dma_wait3A_1056, %dma_wait3A_1066] : memref<3x16384xf32, #tpu.memory_space<vmem>> -> memref<1x4096xf32, #tpu.memory_space<vmem>>
        %dma_wait3A_1068 = tpu.memref_squeeze %dma_wait3A_1067 : memref<1x4096xf32, #tpu.memory_space<vmem>> -> memref<4096xf32, #tpu.memory_space<vmem>>
        %dma_wait3A_1069 = arith.constant 0 : i32
        %dma_wait3A_1070 = tpu.memref_slice %arg4[%dma_wait3A_1054, %dma_wait3A_1055, %dma_wait3A_1069] : memref<50x4x131072xf32, #tpu.memory_space<hbm>> -> memref<1x1x4096xf32, #tpu.memory_space<hbm>>
        %dma_wait3A_1071 = tpu.memref_squeeze %dma_wait3A_1070 : memref<1x1x4096xf32, #tpu.memory_space<hbm>> -> memref<4096xf32, #tpu.memory_space<hbm>>
        tpu.wait_dma2 semaphore(%dma_wait3A_1065 : memref<!tpu.dma_semaphore, #tpu.memory_space<semaphore_mem>>) src(%dma_wait3A_1071 : memref<4096xf32, #tpu.memory_space<hbm>>) dst(%dma_wait3A_1068 : memref<4096xf32, #tpu.memory_space<vmem>>)
        %dma_wait3A_1072 = arith.constant 0 : i32
        %dma_wait3A_1073 = arith.constant 0 : i32
        %dma_wait3A_1074 = arith.constant 1 : i32
        %dma_wait3A_1075 = arith.constant 1 : i32
        %dma_wait3A_1076 = arith.constant 8192 : i32
        %dma_wait3A_1077 = tpu.memref_slice %arg7[%dma_wait3A_1074, %dma_wait3A_1076] : memref<3x16384xf32, #tpu.memory_space<vmem>> -> memref<1x4096xf32, #tpu.memory_space<vmem>>
        %dma_wait3A_1078 = tpu.memref_squeeze %dma_wait3A_1077 : memref<1x4096xf32, #tpu.memory_space<vmem>> -> memref<4096xf32, #tpu.memory_space<vmem>>
        %dma_wait3A_1079 = arith.constant 0 : i32
        %dma_wait3A_1080 = tpu.memref_slice %arg4[%dma_wait3A_1072, %dma_wait3A_1073, %dma_wait3A_1079] : memref<50x4x131072xf32, #tpu.memory_space<hbm>> -> memref<1x1x4096xf32, #tpu.memory_space<hbm>>
        %dma_wait3A_1081 = tpu.memref_squeeze %dma_wait3A_1080 : memref<1x1x4096xf32, #tpu.memory_space<hbm>> -> memref<4096xf32, #tpu.memory_space<hbm>>
        %dma_wait3A_1082 = tpu.memref_slice %arg9[%dma_wait3A_1075] : memref<3x!tpu.dma_semaphore, #tpu.memory_space<semaphore_mem>> -> memref<1x!tpu.dma_semaphore, #tpu.memory_space<semaphore_mem>>
        %dma_wait3A_1083 = tpu.memref_squeeze %dma_wait3A_1082 : memref<1x!tpu.dma_semaphore, #tpu.memory_space<semaphore_mem>> -> memref<!tpu.dma_semaphore, #tpu.memory_space<semaphore_mem>>
        %dma_wait3A_1084 = arith.constant 8192 : i32
        %dma_wait3A_1085 = tpu.memref_slice %arg7[%dma_wait3A_1074, %dma_wait3A_1084] : memref<3x16384xf32, #tpu.memory_space<vmem>> -> memref<1x4096xf32, #tpu.memory_space<vmem>>
        %dma_wait3A_1086 = tpu.memref_squeeze %dma_wait3A_1085 : memref<1x4096xf32, #tpu.memory_space<vmem>> -> memref<4096xf32, #tpu.memory_space<vmem>>
        %dma_wait3A_1087 = arith.constant 0 : i32
        %dma_wait3A_1088 = tpu.memref_slice %arg4[%dma_wait3A_1072, %dma_wait3A_1073, %dma_wait3A_1087] : memref<50x4x131072xf32, #tpu.memory_space<hbm>> -> memref<1x1x4096xf32, #tpu.memory_space<hbm>>
        %dma_wait3A_1089 = tpu.memref_squeeze %dma_wait3A_1088 : memref<1x1x4096xf32, #tpu.memory_space<hbm>> -> memref<4096xf32, #tpu.memory_space<hbm>>
        tpu.wait_dma2 semaphore(%dma_wait3A_1083 : memref<!tpu.dma_semaphore, #tpu.memory_space<semaphore_mem>>) src(%dma_wait3A_1089 : memref<4096xf32, #tpu.memory_space<hbm>>) dst(%dma_wait3A_1086 : memref<4096xf32, #tpu.memory_space<vmem>>)
        %dma_wait3A_1090 = arith.constant 0 : i32
        %dma_wait3A_1091 = arith.constant 0 : i32
        %dma_wait3A_1092 = arith.constant 1 : i32
        %dma_wait3A_1093 = arith.constant 1 : i32
        %dma_wait3A_1094 = arith.constant 12288 : i32
        %dma_wait3A_1095 = tpu.memref_slice %arg7[%dma_wait3A_1092, %dma_wait3A_1094] : memref<3x16384xf32, #tpu.memory_space<vmem>> -> memref<1x4096xf32, #tpu.memory_space<vmem>>
        %dma_wait3A_1096 = tpu.memref_squeeze %dma_wait3A_1095 : memref<1x4096xf32, #tpu.memory_space<vmem>> -> memref<4096xf32, #tpu.memory_space<vmem>>
        %dma_wait3A_1097 = arith.constant 0 : i32
        %dma_wait3A_1098 = tpu.memref_slice %arg4[%dma_wait3A_1090, %dma_wait3A_1091, %dma_wait3A_1097] : memref<50x4x131072xf32, #tpu.memory_space<hbm>> -> memref<1x1x4096xf32, #tpu.memory_space<hbm>>
        %dma_wait3A_1099 = tpu.memref_squeeze %dma_wait3A_1098 : memref<1x1x4096xf32, #tpu.memory_space<hbm>> -> memref<4096xf32, #tpu.memory_space<hbm>>
        %dma_wait3A_1100 = tpu.memref_slice %arg9[%dma_wait3A_1093] : memref<3x!tpu.dma_semaphore, #tpu.memory_space<semaphore_mem>> -> memref<1x!tpu.dma_semaphore, #tpu.memory_space<semaphore_mem>>
        %dma_wait3A_1101 = tpu.memref_squeeze %dma_wait3A_1100 : memref<1x!tpu.dma_semaphore, #tpu.memory_space<semaphore_mem>> -> memref<!tpu.dma_semaphore, #tpu.memory_space<semaphore_mem>>
        %dma_wait3A_1102 = arith.constant 12288 : i32
        %dma_wait3A_1103 = tpu.memref_slice %arg7[%dma_wait3A_1092, %dma_wait3A_1102] : memref<3x16384xf32, #tpu.memory_space<vmem>> -> memref<1x4096xf32, #tpu.memory_space<vmem>>
        %dma_wait3A_1104 = tpu.memref_squeeze %dma_wait3A_1103 : memref<1x4096xf32, #tpu.memory_space<vmem>> -> memref<4096xf32, #tpu.memory_space<vmem>>
        %dma_wait3A_1105 = arith.constant 0 : i32
        %dma_wait3A_1106 = tpu.memref_slice %arg4[%dma_wait3A_1090, %dma_wait3A_1091, %dma_wait3A_1105] : memref<50x4x131072xf32, #tpu.memory_space<hbm>> -> memref<1x1x4096xf32, #tpu.memory_space<hbm>>
        %dma_wait3A_1107 = tpu.memref_squeeze %dma_wait3A_1106 : memref<1x1x4096xf32, #tpu.memory_space<hbm>> -> memref<4096xf32, #tpu.memory_space<hbm>>
        tpu.wait_dma2 semaphore(%dma_wait3A_1101 : memref<!tpu.dma_semaphore, #tpu.memory_space<semaphore_mem>>) src(%dma_wait3A_1107 : memref<4096xf32, #tpu.memory_space<hbm>>) dst(%dma_wait3A_1104 : memref<4096xf32, #tpu.memory_space<vmem>>)
      } else {
      }
      %parallel_loop3A_809 = arith.constant 0 : i32
      %parallel_loop3A_810 = arith.constant 512 : i32
      %parallel_loop3A_811 = arith.constant 1 : i32
      scf.for %parallel_loop3A_1036 = %parallel_loop3A_809 to %parallel_loop3A_810 step %parallel_loop3A_811  : i32 {
        %parallel_loop3A_1037 = arith.constant 7 : i32
        %parallel_loop3A_1038 = arith.shrsi %parallel_loop3A_1036, %parallel_loop3A_1037 : i32
        %parallel_loop3A_1039 = arith.constant 1024 : i32
        %parallel_loop3A_1040 = arith.muli %parallel_loop3A_1038, %parallel_loop3A_1039 : i32
        %parallel_loop3A_1041 = arith.constant 127 : i32
        %parallel_loop3A_1042 = arith.andi %parallel_loop3A_1036, %parallel_loop3A_1041 : i32
        %parallel_loop3A_1043 = arith.addi %parallel_loop3A_1040, %parallel_loop3A_1042 : i32
        %parallel_loop3A_1044 = arith.constant 1 : i32
        %parallel_loop3A_1045 = arith.index_cast %parallel_loop3A_1044 : i32 to index
        %parallel_loop3A_1046 = arith.index_cast %parallel_loop3A_1036 : i32 to index
        %parallel_loop3A_1047 = arith.constant 0 : index
        %parallel_loop3A_1048 = tpu.vector_load %arg6[%parallel_loop3A_1045, %parallel_loop3A_1046, %parallel_loop3A_1047] {strides = array<i32>} : memref<3x512x32xf32, #tpu.memory_space<vmem>>, vector<16xf32>,
        %parallel_loop3A_1049 = vector.broadcast %parallel_loop3A_1043 : i32 to vector<16xi32>
        %parallel_loop3A_1050 = arith.addi %add3A_21, %parallel_loop3A_1049 : vector<16xi32>
        %parallel_loop3A_1051 = arith.constant 1 : i32
        %parallel_loop3A_1052 = arith.constant 0 : i32
        %parallel_loop3A_1053 = tpu.memref_slice %arg7[%parallel_loop3A_1051, %parallel_loop3A_1052] : memref<3x16384xf32, #tpu.memory_space<vmem>> -> memref<1x16384xf32, #tpu.memory_space<vmem>>
        %parallel_loop3A_1054 = tpu.memref_squeeze %parallel_loop3A_1053 : memref<1x16384xf32, #tpu.memory_space<vmem>> -> memref<16384xf32, #tpu.memory_space<vmem>>
        tpu.vector_store_idx %parallel_loop3A_1054[%parallel_loop3A_1050], %parallel_loop3A_1048 : memref<16384xf32, #tpu.memory_space<vmem>>[vector<16xi32>], vector<16xf32>,
        %parallel_loop3A_1055 = arith.constant 1 : i32
        %parallel_loop3A_1056 = arith.index_cast %parallel_loop3A_1055 : i32 to index
        %parallel_loop3A_1057 = arith.index_cast %parallel_loop3A_1036 : i32 to index
        %parallel_loop3A_1058 = arith.constant 16 : index
        %parallel_loop3A_1059 = tpu.vector_load %arg6[%parallel_loop3A_1056, %parallel_loop3A_1057, %parallel_loop3A_1058] {strides = array<i32>} : memref<3x512x32xf32, #tpu.memory_space<vmem>>, vector<16xf32>,
        %parallel_loop3A_1060 = vector.broadcast %parallel_loop3A_1043 : i32 to vector<16xi32>
        %parallel_loop3A_1061 = arith.addi %add3A_40, %parallel_loop3A_1060 : vector<16xi32>
        %parallel_loop3A_1062 = arith.constant 1 : i32
        %parallel_loop3A_1063 = arith.constant 0 : i32
        %parallel_loop3A_1064 = tpu.memref_slice %arg7[%parallel_loop3A_1062, %parallel_loop3A_1063] : memref<3x16384xf32, #tpu.memory_space<vmem>> -> memref<1x16384xf32, #tpu.memory_space<vmem>>
        %parallel_loop3A_1065 = tpu.memref_squeeze %parallel_loop3A_1064 : memref<1x16384xf32, #tpu.memory_space<vmem>> -> memref<16384xf32, #tpu.memory_space<vmem>>
        tpu.vector_store_idx %parallel_loop3A_1065[%parallel_loop3A_1061], %parallel_loop3A_1059 : memref<16384xf32, #tpu.memory_space<vmem>>[vector<16xi32>], vector<16xf32>,
      } {sc.loop_unroll_factor = 16 : i64, sc.parallel_access}
      %add3A_812 = arith.addi %mul3A_4, %add3A_785 : i32
      %jit3A_813 = arith.constant 32 : i32
      %div3A_814 = arith.divsi %add3A_812, %jit3A_813 : i32
      %sign3A_815 = arith.constant 0 : i32
      %sign3A_816 = arith.cmpi sgt, %add3A_812, %sign3A_815 : i32
      %sign3A_817 = arith.extui %sign3A_816 : i1 to i32
      %sign3A_818 = arith.constant 0 : i32
      %sign3A_819 = arith.cmpi slt, %add3A_812, %sign3A_818 : i32
      %sign3A_820 = arith.extui %sign3A_819 : i1 to i32
      %sign3A_821 = arith.subi %sign3A_817, %sign3A_820 : i32
      %sign3A_822 = arith.constant 0 : i32
      %sign3A_823 = arith.cmpi sgt, %jit3A_813, %sign3A_822 : i32
      %sign3A_824 = arith.extui %sign3A_823 : i1 to i32
      %sign3A_825 = arith.constant 0 : i32
      %sign3A_826 = arith.cmpi slt, %jit3A_813, %sign3A_825 : i32
      %sign3A_827 = arith.extui %sign3A_826 : i1 to i32
      %sign3A_828 = arith.subi %sign3A_824, %sign3A_827 : i32
      %ne3A_829 = arith.cmpi ne, %sign3A_821, %sign3A_828 : i32
      %rem3A_830 = arith.remsi %add3A_812, %jit3A_813 : i32
      %ne3A_831 = arith.constant 0 : i32
      %ne3A_832 = arith.cmpi ne, %rem3A_830, %ne3A_831 : i32
      %and3A_833 = arith.andi %ne3A_829, %ne3A_832 : i1
      %sub3A_834 = arith.constant 1 : i32
      %sub3A_835 = arith.subi %div3A_814, %sub3A_834 : i32
      %select_n3A_836 = arith.select %and3A_833, %sub3A_835, %div3A_814 : i32
      %mul3A_837 = arith.constant 32 : i32
      %mul3A_838 = arith.muli %select_n3A_836, %mul3A_837 : i32
      %sub3A_839 = arith.subi %add3A_812, %mul3A_838 : i32
      %mul3A_840 = arith.constant 4096 : i32
      %mul3A_841 = arith.muli %sub3A_839, %mul3A_840 : i32
      %dma_start3A_842 = arith.constant 1 : i32
      %dma_start3A_843 = arith.constant 0 : i32
      %dma_start3A_844 = arith.constant 1 : i32
      %dma_start3A_845 = arith.constant 0 : i32
      %dma_start3A_846 = tpu.memref_slice %arg7[%dma_start3A_842, %dma_start3A_845] : memref<3x16384xf32, #tpu.memory_space<vmem>> -> memref<1x4096xf32, #tpu.memory_space<vmem>>
      %dma_start3A_847 = tpu.memref_squeeze %dma_start3A_846 : memref<1x4096xf32, #tpu.memory_space<vmem>> -> memref<4096xf32, #tpu.memory_space<vmem>>
      %dma_start3A_848 = tpu.memref_slice %arg4[%select_n3A_836, %dma_start3A_843, %mul3A_841] : memref<50x4x131072xf32, #tpu.memory_space<hbm>> -> memref<1x1x4096xf32, #tpu.memory_space<hbm>>
      %dma_start3A_849 = tpu.memref_squeeze %dma_start3A_848 : memref<1x1x4096xf32, #tpu.memory_space<hbm>> -> memref<4096xf32, #tpu.memory_space<hbm>>
      %dma_start3A_850 = tpu.memref_slice %arg9[%dma_start3A_844] : memref<3x!tpu.dma_semaphore, #tpu.memory_space<semaphore_mem>> -> memref<1x!tpu.dma_semaphore, #tpu.memory_space<semaphore_mem>>
      %dma_start3A_851 = tpu.memref_squeeze %dma_start3A_850 : memref<1x!tpu.dma_semaphore, #tpu.memory_space<semaphore_mem>> -> memref<!tpu.dma_semaphore, #tpu.memory_space<semaphore_mem>>
      %dma_start3A_852 = tpu.memref_slice %arg4[%select_n3A_836, %dma_start3A_843, %mul3A_841] : memref<50x4x131072xf32, #tpu.memory_space<hbm>> -> memref<1x1x4096xf32, #tpu.memory_space<hbm>>
      %dma_start3A_853 = tpu.memref_squeeze %dma_start3A_852 : memref<1x1x4096xf32, #tpu.memory_space<hbm>> -> memref<4096xf32, #tpu.memory_space<hbm>>
      %dma_start3A_854 = arith.constant 0 : i32
      %dma_start3A_855 = tpu.memref_slice %arg7[%dma_start3A_842, %dma_start3A_854] : memref<3x16384xf32, #tpu.memory_space<vmem>> -> memref<1x4096xf32, #tpu.memory_space<vmem>>
      %dma_start3A_856 = tpu.memref_squeeze %dma_start3A_855 : memref<1x4096xf32, #tpu.memory_space<vmem>> -> memref<4096xf32, #tpu.memory_space<vmem>>
      tpu.enqueue_dma source(%dma_start3A_856 : memref<4096xf32, #tpu.memory_space<vmem>>) target(%dma_start3A_853 : memref<4096xf32, #tpu.memory_space<hbm>>) target_semaphore(%dma_start3A_851 : memref<!tpu.dma_semaphore, #tpu.memory_space<semaphore_mem>>)
      %dma_start3A_857 = arith.constant 1 : i32
      %dma_start3A_858 = arith.constant 1 : i32
      %dma_start3A_859 = arith.constant 1 : i32
      %dma_start3A_860 = arith.constant 4096 : i32
      %dma_start3A_861 = tpu.memref_slice %arg7[%dma_start3A_857, %dma_start3A_860] : memref<3x16384xf32, #tpu.memory_space<vmem>> -> memref<1x4096xf32, #tpu.memory_space<vmem>>
      %dma_start3A_862 = tpu.memref_squeeze %dma_start3A_861 : memref<1x4096xf32, #tpu.memory_space<vmem>> -> memref<4096xf32, #tpu.memory_space<vmem>>
      %dma_start3A_863 = tpu.memref_slice %arg4[%select_n3A_836, %dma_start3A_858, %mul3A_841] : memref<50x4x131072xf32, #tpu.memory_space<hbm>> -> memref<1x1x4096xf32, #tpu.memory_space<hbm>>
      %dma_start3A_864 = tpu.memref_squeeze %dma_start3A_863 : memref<1x1x4096xf32, #tpu.memory_space<hbm>> -> memref<4096xf32, #tpu.memory_space<hbm>>
      %dma_start3A_865 = tpu.memref_slice %arg9[%dma_start3A_859] : memref<3x!tpu.dma_semaphore, #tpu.memory_space<semaphore_mem>> -> memref<1x!tpu.dma_semaphore, #tpu.memory_space<semaphore_mem>>
      %dma_start3A_866 = tpu.memref_squeeze %dma_start3A_865 : memref<1x!tpu.dma_semaphore, #tpu.memory_space<semaphore_mem>> -> memref<!tpu.dma_semaphore, #tpu.memory_space<semaphore_mem>>
      %dma_start3A_867 = tpu.memref_slice %arg4[%select_n3A_836, %dma_start3A_858, %mul3A_841] : memref<50x4x131072xf32, #tpu.memory_space<hbm>> -> memref<1x1x4096xf32, #tpu.memory_space<hbm>>
      %dma_start3A_868 = tpu.memref_squeeze %dma_start3A_867 : memref<1x1x4096xf32, #tpu.memory_space<hbm>> -> memref<4096xf32, #tpu.memory_space<hbm>>
      %dma_start3A_869 = arith.constant 4096 : i32
      %dma_start3A_870 = tpu.memref_slice %arg7[%dma_start3A_857, %dma_start3A_869] : memref<3x16384xf32, #tpu.memory_space<vmem>> -> memref<1x4096xf32, #tpu.memory_space<vmem>>
      %dma_start3A_871 = tpu.memref_squeeze %dma_start3A_870 : memref<1x4096xf32, #tpu.memory_space<vmem>> -> memref<4096xf32, #tpu.memory_space<vmem>>
      tpu.enqueue_dma source(%dma_start3A_871 : memref<4096xf32, #tpu.memory_space<vmem>>) target(%dma_start3A_868 : memref<4096xf32, #tpu.memory_space<hbm>>) target_semaphore(%dma_start3A_866 : memref<!tpu.dma_semaphore, #tpu.memory_space<semaphore_mem>>)
      %dma_start3A_872 = arith.constant 1 : i32
      %dma_start3A_873 = arith.constant 2 : i32
      %dma_start3A_874 = arith.constant 1 : i32
      %dma_start3A_875 = arith.constant 8192 : i32
      %dma_start3A_876 = tpu.memref_slice %arg7[%dma_start3A_872, %dma_start3A_875] : memref<3x16384xf32, #tpu.memory_space<vmem>> -> memref<1x4096xf32, #tpu.memory_space<vmem>>
      %dma_start3A_877 = tpu.memref_squeeze %dma_start3A_876 : memref<1x4096xf32, #tpu.memory_space<vmem>> -> memref<4096xf32, #tpu.memory_space<vmem>>
      %dma_start3A_878 = tpu.memref_slice %arg4[%select_n3A_836, %dma_start3A_873, %mul3A_841] : memref<50x4x131072xf32, #tpu.memory_space<hbm>> -> memref<1x1x4096xf32, #tpu.memory_space<hbm>>
      %dma_start3A_879 = tpu.memref_squeeze %dma_start3A_878 : memref<1x1x4096xf32, #tpu.memory_space<hbm>> -> memref<4096xf32, #tpu.memory_space<hbm>>
      %dma_start3A_880 = tpu.memref_slice %arg9[%dma_start3A_874] : memref<3x!tpu.dma_semaphore, #tpu.memory_space<semaphore_mem>> -> memref<1x!tpu.dma_semaphore, #tpu.memory_space<semaphore_mem>>
      %dma_start3A_881 = tpu.memref_squeeze %dma_start3A_880 : memref<1x!tpu.dma_semaphore, #tpu.memory_space<semaphore_mem>> -> memref<!tpu.dma_semaphore, #tpu.memory_space<semaphore_mem>>
      %dma_start3A_882 = tpu.memref_slice %arg4[%select_n3A_836, %dma_start3A_873, %mul3A_841] : memref<50x4x131072xf32, #tpu.memory_space<hbm>> -> memref<1x1x4096xf32, #tpu.memory_space<hbm>>
      %dma_start3A_883 = tpu.memref_squeeze %dma_start3A_882 : memref<1x1x4096xf32, #tpu.memory_space<hbm>> -> memref<4096xf32, #tpu.memory_space<hbm>>
      %dma_start3A_884 = arith.constant 8192 : i32
      %dma_start3A_885 = tpu.memref_slice %arg7[%dma_start3A_872, %dma_start3A_884] : memref<3x16384xf32, #tpu.memory_space<vmem>> -> memref<1x4096xf32, #tpu.memory_space<vmem>>
      %dma_start3A_886 = tpu.memref_squeeze %dma_start3A_885 : memref<1x4096xf32, #tpu.memory_space<vmem>> -> memref<4096xf32, #tpu.memory_space<vmem>>
      tpu.enqueue_dma source(%dma_start3A_886 : memref<4096xf32, #tpu.memory_space<vmem>>) target(%dma_start3A_883 : memref<4096xf32, #tpu.memory_space<hbm>>) target_semaphore(%dma_start3A_881 : memref<!tpu.dma_semaphore, #tpu.memory_space<semaphore_mem>>)
      %dma_start3A_887 = arith.constant 1 : i32
      %dma_start3A_888 = arith.constant 3 : i32
      %dma_start3A_889 = arith.constant 1 : i32
      %dma_start3A_890 = arith.constant 12288 : i32
      %dma_start3A_891 = tpu.memref_slice %arg7[%dma_start3A_887, %dma_start3A_890] : memref<3x16384xf32, #tpu.memory_space<vmem>> -> memref<1x4096xf32, #tpu.memory_space<vmem>>
      %dma_start3A_892 = tpu.memref_squeeze %dma_start3A_891 : memref<1x4096xf32, #tpu.memory_space<vmem>> -> memref<4096xf32, #tpu.memory_space<vmem>>
      %dma_start3A_893 = tpu.memref_slice %arg4[%select_n3A_836, %dma_start3A_888, %mul3A_841] : memref<50x4x131072xf32, #tpu.memory_space<hbm>> -> memref<1x1x4096xf32, #tpu.memory_space<hbm>>
      %dma_start3A_894 = tpu.memref_squeeze %dma_start3A_893 : memref<1x1x4096xf32, #tpu.memory_space<hbm>> -> memref<4096xf32, #tpu.memory_space<hbm>>
      %dma_start3A_895 = tpu.memref_slice %arg9[%dma_start3A_889] : memref<3x!tpu.dma_semaphore, #tpu.memory_space<semaphore_mem>> -> memref<1x!tpu.dma_semaphore, #tpu.memory_space<semaphore_mem>>
      %dma_start3A_896 = tpu.memref_squeeze %dma_start3A_895 : memref<1x!tpu.dma_semaphore, #tpu.memory_space<semaphore_mem>> -> memref<!tpu.dma_semaphore, #tpu.memory_space<semaphore_mem>>
      %dma_start3A_897 = tpu.memref_slice %arg4[%select_n3A_836, %dma_start3A_888, %mul3A_841] : memref<50x4x131072xf32, #tpu.memory_space<hbm>> -> memref<1x1x4096xf32, #tpu.memory_space<hbm>>
      %dma_start3A_898 = tpu.memref_squeeze %dma_start3A_897 : memref<1x1x4096xf32, #tpu.memory_space<hbm>> -> memref<4096xf32, #tpu.memory_space<hbm>>
      %dma_start3A_899 = arith.constant 12288 : i32
      %dma_start3A_900 = tpu.memref_slice %arg7[%dma_start3A_887, %dma_start3A_899] : memref<3x16384xf32, #tpu.memory_space<vmem>> -> memref<1x4096xf32, #tpu.memory_space<vmem>>
      %dma_start3A_901 = tpu.memref_squeeze %dma_start3A_900 : memref<1x4096xf32, #tpu.memory_space<vmem>> -> memref<4096xf32, #tpu.memory_space<vmem>>
      tpu.enqueue_dma source(%dma_start3A_901 : memref<4096xf32, #tpu.memory_space<vmem>>) target(%dma_start3A_898 : memref<4096xf32, #tpu.memory_space<hbm>>) target_semaphore(%dma_start3A_896 : memref<!tpu.dma_semaphore, #tpu.memory_space<semaphore_mem>>)
      %add3A_902 = arith.constant 3 : i32
      %add3A_903 = arith.addi %add3A_785, %add3A_902 : i32
      %lt3A_904 = arith.constant 50 : i32
      %lt3A_905 = arith.cmpi slt, %add3A_903, %lt3A_904 : i32
      %convert_element_type3A_906 = arith.extui %lt3A_905 : i1 to i32
      %cond3A_907 = arith.constant 0 : i32
      %cond3A_908 = arith.cmpi ne, %convert_element_type3A_906, %cond3A_907 : i32
      scf.if %cond3A_908 {
        %mul3A_1036 = arith.constant 512 : i32
        %mul3A_1037 = arith.muli %add3A_903, %mul3A_1036 : i32
        %dma_start3A_1038 = arith.constant 1 : i32
        %dma_start3A_1039 = arith.constant 1 : i32
        %dma_start3A_1040 = arith.constant 0 : i32
        %dma_start3A_1041 = arith.constant 0 : i32
        %dma_start3A_1042 = tpu.memref_slice %arg6[%dma_start3A_1038, %dma_start3A_1040, %dma_start3A_1041] : memref<3x512x32xf32, #tpu.memory_space<vmem>> -> memref<1x512x32xf32, #tpu.memory_space<vmem>>
        %dma_start3A_1043 = tpu.memref_squeeze %dma_start3A_1042 : memref<1x512x32xf32, #tpu.memory_space<vmem>> -> memref<512x32xf32, #tpu.memory_space<vmem>>
        %dma_start3A_1044 = tpu.memref_slice %arg5[%mul3A_1037] : memref<25600xi32, #tpu.memory_space<vmem>> -> memref<512xi32, #tpu.memory_space<vmem>>
        %dma_start3A_1045 = arith.constant 0 : i32
        %dma_start3A_1046 = arith.constant 0 : i32
        %dma_start3A_1047 = tpu.memref_slice %arg2[%dma_start3A_1045, %dma_start3A_1046] : memref<1000000x32xf32, #tpu.memory_space<hbm>> -> memref<1000000x32xf32, #tpu.memory_space<hbm>>
        %dma_start3A_1048 = tpu.memref_slice %arg8[%dma_start3A_1039] : memref<3x!tpu.dma_semaphore, #tpu.memory_space<semaphore_mem>> -> memref<1x!tpu.dma_semaphore, #tpu.memory_space<semaphore_mem>>
        %dma_start3A_1049 = tpu.memref_squeeze %dma_start3A_1048 : memref<1x!tpu.dma_semaphore, #tpu.memory_space<semaphore_mem>> -> memref<!tpu.dma_semaphore, #tpu.memory_space<semaphore_mem>>
        tpu.enqueue_indirect_dma source(%dma_start3A_1047 : memref<1000000x32xf32, #tpu.memory_space<hbm>>) target(%dma_start3A_1043 : memref<512x32xf32, #tpu.memory_space<vmem>>) offsets(%dma_start3A_1044 : memref<512xi32, #tpu.memory_space<vmem>>) semaphore(%dma_start3A_1049 : memref<!tpu.dma_semaphore, #tpu.memory_space<semaphore_mem>>)
      } else {
      }
      %mul3A_909 = arith.constant 3 : i32
      %mul3A_910 = arith.muli %scan3A_658, %mul3A_909 : i32
      %add3A_911 = arith.constant 2 : i32
      %add3A_912 = arith.addi %mul3A_910, %add3A_911 : i32
      %dma_wait3A_913 = arith.constant 2 : i32
      %dma_wait3A_914 = arith.constant 2 : i32
      %dma_wait3A_915 = arith.constant 0 : i32
      %dma_wait3A_916 = arith.constant 0 : i32
      %dma_wait3A_917 = tpu.memref_slice %arg6[%dma_wait3A_913, %dma_wait3A_915, %dma_wait3A_916] : memref<3x512x32xf32, #tpu.memory_space<vmem>> -> memref<1x512x32xf32, #tpu.memory_space<vmem>>
      %dma_wait3A_918 = tpu.memref_squeeze %dma_wait3A_917 : memref<1x512x32xf32, #tpu.memory_space<vmem>> -> memref<512x32xf32, #tpu.memory_space<vmem>>
      %dma_wait3A_919 = arith.constant 0 : i32
      %dma_wait3A_920 = arith.constant 0 : i32
      %dma_wait3A_921 = tpu.memref_slice %arg2[%dma_wait3A_919, %dma_wait3A_920] : memref<1000000x32xf32, #tpu.memory_space<hbm>> -> memref<512x32xf32, #tpu.memory_space<hbm>>
      %dma_wait3A_922 = tpu.memref_slice %arg8[%dma_wait3A_914] : memref<3x!tpu.dma_semaphore, #tpu.memory_space<semaphore_mem>> -> memref<1x!tpu.dma_semaphore, #tpu.memory_space<semaphore_mem>>
      %dma_wait3A_923 = tpu.memref_squeeze %dma_wait3A_922 : memref<1x!tpu.dma_semaphore, #tpu.memory_space<semaphore_mem>> -> memref<!tpu.dma_semaphore, #tpu.memory_space<semaphore_mem>>
      %dma_wait3A_924 = arith.constant 0 : i32
      %dma_wait3A_925 = arith.constant 0 : i32
      %dma_wait3A_926 = tpu.memref_slice %arg6[%dma_wait3A_913, %dma_wait3A_924, %dma_wait3A_925] : memref<3x512x32xf32, #tpu.memory_space<vmem>> -> memref<1x512x32xf32, #tpu.memory_space<vmem>>
      %dma_wait3A_927 = tpu.memref_squeeze %dma_wait3A_926 : memref<1x512x32xf32, #tpu.memory_space<vmem>> -> memref<512x32xf32, #tpu.memory_space<vmem>>
      %dma_wait3A_928 = arith.constant 0 : i32
      %dma_wait3A_929 = arith.constant 0 : i32
      %dma_wait3A_930 = tpu.memref_slice %arg2[%dma_wait3A_928, %dma_wait3A_929] : memref<1000000x32xf32, #tpu.memory_space<hbm>> -> memref<512x32xf32, #tpu.memory_space<hbm>>
      tpu.wait_dma2 semaphore(%dma_wait3A_923 : memref<!tpu.dma_semaphore, #tpu.memory_space<semaphore_mem>>) src(%dma_wait3A_930 : memref<512x32xf32, #tpu.memory_space<hbm>>) dst(%dma_wait3A_927 : memref<512x32xf32, #tpu.memory_space<vmem>>)
      %gt3A_931 = arith.constant 0 : i32
      %gt3A_932 = arith.cmpi sgt, %scan3A_658, %gt3A_931 : i32
      %convert_element_type3A_933 = arith.extui %gt3A_932 : i1 to i32
      %cond3A_934 = arith.constant 0 : i32
      %cond3A_935 = arith.cmpi ne, %convert_element_type3A_933, %cond3A_934 : i32
      scf.if %cond3A_935 {
        %dma_wait3A_1036 = arith.constant 0 : i32
        %dma_wait3A_1037 = arith.constant 0 : i32
        %dma_wait3A_1038 = arith.constant 2 : i32
        %dma_wait3A_1039 = arith.constant 2 : i32
        %dma_wait3A_1040 = arith.constant 0 : i32
        %dma_wait3A_1041 = tpu.memref_slice %arg7[%dma_wait3A_1038, %dma_wait3A_1040] : memref<3x16384xf32, #tpu.memory_space<vmem>> -> memref<1x4096xf32, #tpu.memory_space<vmem>>
        %dma_wait3A_1042 = tpu.memref_squeeze %dma_wait3A_1041 : memref<1x4096xf32, #tpu.memory_space<vmem>> -> memref<4096xf32, #tpu.memory_space<vmem>>
        %dma_wait3A_1043 = arith.constant 0 : i32
        %dma_wait3A_1044 = tpu.memref_slice %arg4[%dma_wait3A_1036, %dma_wait3A_1037, %dma_wait3A_1043] : memref<50x4x131072xf32, #tpu.memory_space<hbm>> -> memref<1x1x4096xf32, #tpu.memory_space<hbm>>
        %dma_wait3A_1045 = tpu.memref_squeeze %dma_wait3A_1044 : memref<1x1x4096xf32, #tpu.memory_space<hbm>> -> memref<4096xf32, #tpu.memory_space<hbm>>
        %dma_wait3A_1046 = tpu.memref_slice %arg9[%dma_wait3A_1039] : memref<3x!tpu.dma_semaphore, #tpu.memory_space<semaphore_mem>> -> memref<1x!tpu.dma_semaphore, #tpu.memory_space<semaphore_mem>>
        %dma_wait3A_1047 = tpu.memref_squeeze %dma_wait3A_1046 : memref<1x!tpu.dma_semaphore, #tpu.memory_space<semaphore_mem>> -> memref<!tpu.dma_semaphore, #tpu.memory_space<semaphore_mem>>
        %dma_wait3A_1048 = arith.constant 0 : i32
        %dma_wait3A_1049 = tpu.memref_slice %arg7[%dma_wait3A_1038, %dma_wait3A_1048] : memref<3x16384xf32, #tpu.memory_space<vmem>> -> memref<1x4096xf32, #tpu.memory_space<vmem>>
        %dma_wait3A_1050 = tpu.memref_squeeze %dma_wait3A_1049 : memref<1x4096xf32, #tpu.memory_space<vmem>> -> memref<4096xf32, #tpu.memory_space<vmem>>
        %dma_wait3A_1051 = arith.constant 0 : i32
        %dma_wait3A_1052 = tpu.memref_slice %arg4[%dma_wait3A_1036, %dma_wait3A_1037, %dma_wait3A_1051] : memref<50x4x131072xf32, #tpu.memory_space<hbm>> -> memref<1x1x4096xf32, #tpu.memory_space<hbm>>
        %dma_wait3A_1053 = tpu.memref_squeeze %dma_wait3A_1052 : memref<1x1x4096xf32, #tpu.memory_space<hbm>> -> memref<4096xf32, #tpu.memory_space<hbm>>
        tpu.wait_dma2 semaphore(%dma_wait3A_1047 : memref<!tpu.dma_semaphore, #tpu.memory_space<semaphore_mem>>) src(%dma_wait3A_1053 : memref<4096xf32, #tpu.memory_space<hbm>>) dst(%dma_wait3A_1050 : memref<4096xf32, #tpu.memory_space<vmem>>)
        %dma_wait3A_1054 = arith.constant 0 : i32
        %dma_wait3A_1055 = arith.constant 0 : i32
        %dma_wait3A_1056 = arith.constant 2 : i32
        %dma_wait3A_1057 = arith.constant 2 : i32
        %dma_wait3A_1058 = arith.constant 4096 : i32
        %dma_wait3A_1059 = tpu.memref_slice %arg7[%dma_wait3A_1056, %dma_wait3A_1058] : memref<3x16384xf32, #tpu.memory_space<vmem>> -> memref<1x4096xf32, #tpu.memory_space<vmem>>
        %dma_wait3A_1060 = tpu.memref_squeeze %dma_wait3A_1059 : memref<1x4096xf32, #tpu.memory_space<vmem>> -> memref<4096xf32, #tpu.memory_space<vmem>>
        %dma_wait3A_1061 = arith.constant 0 : i32
        %dma_wait3A_1062 = tpu.memref_slice %arg4[%dma_wait3A_1054, %dma_wait3A_1055, %dma_wait3A_1061] : memref<50x4x131072xf32, #tpu.memory_space<hbm>> -> memref<1x1x4096xf32, #tpu.memory_space<hbm>>
        %dma_wait3A_1063 = tpu.memref_squeeze %dma_wait3A_1062 : memref<1x1x4096xf32, #tpu.memory_space<hbm>> -> memref<4096xf32, #tpu.memory_space<hbm>>
        %dma_wait3A_1064 = tpu.memref_slice %arg9[%dma_wait3A_1057] : memref<3x!tpu.dma_semaphore, #tpu.memory_space<semaphore_mem>> -> memref<1x!tpu.dma_semaphore, #tpu.memory_space<semaphore_mem>>
        %dma_wait3A_1065 = tpu.memref_squeeze %dma_wait3A_1064 : memref<1x!tpu.dma_semaphore, #tpu.memory_space<semaphore_mem>> -> memref<!tpu.dma_semaphore, #tpu.memory_space<semaphore_mem>>
        %dma_wait3A_1066 = arith.constant 4096 : i32
        %dma_wait3A_1067 = tpu.memref_slice %arg7[%dma_wait3A_1056, %dma_wait3A_1066] : memref<3x16384xf32, #tpu.memory_space<vmem>> -> memref<1x4096xf32, #tpu.memory_space<vmem>>
        %dma_wait3A_1068 = tpu.memref_squeeze %dma_wait3A_1067 : memref<1x4096xf32, #tpu.memory_space<vmem>> -> memref<4096xf32, #tpu.memory_space<vmem>>
        %dma_wait3A_1069 = arith.constant 0 : i32
        %dma_wait3A_1070 = tpu.memref_slice %arg4[%dma_wait3A_1054, %dma_wait3A_1055, %dma_wait3A_1069] : memref<50x4x131072xf32, #tpu.memory_space<hbm>> -> memref<1x1x4096xf32, #tpu.memory_space<hbm>>
        %dma_wait3A_1071 = tpu.memref_squeeze %dma_wait3A_1070 : memref<1x1x4096xf32, #tpu.memory_space<hbm>> -> memref<4096xf32, #tpu.memory_space<hbm>>
        tpu.wait_dma2 semaphore(%dma_wait3A_1065 : memref<!tpu.dma_semaphore, #tpu.memory_space<semaphore_mem>>) src(%dma_wait3A_1071 : memref<4096xf32, #tpu.memory_space<hbm>>) dst(%dma_wait3A_1068 : memref<4096xf32, #tpu.memory_space<vmem>>)
        %dma_wait3A_1072 = arith.constant 0 : i32
        %dma_wait3A_1073 = arith.constant 0 : i32
        %dma_wait3A_1074 = arith.constant 2 : i32
        %dma_wait3A_1075 = arith.constant 2 : i32
        %dma_wait3A_1076 = arith.constant 8192 : i32
        %dma_wait3A_1077 = tpu.memref_slice %arg7[%dma_wait3A_1074, %dma_wait3A_1076] : memref<3x16384xf32, #tpu.memory_space<vmem>> -> memref<1x4096xf32, #tpu.memory_space<vmem>>
        %dma_wait3A_1078 = tpu.memref_squeeze %dma_wait3A_1077 : memref<1x4096xf32, #tpu.memory_space<vmem>> -> memref<4096xf32, #tpu.memory_space<vmem>>
        %dma_wait3A_1079 = arith.constant 0 : i32
        %dma_wait3A_1080 = tpu.memref_slice %arg4[%dma_wait3A_1072, %dma_wait3A_1073, %dma_wait3A_1079] : memref<50x4x131072xf32, #tpu.memory_space<hbm>> -> memref<1x1x4096xf32, #tpu.memory_space<hbm>>
        %dma_wait3A_1081 = tpu.memref_squeeze %dma_wait3A_1080 : memref<1x1x4096xf32, #tpu.memory_space<hbm>> -> memref<4096xf32, #tpu.memory_space<hbm>>
        %dma_wait3A_1082 = tpu.memref_slice %arg9[%dma_wait3A_1075] : memref<3x!tpu.dma_semaphore, #tpu.memory_space<semaphore_mem>> -> memref<1x!tpu.dma_semaphore, #tpu.memory_space<semaphore_mem>>
        %dma_wait3A_1083 = tpu.memref_squeeze %dma_wait3A_1082 : memref<1x!tpu.dma_semaphore, #tpu.memory_space<semaphore_mem>> -> memref<!tpu.dma_semaphore, #tpu.memory_space<semaphore_mem>>
        %dma_wait3A_1084 = arith.constant 8192 : i32
        %dma_wait3A_1085 = tpu.memref_slice %arg7[%dma_wait3A_1074, %dma_wait3A_1084] : memref<3x16384xf32, #tpu.memory_space<vmem>> -> memref<1x4096xf32, #tpu.memory_space<vmem>>
        %dma_wait3A_1086 = tpu.memref_squeeze %dma_wait3A_1085 : memref<1x4096xf32, #tpu.memory_space<vmem>> -> memref<4096xf32, #tpu.memory_space<vmem>>
        %dma_wait3A_1087 = arith.constant 0 : i32
        %dma_wait3A_1088 = tpu.memref_slice %arg4[%dma_wait3A_1072, %dma_wait3A_1073, %dma_wait3A_1087] : memref<50x4x131072xf32, #tpu.memory_space<hbm>> -> memref<1x1x4096xf32, #tpu.memory_space<hbm>>
        %dma_wait3A_1089 = tpu.memref_squeeze %dma_wait3A_1088 : memref<1x1x4096xf32, #tpu.memory_space<hbm>> -> memref<4096xf32, #tpu.memory_space<hbm>>
        tpu.wait_dma2 semaphore(%dma_wait3A_1083 : memref<!tpu.dma_semaphore, #tpu.memory_space<semaphore_mem>>) src(%dma_wait3A_1089 : memref<4096xf32, #tpu.memory_space<hbm>>) dst(%dma_wait3A_1086 : memref<4096xf32, #tpu.memory_space<vmem>>)
        %dma_wait3A_1090 = arith.constant 0 : i32
        %dma_wait3A_1091 = arith.constant 0 : i32
        %dma_wait3A_1092 = arith.constant 2 : i32
        %dma_wait3A_1093 = arith.constant 2 : i32
        %dma_wait3A_1094 = arith.constant 12288 : i32
        %dma_wait3A_1095 = tpu.memref_slice %arg7[%dma_wait3A_1092, %dma_wait3A_1094] : memref<3x16384xf32, #tpu.memory_space<vmem>> -> memref<1x4096xf32, #tpu.memory_space<vmem>>
        %dma_wait3A_1096 = tpu.memref_squeeze %dma_wait3A_1095 : memref<1x4096xf32, #tpu.memory_space<vmem>> -> memref<4096xf32, #tpu.memory_space<vmem>>
        %dma_wait3A_1097 = arith.constant 0 : i32
        %dma_wait3A_1098 = tpu.memref_slice %arg4[%dma_wait3A_1090, %dma_wait3A_1091, %dma_wait3A_1097] : memref<50x4x131072xf32, #tpu.memory_space<hbm>> -> memref<1x1x4096xf32, #tpu.memory_space<hbm>>
        %dma_wait3A_1099 = tpu.memref_squeeze %dma_wait3A_1098 : memref<1x1x4096xf32, #tpu.memory_space<hbm>> -> memref<4096xf32, #tpu.memory_space<hbm>>
        %dma_wait3A_1100 = tpu.memref_slice %arg9[%dma_wait3A_1093] : memref<3x!tpu.dma_semaphore, #tpu.memory_space<semaphore_mem>> -> memref<1x!tpu.dma_semaphore, #tpu.memory_space<semaphore_mem>>
        %dma_wait3A_1101 = tpu.memref_squeeze %dma_wait3A_1100 : memref<1x!tpu.dma_semaphore, #tpu.memory_space<semaphore_mem>> -> memref<!tpu.dma_semaphore, #tpu.memory_space<semaphore_mem>>
        %dma_wait3A_1102 = arith.constant 12288 : i32
        %dma_wait3A_1103 = tpu.memref_slice %arg7[%dma_wait3A_1092, %dma_wait3A_1102] : memref<3x16384xf32, #tpu.memory_space<vmem>> -> memref<1x4096xf32, #tpu.memory_space<vmem>>
        %dma_wait3A_1104 = tpu.memref_squeeze %dma_wait3A_1103 : memref<1x4096xf32, #tpu.memory_space<vmem>> -> memref<4096xf32, #tpu.memory_space<vmem>>
        %dma_wait3A_1105 = arith.constant 0 : i32
        %dma_wait3A_1106 = tpu.memref_slice %arg4[%dma_wait3A_1090, %dma_wait3A_1091, %dma_wait3A_1105] : memref<50x4x131072xf32, #tpu.memory_space<hbm>> -> memref<1x1x4096xf32, #tpu.memory_space<hbm>>
        %dma_wait3A_1107 = tpu.memref_squeeze %dma_wait3A_1106 : memref<1x1x4096xf32, #tpu.memory_space<hbm>> -> memref<4096xf32, #tpu.memory_space<hbm>>
        tpu.wait_dma2 semaphore(%dma_wait3A_1101 : memref<!tpu.dma_semaphore, #tpu.memory_space<semaphore_mem>>) src(%dma_wait3A_1107 : memref<4096xf32, #tpu.memory_space<hbm>>) dst(%dma_wait3A_1104 : memref<4096xf32, #tpu.memory_space<vmem>>)
      } else {
      }
      %parallel_loop3A_936 = arith.constant 0 : i32
      %parallel_loop3A_937 = arith.constant 512 : i32
      %parallel_loop3A_938 = arith.constant 1 : i32
      scf.for %parallel_loop3A_1036 = %parallel_loop3A_936 to %parallel_loop3A_937 step %parallel_loop3A_938  : i32 {
        %parallel_loop3A_1037 = arith.constant 7 : i32
        %parallel_loop3A_1038 = arith.shrsi %parallel_loop3A_1036, %parallel_loop3A_1037 : i32
        %parallel_loop3A_1039 = arith.constant 1024 : i32
        %parallel_loop3A_1040 = arith.muli %parallel_loop3A_1038, %parallel_loop3A_1039 : i32
        %parallel_loop3A_1041 = arith.constant 127 : i32
        %parallel_loop3A_1042 = arith.andi %parallel_loop3A_1036, %parallel_loop3A_1041 : i32
        %parallel_loop3A_1043 = arith.addi %parallel_loop3A_1040, %parallel_loop3A_1042 : i32
        %parallel_loop3A_1044 = arith.constant 2 : i32
        %parallel_loop3A_1045 = arith.index_cast %parallel_loop3A_1044 : i32 to index
        %parallel_loop3A_1046 = arith.index_cast %parallel_loop3A_1036 : i32 to index
        %parallel_loop3A_1047 = arith.constant 0 : index
        %parallel_loop3A_1048 = tpu.vector_load %arg6[%parallel_loop3A_1045, %parallel_loop3A_1046, %parallel_loop3A_1047] {strides = array<i32>} : memref<3x512x32xf32, #tpu.memory_space<vmem>>, vector<16xf32>,
        %parallel_loop3A_1049 = vector.broadcast %parallel_loop3A_1043 : i32 to vector<16xi32>
        %parallel_loop3A_1050 = arith.addi %add3A_21, %parallel_loop3A_1049 : vector<16xi32>
        %parallel_loop3A_1051 = arith.constant 2 : i32
        %parallel_loop3A_1052 = arith.constant 0 : i32
        %parallel_loop3A_1053 = tpu.memref_slice %arg7[%parallel_loop3A_1051, %parallel_loop3A_1052] : memref<3x16384xf32, #tpu.memory_space<vmem>> -> memref<1x16384xf32, #tpu.memory_space<vmem>>
        %parallel_loop3A_1054 = tpu.memref_squeeze %parallel_loop3A_1053 : memref<1x16384xf32, #tpu.memory_space<vmem>> -> memref<16384xf32, #tpu.memory_space<vmem>>
        tpu.vector_store_idx %parallel_loop3A_1054[%parallel_loop3A_1050], %parallel_loop3A_1048 : memref<16384xf32, #tpu.memory_space<vmem>>[vector<16xi32>], vector<16xf32>,
        %parallel_loop3A_1055 = arith.constant 2 : i32
        %parallel_loop3A_1056 = arith.index_cast %parallel_loop3A_1055 : i32 to index
        %parallel_loop3A_1057 = arith.index_cast %parallel_loop3A_1036 : i32 to index
        %parallel_loop3A_1058 = arith.constant 16 : index
        %parallel_loop3A_1059 = tpu.vector_load %arg6[%parallel_loop3A_1056, %parallel_loop3A_1057, %parallel_loop3A_1058] {strides = array<i32>} : memref<3x512x32xf32, #tpu.memory_space<vmem>>, vector<16xf32>,
        %parallel_loop3A_1060 = vector.broadcast %parallel_loop3A_1043 : i32 to vector<16xi32>
        %parallel_loop3A_1061 = arith.addi %add3A_40, %parallel_loop3A_1060 : vector<16xi32>
        %parallel_loop3A_1062 = arith.constant 2 : i32
        %parallel_loop3A_1063 = arith.constant 0 : i32
        %parallel_loop3A_1064 = tpu.memref_slice %arg7[%parallel_loop3A_1062, %parallel_loop3A_1063] : memref<3x16384xf32, #tpu.memory_space<vmem>> -> memref<1x16384xf32, #tpu.memory_space<vmem>>
        %parallel_loop3A_1065 = tpu.memref_squeeze %parallel_loop3A_1064 : memref<1x16384xf32, #tpu.memory_space<vmem>> -> memref<16384xf32, #tpu.memory_space<vmem>>
        tpu.vector_store_idx %parallel_loop3A_1065[%parallel_loop3A_1061], %parallel_loop3A_1059 : memref<16384xf32, #tpu.memory_space<vmem>>[vector<16xi32>], vector<16xf32>,
      } {sc.loop_unroll_factor = 16 : i64, sc.parallel_access}
      %add3A_939 = arith.addi %mul3A_4, %add3A_912 : i32
      %jit3A_940 = arith.constant 32 : i32
      %div3A_941 = arith.divsi %add3A_939, %jit3A_940 : i32
      %sign3A_942 = arith.constant 0 : i32
      %sign3A_943 = arith.cmpi sgt, %add3A_939, %sign3A_942 : i32
      %sign3A_944 = arith.extui %sign3A_943 : i1 to i32
      %sign3A_945 = arith.constant 0 : i32
      %sign3A_946 = arith.cmpi slt, %add3A_939, %sign3A_945 : i32
      %sign3A_947 = arith.extui %sign3A_946 : i1 to i32
      %sign3A_948 = arith.subi %sign3A_944, %sign3A_947 : i32
      %sign3A_949 = arith.constant 0 : i32
      %sign3A_950 = arith.cmpi sgt, %jit3A_940, %sign3A_949 : i32
      %sign3A_951 = arith.extui %sign3A_950 : i1 to i32
      %sign3A_952 = arith.constant 0 : i32
      %sign3A_953 = arith.cmpi slt, %jit3A_940, %sign3A_952 : i32
      %sign3A_954 = arith.extui %sign3A_953 : i1 to i32
      %sign3A_955 = arith.subi %sign3A_951, %sign3A_954 : i32
      %ne3A_956 = arith.cmpi ne, %sign3A_948, %sign3A_955 : i32
      %rem3A_957 = arith.remsi %add3A_939, %jit3A_940 : i32
      %ne3A_958 = arith.constant 0 : i32
      %ne3A_959 = arith.cmpi ne, %rem3A_957, %ne3A_958 : i32
      %and3A_960 = arith.andi %ne3A_956, %ne3A_959 : i1
      %sub3A_961 = arith.constant 1 : i32
      %sub3A_962 = arith.subi %div3A_941, %sub3A_961 : i32
      %select_n3A_963 = arith.select %and3A_960, %sub3A_962, %div3A_941 : i32
      %mul3A_964 = arith.constant 32 : i32
      %mul3A_965 = arith.muli %select_n3A_963, %mul3A_964 : i32
      %sub3A_966 = arith.subi %add3A_939, %mul3A_965 : i32
      %mul3A_967 = arith.constant 4096 : i32
      %mul3A_968 = arith.muli %sub3A_966, %mul3A_967 : i32
      %dma_start3A_969 = arith.constant 2 : i32
      %dma_start3A_970 = arith.constant 0 : i32
      %dma_start3A_971 = arith.constant 2 : i32
      %dma_start3A_972 = arith.constant 0 : i32
      %dma_start3A_973 = tpu.memref_slice %arg7[%dma_start3A_969, %dma_start3A_972] : memref<3x16384xf32, #tpu.memory_space<vmem>> -> memref<1x4096xf32, #tpu.memory_space<vmem>>
      %dma_start3A_974 = tpu.memref_squeeze %dma_start3A_973 : memref<1x4096xf32, #tpu.memory_space<vmem>> -> memref<4096xf32, #tpu.memory_space<vmem>>
      %dma_start3A_975 = tpu.memref_slice %arg4[%select_n3A_963, %dma_start3A_970, %mul3A_968] : memref<50x4x131072xf32, #tpu.memory_space<hbm>> -> memref<1x1x4096xf32, #tpu.memory_space<hbm>>
      %dma_start3A_976 = tpu.memref_squeeze %dma_start3A_975 : memref<1x1x4096xf32, #tpu.memory_space<hbm>> -> memref<4096xf32, #tpu.memory_space<hbm>>
      %dma_start3A_977 = tpu.memref_slice %arg9[%dma_start3A_971] : memref<3x!tpu.dma_semaphore, #tpu.memory_space<semaphore_mem>> -> memref<1x!tpu.dma_semaphore, #tpu.memory_space<semaphore_mem>>
      %dma_start3A_978 = tpu.memref_squeeze %dma_start3A_977 : memref<1x!tpu.dma_semaphore, #tpu.memory_space<semaphore_mem>> -> memref<!tpu.dma_semaphore, #tpu.memory_space<semaphore_mem>>
      %dma_start3A_979 = tpu.memref_slice %arg4[%select_n3A_963, %dma_start3A_970, %mul3A_968] : memref<50x4x131072xf32, #tpu.memory_space<hbm>> -> memref<1x1x4096xf32, #tpu.memory_space<hbm>>
      %dma_start3A_980 = tpu.memref_squeeze %dma_start3A_979 : memref<1x1x4096xf32, #tpu.memory_space<hbm>> -> memref<4096xf32, #tpu.memory_space<hbm>>
      %dma_start3A_981 = arith.constant 0 : i32
      %dma_start3A_982 = tpu.memref_slice %arg7[%dma_start3A_969, %dma_start3A_981] : memref<3x16384xf32, #tpu.memory_space<vmem>> -> memref<1x4096xf32, #tpu.memory_space<vmem>>
      %dma_start3A_983 = tpu.memref_squeeze %dma_start3A_982 : memref<1x4096xf32, #tpu.memory_space<vmem>> -> memref<4096xf32, #tpu.memory_space<vmem>>
      tpu.enqueue_dma source(%dma_start3A_983 : memref<4096xf32, #tpu.memory_space<vmem>>) target(%dma_start3A_980 : memref<4096xf32, #tpu.memory_space<hbm>>) target_semaphore(%dma_start3A_978 : memref<!tpu.dma_semaphore, #tpu.memory_space<semaphore_mem>>)
      %dma_start3A_984 = arith.constant 2 : i32
      %dma_start3A_985 = arith.constant 1 : i32
      %dma_start3A_986 = arith.constant 2 : i32
      %dma_start3A_987 = arith.constant 4096 : i32
      %dma_start3A_988 = tpu.memref_slice %arg7[%dma_start3A_984, %dma_start3A_987] : memref<3x16384xf32, #tpu.memory_space<vmem>> -> memref<1x4096xf32, #tpu.memory_space<vmem>>
      %dma_start3A_989 = tpu.memref_squeeze %dma_start3A_988 : memref<1x4096xf32, #tpu.memory_space<vmem>> -> memref<4096xf32, #tpu.memory_space<vmem>>
      %dma_start3A_990 = tpu.memref_slice %arg4[%select_n3A_963, %dma_start3A_985, %mul3A_968] : memref<50x4x131072xf32, #tpu.memory_space<hbm>> -> memref<1x1x4096xf32, #tpu.memory_space<hbm>>
      %dma_start3A_991 = tpu.memref_squeeze %dma_start3A_990 : memref<1x1x4096xf32, #tpu.memory_space<hbm>> -> memref<4096xf32, #tpu.memory_space<hbm>>
      %dma_start3A_992 = tpu.memref_slice %arg9[%dma_start3A_986] : memref<3x!tpu.dma_semaphore, #tpu.memory_space<semaphore_mem>> -> memref<1x!tpu.dma_semaphore, #tpu.memory_space<semaphore_mem>>
      %dma_start3A_993 = tpu.memref_squeeze %dma_start3A_992 : memref<1x!tpu.dma_semaphore, #tpu.memory_space<semaphore_mem>> -> memref<!tpu.dma_semaphore, #tpu.memory_space<semaphore_mem>>
      %dma_start3A_994 = tpu.memref_slice %arg4[%select_n3A_963, %dma_start3A_985, %mul3A_968] : memref<50x4x131072xf32, #tpu.memory_space<hbm>> -> memref<1x1x4096xf32, #tpu.memory_space<hbm>>
      %dma_start3A_995 = tpu.memref_squeeze %dma_start3A_994 : memref<1x1x4096xf32, #tpu.memory_space<hbm>> -> memref<4096xf32, #tpu.memory_space<hbm>>
      %dma_start3A_996 = arith.constant 4096 : i32
      %dma_start3A_997 = tpu.memref_slice %arg7[%dma_start3A_984, %dma_start3A_996] : memref<3x16384xf32, #tpu.memory_space<vmem>> -> memref<1x4096xf32, #tpu.memory_space<vmem>>
      %dma_start3A_998 = tpu.memref_squeeze %dma_start3A_997 : memref<1x4096xf32, #tpu.memory_space<vmem>> -> memref<4096xf32, #tpu.memory_space<vmem>>
      tpu.enqueue_dma source(%dma_start3A_998 : memref<4096xf32, #tpu.memory_space<vmem>>) target(%dma_start3A_995 : memref<4096xf32, #tpu.memory_space<hbm>>) target_semaphore(%dma_start3A_993 : memref<!tpu.dma_semaphore, #tpu.memory_space<semaphore_mem>>)
      %dma_start3A_999 = arith.constant 2 : i32
      %dma_start3A_1000 = arith.constant 2 : i32
      %dma_start3A_1001 = arith.constant 2 : i32
      %dma_start3A_1002 = arith.constant 8192 : i32
      %dma_start3A_1003 = tpu.memref_slice %arg7[%dma_start3A_999, %dma_start3A_1002] : memref<3x16384xf32, #tpu.memory_space<vmem>> -> memref<1x4096xf32, #tpu.memory_space<vmem>>
      %dma_start3A_1004 = tpu.memref_squeeze %dma_start3A_1003 : memref<1x4096xf32, #tpu.memory_space<vmem>> -> memref<4096xf32, #tpu.memory_space<vmem>>
      %dma_start3A_1005 = tpu.memref_slice %arg4[%select_n3A_963, %dma_start3A_1000, %mul3A_968] : memref<50x4x131072xf32, #tpu.memory_space<hbm>> -> memref<1x1x4096xf32, #tpu.memory_space<hbm>>
      %dma_start3A_1006 = tpu.memref_squeeze %dma_start3A_1005 : memref<1x1x4096xf32, #tpu.memory_space<hbm>> -> memref<4096xf32, #tpu.memory_space<hbm>>
      %dma_start3A_1007 = tpu.memref_slice %arg9[%dma_start3A_1001] : memref<3x!tpu.dma_semaphore, #tpu.memory_space<semaphore_mem>> -> memref<1x!tpu.dma_semaphore, #tpu.memory_space<semaphore_mem>>
      %dma_start3A_1008 = tpu.memref_squeeze %dma_start3A_1007 : memref<1x!tpu.dma_semaphore, #tpu.memory_space<semaphore_mem>> -> memref<!tpu.dma_semaphore, #tpu.memory_space<semaphore_mem>>
      %dma_start3A_1009 = tpu.memref_slice %arg4[%select_n3A_963, %dma_start3A_1000, %mul3A_968] : memref<50x4x131072xf32, #tpu.memory_space<hbm>> -> memref<1x1x4096xf32, #tpu.memory_space<hbm>>
      %dma_start3A_1010 = tpu.memref_squeeze %dma_start3A_1009 : memref<1x1x4096xf32, #tpu.memory_space<hbm>> -> memref<4096xf32, #tpu.memory_space<hbm>>
      %dma_start3A_1011 = arith.constant 8192 : i32
      %dma_start3A_1012 = tpu.memref_slice %arg7[%dma_start3A_999, %dma_start3A_1011] : memref<3x16384xf32, #tpu.memory_space<vmem>> -> memref<1x4096xf32, #tpu.memory_space<vmem>>
      %dma_start3A_1013 = tpu.memref_squeeze %dma_start3A_1012 : memref<1x4096xf32, #tpu.memory_space<vmem>> -> memref<4096xf32, #tpu.memory_space<vmem>>
      tpu.enqueue_dma source(%dma_start3A_1013 : memref<4096xf32, #tpu.memory_space<vmem>>) target(%dma_start3A_1010 : memref<4096xf32, #tpu.memory_space<hbm>>) target_semaphore(%dma_start3A_1008 : memref<!tpu.dma_semaphore, #tpu.memory_space<semaphore_mem>>)
      %dma_start3A_1014 = arith.constant 2 : i32
      %dma_start3A_1015 = arith.constant 3 : i32
      %dma_start3A_1016 = arith.constant 2 : i32
      %dma_start3A_1017 = arith.constant 12288 : i32
      %dma_start3A_1018 = tpu.memref_slice %arg7[%dma_start3A_1014, %dma_start3A_1017] : memref<3x16384xf32, #tpu.memory_space<vmem>> -> memref<1x4096xf32, #tpu.memory_space<vmem>>
      %dma_start3A_1019 = tpu.memref_squeeze %dma_start3A_1018 : memref<1x4096xf32, #tpu.memory_space<vmem>> -> memref<4096xf32, #tpu.memory_space<vmem>>
      %dma_start3A_1020 = tpu.memref_slice %arg4[%select_n3A_963, %dma_start3A_1015, %mul3A_968] : memref<50x4x131072xf32, #tpu.memory_space<hbm>> -> memref<1x1x4096xf32, #tpu.memory_space<hbm>>
      %dma_start3A_1021 = tpu.memref_squeeze %dma_start3A_1020 : memref<1x1x4096xf32, #tpu.memory_space<hbm>> -> memref<4096xf32, #tpu.memory_space<hbm>>
      %dma_start3A_1022 = tpu.memref_slice %arg9[%dma_start3A_1016] : memref<3x!tpu.dma_semaphore, #tpu.memory_space<semaphore_mem>> -> memref<1x!tpu.dma_semaphore, #tpu.memory_space<semaphore_mem>>
      %dma_start3A_1023 = tpu.memref_squeeze %dma_start3A_1022 : memref<1x!tpu.dma_semaphore, #tpu.memory_space<semaphore_mem>> -> memref<!tpu.dma_semaphore, #tpu.memory_space<semaphore_mem>>
      %dma_start3A_1024 = tpu.memref_slice %arg4[%select_n3A_963, %dma_start3A_1015, %mul3A_968] : memref<50x4x131072xf32, #tpu.memory_space<hbm>> -> memref<1x1x4096xf32, #tpu.memory_space<hbm>>
      %dma_start3A_1025 = tpu.memref_squeeze %dma_start3A_1024 : memref<1x1x4096xf32, #tpu.memory_space<hbm>> -> memref<4096xf32, #tpu.memory_space<hbm>>
      %dma_start3A_1026 = arith.constant 12288 : i32
      %dma_start3A_1027 = tpu.memref_slice %arg7[%dma_start3A_1014, %dma_start3A_1026] : memref<3x16384xf32, #tpu.memory_space<vmem>> -> memref<1x4096xf32, #tpu.memory_space<vmem>>
      %dma_start3A_1028 = tpu.memref_squeeze %dma_start3A_1027 : memref<1x4096xf32, #tpu.memory_space<vmem>> -> memref<4096xf32, #tpu.memory_space<vmem>>
      tpu.enqueue_dma source(%dma_start3A_1028 : memref<4096xf32, #tpu.memory_space<vmem>>) target(%dma_start3A_1025 : memref<4096xf32, #tpu.memory_space<hbm>>) target_semaphore(%dma_start3A_1023 : memref<!tpu.dma_semaphore, #tpu.memory_space<semaphore_mem>>)
      %add3A_1029 = arith.constant 3 : i32
      %add3A_1030 = arith.addi %add3A_912, %add3A_1029 : i32
      %lt3A_1031 = arith.constant 50 : i32
      %lt3A_1032 = arith.cmpi slt, %add3A_1030, %lt3A_1031 : i32
      %convert_element_type3A_1033 = arith.extui %lt3A_1032 : i1 to i32
      %cond3A_1034 = arith.constant 0 : i32
      %cond3A_1035 = arith.cmpi ne, %convert_element_type3A_1033, %cond3A_1034 : i32
      scf.if %cond3A_1035 {
        %mul3A_1036 = arith.constant 512 : i32
        %mul3A_1037 = arith.muli %add3A_1030, %mul3A_1036 : i32
        %dma_start3A_1038 = arith.constant 2 : i32
        %dma_start3A_1039 = arith.constant 2 : i32
        %dma_start3A_1040 = arith.constant 0 : i32
        %dma_start3A_1041 = arith.constant 0 : i32
        %dma_start3A_1042 = tpu.memref_slice %arg6[%dma_start3A_1038, %dma_start3A_1040, %dma_start3A_1041] : memref<3x512x32xf32, #tpu.memory_space<vmem>> -> memref<1x512x32xf32, #tpu.memory_space<vmem>>
        %dma_start3A_1043 = tpu.memref_squeeze %dma_start3A_1042 : memref<1x512x32xf32, #tpu.memory_space<vmem>> -> memref<512x32xf32, #tpu.memory_space<vmem>>
        %dma_start3A_1044 = tpu.memref_slice %arg5[%mul3A_1037] : memref<25600xi32, #tpu.memory_space<vmem>> -> memref<512xi32, #tpu.memory_space<vmem>>
        %dma_start3A_1045 = arith.constant 0 : i32
        %dma_start3A_1046 = arith.constant 0 : i32
        %dma_start3A_1047 = tpu.memref_slice %arg2[%dma_start3A_1045, %dma_start3A_1046] : memref<1000000x32xf32, #tpu.memory_space<hbm>> -> memref<1000000x32xf32, #tpu.memory_space<hbm>>
        %dma_start3A_1048 = tpu.memref_slice %arg8[%dma_start3A_1039] : memref<3x!tpu.dma_semaphore, #tpu.memory_space<semaphore_mem>> -> memref<1x!tpu.dma_semaphore, #tpu.memory_space<semaphore_mem>>
        %dma_start3A_1049 = tpu.memref_squeeze %dma_start3A_1048 : memref<1x!tpu.dma_semaphore, #tpu.memory_space<semaphore_mem>> -> memref<!tpu.dma_semaphore, #tpu.memory_space<semaphore_mem>>
        tpu.enqueue_indirect_dma source(%dma_start3A_1047 : memref<1000000x32xf32, #tpu.memory_space<hbm>>) target(%dma_start3A_1043 : memref<512x32xf32, #tpu.memory_space<vmem>>) offsets(%dma_start3A_1044 : memref<512xi32, #tpu.memory_space<vmem>>) semaphore(%dma_start3A_1049 : memref<!tpu.dma_semaphore, #tpu.memory_space<semaphore_mem>>)
      } else {
      }
    }
    %scan3A_82 = arith.constant 16 : i32
    %dma_wait3A = arith.constant 0 : i32
    %dma_wait3A_83 = arith.constant 0 : i32
    %dma_wait3A_84 = arith.constant 0 : i32
    %dma_wait3A_85 = arith.constant 0 : i32
    %dma_wait3A_86 = tpu.memref_slice %arg6[%dma_wait3A, %dma_wait3A_84, %dma_wait3A_85] : memref<3x512x32xf32, #tpu.memory_space<vmem>> -> memref<1x512x32xf32, #tpu.memory_space<vmem>>
    %dma_wait3A_87 = tpu.memref_squeeze %dma_wait3A_86 : memref<1x512x32xf32, #tpu.memory_space<vmem>> -> memref<512x32xf32, #tpu.memory_space<vmem>>
    %dma_wait3A_88 = arith.constant 0 : i32
    %dma_wait3A_89 = arith.constant 0 : i32
    %dma_wait3A_90 = tpu.memref_slice %arg2[%dma_wait3A_88, %dma_wait3A_89] : memref<1000000x32xf32, #tpu.memory_space<hbm>> -> memref<512x32xf32, #tpu.memory_space<hbm>>
    %dma_wait3A_91 = tpu.memref_slice %arg8[%dma_wait3A_83] : memref<3x!tpu.dma_semaphore, #tpu.memory_space<semaphore_mem>> -> memref<1x!tpu.dma_semaphore, #tpu.memory_space<semaphore_mem>>
    %dma_wait3A_92 = tpu.memref_squeeze %dma_wait3A_91 : memref<1x!tpu.dma_semaphore, #tpu.memory_space<semaphore_mem>> -> memref<!tpu.dma_semaphore, #tpu.memory_space<semaphore_mem>>
    %dma_wait3A_93 = arith.constant 0 : i32
    %dma_wait3A_94 = arith.constant 0 : i32
    %dma_wait3A_95 = tpu.memref_slice %arg6[%dma_wait3A, %dma_wait3A_93, %dma_wait3A_94] : memref<3x512x32xf32, #tpu.memory_space<vmem>> -> memref<1x512x32xf32, #tpu.memory_space<vmem>>
    %dma_wait3A_96 = tpu.memref_squeeze %dma_wait3A_95 : memref<1x512x32xf32, #tpu.memory_space<vmem>> -> memref<512x32xf32, #tpu.memory_space<vmem>>
    %dma_wait3A_97 = arith.constant 0 : i32
    %dma_wait3A_98 = arith.constant 0 : i32
    %dma_wait3A_99 = tpu.memref_slice %arg2[%dma_wait3A_97, %dma_wait3A_98] : memref<1000000x32xf32, #tpu.memory_space<hbm>> -> memref<512x32xf32, #tpu.memory_space<hbm>>
    tpu.wait_dma2 semaphore(%dma_wait3A_92 : memref<!tpu.dma_semaphore, #tpu.memory_space<semaphore_mem>>) src(%dma_wait3A_99 : memref<512x32xf32, #tpu.memory_space<hbm>>) dst(%dma_wait3A_96 : memref<512x32xf32, #tpu.memory_space<vmem>>)
    %dma_wait3A_100 = arith.constant 0 : i32
    %dma_wait3A_101 = arith.constant 0 : i32
    %dma_wait3A_102 = arith.constant 0 : i32
    %dma_wait3A_103 = arith.constant 0 : i32
    %dma_wait3A_104 = arith.constant 0 : i32
    %dma_wait3A_105 = tpu.memref_slice %arg7[%dma_wait3A_102, %dma_wait3A_104] : memref<3x16384xf32, #tpu.memory_space<vmem>> -> memref<1x4096xf32, #tpu.memory_space<vmem>>
    %dma_wait3A_106 = tpu.memref_squeeze %dma_wait3A_105 : memref<1x4096xf32, #tpu.memory_space<vmem>> -> memref<4096xf32, #tpu.memory_space<vmem>>
    %dma_wait3A_107 = arith.constant 0 : i32
    %dma_wait3A_108 = tpu.memref_slice %arg4[%dma_wait3A_100, %dma_wait3A_101, %dma_wait3A_107] : memref<50x4x131072xf32, #tpu.memory_space<hbm>> -> memref<1x1x4096xf32, #tpu.memory_space<hbm>>
    %dma_wait3A_109 = tpu.memref_squeeze %dma_wait3A_108 : memref<1x1x4096xf32, #tpu.memory_space<hbm>> -> memref<4096xf32, #tpu.memory_space<hbm>>
    %dma_wait3A_110 = tpu.memref_slice %arg9[%dma_wait3A_103] : memref<3x!tpu.dma_semaphore, #tpu.memory_space<semaphore_mem>> -> memref<1x!tpu.dma_semaphore, #tpu.memory_space<semaphore_mem>>
    %dma_wait3A_111 = tpu.memref_squeeze %dma_wait3A_110 : memref<1x!tpu.dma_semaphore, #tpu.memory_space<semaphore_mem>> -> memref<!tpu.dma_semaphore, #tpu.memory_space<semaphore_mem>>
    %dma_wait3A_112 = arith.constant 0 : i32
    %dma_wait3A_113 = tpu.memref_slice %arg7[%dma_wait3A_102, %dma_wait3A_112] : memref<3x16384xf32, #tpu.memory_space<vmem>> -> memref<1x4096xf32, #tpu.memory_space<vmem>>
    %dma_wait3A_114 = tpu.memref_squeeze %dma_wait3A_113 : memref<1x4096xf32, #tpu.memory_space<vmem>> -> memref<4096xf32, #tpu.memory_space<vmem>>
    %dma_wait3A_115 = arith.constant 0 : i32
    %dma_wait3A_116 = tpu.memref_slice %arg4[%dma_wait3A_100, %dma_wait3A_101, %dma_wait3A_115] : memref<50x4x131072xf32, #tpu.memory_space<hbm>> -> memref<1x1x4096xf32, #tpu.memory_space<hbm>>
    %dma_wait3A_117 = tpu.memref_squeeze %dma_wait3A_116 : memref<1x1x4096xf32, #tpu.memory_space<hbm>> -> memref<4096xf32, #tpu.memory_space<hbm>>
    tpu.wait_dma2 semaphore(%dma_wait3A_111 : memref<!tpu.dma_semaphore, #tpu.memory_space<semaphore_mem>>) src(%dma_wait3A_117 : memref<4096xf32, #tpu.memory_space<hbm>>) dst(%dma_wait3A_114 : memref<4096xf32, #tpu.memory_space<vmem>>)
    %dma_wait3A_118 = arith.constant 0 : i32
    %dma_wait3A_119 = arith.constant 0 : i32
    %dma_wait3A_120 = arith.constant 0 : i32
    %dma_wait3A_121 = arith.constant 0 : i32
    %dma_wait3A_122 = arith.constant 4096 : i32
    %dma_wait3A_123 = tpu.memref_slice %arg7[%dma_wait3A_120, %dma_wait3A_122] : memref<3x16384xf32, #tpu.memory_space<vmem>> -> memref<1x4096xf32, #tpu.memory_space<vmem>>
    %dma_wait3A_124 = tpu.memref_squeeze %dma_wait3A_123 : memref<1x4096xf32, #tpu.memory_space<vmem>> -> memref<4096xf32, #tpu.memory_space<vmem>>
    %dma_wait3A_125 = arith.constant 0 : i32
    %dma_wait3A_126 = tpu.memref_slice %arg4[%dma_wait3A_118, %dma_wait3A_119, %dma_wait3A_125] : memref<50x4x131072xf32, #tpu.memory_space<hbm>> -> memref<1x1x4096xf32, #tpu.memory_space<hbm>>
    %dma_wait3A_127 = tpu.memref_squeeze %dma_wait3A_126 : memref<1x1x4096xf32, #tpu.memory_space<hbm>> -> memref<4096xf32, #tpu.memory_space<hbm>>
    %dma_wait3A_128 = tpu.memref_slice %arg9[%dma_wait3A_121] : memref<3x!tpu.dma_semaphore, #tpu.memory_space<semaphore_mem>> -> memref<1x!tpu.dma_semaphore, #tpu.memory_space<semaphore_mem>>
    %dma_wait3A_129 = tpu.memref_squeeze %dma_wait3A_128 : memref<1x!tpu.dma_semaphore, #tpu.memory_space<semaphore_mem>> -> memref<!tpu.dma_semaphore, #tpu.memory_space<semaphore_mem>>
    %dma_wait3A_130 = arith.constant 4096 : i32
    %dma_wait3A_131 = tpu.memref_slice %arg7[%dma_wait3A_120, %dma_wait3A_130] : memref<3x16384xf32, #tpu.memory_space<vmem>> -> memref<1x4096xf32, #tpu.memory_space<vmem>>
    %dma_wait3A_132 = tpu.memref_squeeze %dma_wait3A_131 : memref<1x4096xf32, #tpu.memory_space<vmem>> -> memref<4096xf32, #tpu.memory_space<vmem>>
    %dma_wait3A_133 = arith.constant 0 : i32
    %dma_wait3A_134 = tpu.memref_slice %arg4[%dma_wait3A_118, %dma_wait3A_119, %dma_wait3A_133] : memref<50x4x131072xf32, #tpu.memory_space<hbm>> -> memref<1x1x4096xf32, #tpu.memory_space<hbm>>
    %dma_wait3A_135 = tpu.memref_squeeze %dma_wait3A_134 : memref<1x1x4096xf32, #tpu.memory_space<hbm>> -> memref<4096xf32, #tpu.memory_space<hbm>>
    tpu.wait_dma2 semaphore(%dma_wait3A_129 : memref<!tpu.dma_semaphore, #tpu.memory_space<semaphore_mem>>) src(%dma_wait3A_135 : memref<4096xf32, #tpu.memory_space<hbm>>) dst(%dma_wait3A_132 : memref<4096xf32, #tpu.memory_space<vmem>>)
    %dma_wait3A_136 = arith.constant 0 : i32
    %dma_wait3A_137 = arith.constant 0 : i32
    %dma_wait3A_138 = arith.constant 0 : i32
    %dma_wait3A_139 = arith.constant 0 : i32
    %dma_wait3A_140 = arith.constant 8192 : i32
    %dma_wait3A_141 = tpu.memref_slice %arg7[%dma_wait3A_138, %dma_wait3A_140] : memref<3x16384xf32, #tpu.memory_space<vmem>> -> memref<1x4096xf32, #tpu.memory_space<vmem>>
    %dma_wait3A_142 = tpu.memref_squeeze %dma_wait3A_141 : memref<1x4096xf32, #tpu.memory_space<vmem>> -> memref<4096xf32, #tpu.memory_space<vmem>>
    %dma_wait3A_143 = arith.constant 0 : i32
    %dma_wait3A_144 = tpu.memref_slice %arg4[%dma_wait3A_136, %dma_wait3A_137, %dma_wait3A_143] : memref<50x4x131072xf32, #tpu.memory_space<hbm>> -> memref<1x1x4096xf32, #tpu.memory_space<hbm>>
    %dma_wait3A_145 = tpu.memref_squeeze %dma_wait3A_144 : memref<1x1x4096xf32, #tpu.memory_space<hbm>> -> memref<4096xf32, #tpu.memory_space<hbm>>
    %dma_wait3A_146 = tpu.memref_slice %arg9[%dma_wait3A_139] : memref<3x!tpu.dma_semaphore, #tpu.memory_space<semaphore_mem>> -> memref<1x!tpu.dma_semaphore, #tpu.memory_space<semaphore_mem>>
    %dma_wait3A_147 = tpu.memref_squeeze %dma_wait3A_146 : memref<1x!tpu.dma_semaphore, #tpu.memory_space<semaphore_mem>> -> memref<!tpu.dma_semaphore, #tpu.memory_space<semaphore_mem>>
    %dma_wait3A_148 = arith.constant 8192 : i32
    %dma_wait3A_149 = tpu.memref_slice %arg7[%dma_wait3A_138, %dma_wait3A_148] : memref<3x16384xf32, #tpu.memory_space<vmem>> -> memref<1x4096xf32, #tpu.memory_space<vmem>>
    %dma_wait3A_150 = tpu.memref_squeeze %dma_wait3A_149 : memref<1x4096xf32, #tpu.memory_space<vmem>> -> memref<4096xf32, #tpu.memory_space<vmem>>
    %dma_wait3A_151 = arith.constant 0 : i32
    %dma_wait3A_152 = tpu.memref_slice %arg4[%dma_wait3A_136, %dma_wait3A_137, %dma_wait3A_151] : memref<50x4x131072xf32, #tpu.memory_space<hbm>> -> memref<1x1x4096xf32, #tpu.memory_space<hbm>>
    %dma_wait3A_153 = tpu.memref_squeeze %dma_wait3A_152 : memref<1x1x4096xf32, #tpu.memory_space<hbm>> -> memref<4096xf32, #tpu.memory_space<hbm>>
    tpu.wait_dma2 semaphore(%dma_wait3A_147 : memref<!tpu.dma_semaphore, #tpu.memory_space<semaphore_mem>>) src(%dma_wait3A_153 : memref<4096xf32, #tpu.memory_space<hbm>>) dst(%dma_wait3A_150 : memref<4096xf32, #tpu.memory_space<vmem>>)
    %dma_wait3A_154 = arith.constant 0 : i32
    %dma_wait3A_155 = arith.constant 0 : i32
    %dma_wait3A_156 = arith.constant 0 : i32
    %dma_wait3A_157 = arith.constant 0 : i32
    %dma_wait3A_158 = arith.constant 12288 : i32
    %dma_wait3A_159 = tpu.memref_slice %arg7[%dma_wait3A_156, %dma_wait3A_158] : memref<3x16384xf32, #tpu.memory_space<vmem>> -> memref<1x4096xf32, #tpu.memory_space<vmem>>
    %dma_wait3A_160 = tpu.memref_squeeze %dma_wait3A_159 : memref<1x4096xf32, #tpu.memory_space<vmem>> -> memref<4096xf32, #tpu.memory_space<vmem>>
    %dma_wait3A_161 = arith.constant 0 : i32
    %dma_wait3A_162 = tpu.memref_slice %arg4[%dma_wait3A_154, %dma_wait3A_155, %dma_wait3A_161] : memref<50x4x131072xf32, #tpu.memory_space<hbm>> -> memref<1x1x4096xf32, #tpu.memory_space<hbm>>
    %dma_wait3A_163 = tpu.memref_squeeze %dma_wait3A_162 : memref<1x1x4096xf32, #tpu.memory_space<hbm>> -> memref<4096xf32, #tpu.memory_space<hbm>>
    %dma_wait3A_164 = tpu.memref_slice %arg9[%dma_wait3A_157] : memref<3x!tpu.dma_semaphore, #tpu.memory_space<semaphore_mem>> -> memref<1x!tpu.dma_semaphore, #tpu.memory_space<semaphore_mem>>
    %dma_wait3A_165 = tpu.memref_squeeze %dma_wait3A_164 : memref<1x!tpu.dma_semaphore, #tpu.memory_space<semaphore_mem>> -> memref<!tpu.dma_semaphore, #tpu.memory_space<semaphore_mem>>
    %dma_wait3A_166 = arith.constant 12288 : i32
    %dma_wait3A_167 = tpu.memref_slice %arg7[%dma_wait3A_156, %dma_wait3A_166] : memref<3x16384xf32, #tpu.memory_space<vmem>> -> memref<1x4096xf32, #tpu.memory_space<vmem>>
    %dma_wait3A_168 = tpu.memref_squeeze %dma_wait3A_167 : memref<1x4096xf32, #tpu.memory_space<vmem>> -> memref<4096xf32, #tpu.memory_space<vmem>>
    %dma_wait3A_169 = arith.constant 0 : i32
    %dma_wait3A_170 = tpu.memref_slice %arg4[%dma_wait3A_154, %dma_wait3A_155, %dma_wait3A_169] : memref<50x4x131072xf32, #tpu.memory_space<hbm>> -> memref<1x1x4096xf32, #tpu.memory_space<hbm>>
    %dma_wait3A_171 = tpu.memref_squeeze %dma_wait3A_170 : memref<1x1x4096xf32, #tpu.memory_space<hbm>> -> memref<4096xf32, #tpu.memory_space<hbm>>
    tpu.wait_dma2 semaphore(%dma_wait3A_165 : memref<!tpu.dma_semaphore, #tpu.memory_space<semaphore_mem>>) src(%dma_wait3A_171 : memref<4096xf32, #tpu.memory_space<hbm>>) dst(%dma_wait3A_168 : memref<4096xf32, #tpu.memory_space<vmem>>)
    %parallel_loop3A = arith.constant 0 : i32
    %parallel_loop3A_172 = arith.constant 512 : i32
    %parallel_loop3A_173 = arith.constant 1 : i32
    scf.for %parallel_loop3A_658 = %parallel_loop3A to %parallel_loop3A_172 step %parallel_loop3A_173  : i32 {
      %parallel_loop3A_659 = arith.constant 7 : i32
      %parallel_loop3A_660 = arith.shrsi %parallel_loop3A_658, %parallel_loop3A_659 : i32
      %parallel_loop3A_661 = arith.constant 1024 : i32
      %parallel_loop3A_662 = arith.muli %parallel_loop3A_660, %parallel_loop3A_661 : i32
      %parallel_loop3A_663 = arith.constant 127 : i32
      %parallel_loop3A_664 = arith.andi %parallel_loop3A_658, %parallel_loop3A_663 : i32
      %parallel_loop3A_665 = arith.addi %parallel_loop3A_662, %parallel_loop3A_664 : i32
      %parallel_loop3A_666 = arith.constant 0 : i32
      %parallel_loop3A_667 = arith.index_cast %parallel_loop3A_666 : i32 to index
      %parallel_loop3A_668 = arith.index_cast %parallel_loop3A_658 : i32 to index
      %parallel_loop3A_669 = arith.constant 0 : index
      %parallel_loop3A_670 = tpu.vector_load %arg6[%parallel_loop3A_667, %parallel_loop3A_668, %parallel_loop3A_669] {strides = array<i32>} : memref<3x512x32xf32, #tpu.memory_space<vmem>>, vector<16xf32>,
      %parallel_loop3A_671 = vector.broadcast %parallel_loop3A_665 : i32 to vector<16xi32>
      %parallel_loop3A_672 = arith.addi %add3A_21, %parallel_loop3A_671 : vector<16xi32>
      %parallel_loop3A_673 = arith.constant 0 : i32
      %parallel_loop3A_674 = arith.constant 0 : i32
      %parallel_loop3A_675 = tpu.memref_slice %arg7[%parallel_loop3A_673, %parallel_loop3A_674] : memref<3x16384xf32, #tpu.memory_space<vmem>> -> memref<1x16384xf32, #tpu.memory_space<vmem>>
      %parallel_loop3A_676 = tpu.memref_squeeze %parallel_loop3A_675 : memref<1x16384xf32, #tpu.memory_space<vmem>> -> memref<16384xf32, #tpu.memory_space<vmem>>
      tpu.vector_store_idx %parallel_loop3A_676[%parallel_loop3A_672], %parallel_loop3A_670 : memref<16384xf32, #tpu.memory_space<vmem>>[vector<16xi32>], vector<16xf32>,
      %parallel_loop3A_677 = arith.constant 0 : i32
      %parallel_loop3A_678 = arith.index_cast %parallel_loop3A_677 : i32 to index
      %parallel_loop3A_679 = arith.index_cast %parallel_loop3A_658 : i32 to index
      %parallel_loop3A_680 = arith.constant 16 : index
      %parallel_loop3A_681 = tpu.vector_load %arg6[%parallel_loop3A_678, %parallel_loop3A_679, %parallel_loop3A_680] {strides = array<i32>} : memref<3x512x32xf32, #tpu.memory_space<vmem>>, vector<16xf32>,
      %parallel_loop3A_682 = vector.broadcast %parallel_loop3A_665 : i32 to vector<16xi32>
      %parallel_loop3A_683 = arith.addi %add3A_40, %parallel_loop3A_682 : vector<16xi32>
      %parallel_loop3A_684 = arith.constant 0 : i32
      %parallel_loop3A_685 = arith.constant 0 : i32
      %parallel_loop3A_686 = tpu.memref_slice %arg7[%parallel_loop3A_684, %parallel_loop3A_685] : memref<3x16384xf32, #tpu.memory_space<vmem>> -> memref<1x16384xf32, #tpu.memory_space<vmem>>
      %parallel_loop3A_687 = tpu.memref_squeeze %parallel_loop3A_686 : memref<1x16384xf32, #tpu.memory_space<vmem>> -> memref<16384xf32, #tpu.memory_space<vmem>>
      tpu.vector_store_idx %parallel_loop3A_687[%parallel_loop3A_683], %parallel_loop3A_681 : memref<16384xf32, #tpu.memory_space<vmem>>[vector<16xi32>], vector<16xf32>,
    } {sc.loop_unroll_factor = 16 : i64, sc.parallel_access}
    %add3A_174 = arith.constant 48 : i32
    %add3A_175 = arith.addi %mul3A_4, %add3A_174 : i32
    %jit3A = arith.constant 32 : i32
    %div3A = arith.divsi %add3A_175, %jit3A : i32
    %sign3A = arith.constant 0 : i32
    %sign3A_176 = arith.cmpi sgt, %add3A_175, %sign3A : i32
    %sign3A_177 = arith.extui %sign3A_176 : i1 to i32
    %sign3A_178 = arith.constant 0 : i32
    %sign3A_179 = arith.cmpi slt, %add3A_175, %sign3A_178 : i32
    %sign3A_180 = arith.extui %sign3A_179 : i1 to i32
    %sign3A_181 = arith.subi %sign3A_177, %sign3A_180 : i32
    %sign3A_182 = arith.constant 0 : i32
    %sign3A_183 = arith.cmpi sgt, %jit3A, %sign3A_182 : i32
    %sign3A_184 = arith.extui %sign3A_183 : i1 to i32
    %sign3A_185 = arith.constant 0 : i32
    %sign3A_186 = arith.cmpi slt, %jit3A, %sign3A_185 : i32
    %sign3A_187 = arith.extui %sign3A_186 : i1 to i32
    %sign3A_188 = arith.subi %sign3A_184, %sign3A_187 : i32
    %ne3A = arith.cmpi ne, %sign3A_181, %sign3A_188 : i32
    %rem3A = arith.remsi %add3A_175, %jit3A : i32
    %ne3A_189 = arith.constant 0 : i32
    %ne3A_190 = arith.cmpi ne, %rem3A, %ne3A_189 : i32
    %and3A_191 = arith.andi %ne3A, %ne3A_190 : i1
    %sub3A = arith.constant 1 : i32
    %sub3A_192 = arith.subi %div3A, %sub3A : i32
    %select_n3A = arith.select %and3A_191, %sub3A_192, %div3A : i32
    %mul3A_193 = arith.constant 32 : i32
    %mul3A_194 = arith.muli %select_n3A, %mul3A_193 : i32
    %sub3A_195 = arith.subi %add3A_175, %mul3A_194 : i32
    %mul3A_196 = arith.constant 4096 : i32
    %mul3A_197 = arith.muli %sub3A_195, %mul3A_196 : i32
    %dma_start3A_198 = arith.constant 0 : i32
    %dma_start3A_199 = arith.constant 0 : i32
    %dma_start3A_200 = arith.constant 0 : i32
    %dma_start3A_201 = arith.constant 0 : i32
    %dma_start3A_202 = tpu.memref_slice %arg7[%dma_start3A_198, %dma_start3A_201] : memref<3x16384xf32, #tpu.memory_space<vmem>> -> memref<1x4096xf32, #tpu.memory_space<vmem>>
    %dma_start3A_203 = tpu.memref_squeeze %dma_start3A_202 : memref<1x4096xf32, #tpu.memory_space<vmem>> -> memref<4096xf32, #tpu.memory_space<vmem>>
    %dma_start3A_204 = tpu.memref_slice %arg4[%select_n3A, %dma_start3A_199, %mul3A_197] : memref<50x4x131072xf32, #tpu.memory_space<hbm>> -> memref<1x1x4096xf32, #tpu.memory_space<hbm>>
    %dma_start3A_205 = tpu.memref_squeeze %dma_start3A_204 : memref<1x1x4096xf32, #tpu.memory_space<hbm>> -> memref<4096xf32, #tpu.memory_space<hbm>>
    %dma_start3A_206 = tpu.memref_slice %arg9[%dma_start3A_200] : memref<3x!tpu.dma_semaphore, #tpu.memory_space<semaphore_mem>> -> memref<1x!tpu.dma_semaphore, #tpu.memory_space<semaphore_mem>>
    %dma_start3A_207 = tpu.memref_squeeze %dma_start3A_206 : memref<1x!tpu.dma_semaphore, #tpu.memory_space<semaphore_mem>> -> memref<!tpu.dma_semaphore, #tpu.memory_space<semaphore_mem>>
    %dma_start3A_208 = tpu.memref_slice %arg4[%select_n3A, %dma_start3A_199, %mul3A_197] : memref<50x4x131072xf32, #tpu.memory_space<hbm>> -> memref<1x1x4096xf32, #tpu.memory_space<hbm>>
    %dma_start3A_209 = tpu.memref_squeeze %dma_start3A_208 : memref<1x1x4096xf32, #tpu.memory_space<hbm>> -> memref<4096xf32, #tpu.memory_space<hbm>>
    %dma_start3A_210 = arith.constant 0 : i32
    %dma_start3A_211 = tpu.memref_slice %arg7[%dma_start3A_198, %dma_start3A_210] : memref<3x16384xf32, #tpu.memory_space<vmem>> -> memref<1x4096xf32, #tpu.memory_space<vmem>>
    %dma_start3A_212 = tpu.memref_squeeze %dma_start3A_211 : memref<1x4096xf32, #tpu.memory_space<vmem>> -> memref<4096xf32, #tpu.memory_space<vmem>>
    tpu.enqueue_dma source(%dma_start3A_212 : memref<4096xf32, #tpu.memory_space<vmem>>) target(%dma_start3A_209 : memref<4096xf32, #tpu.memory_space<hbm>>) target_semaphore(%dma_start3A_207 : memref<!tpu.dma_semaphore, #tpu.memory_space<semaphore_mem>>)
    %dma_start3A_213 = arith.constant 0 : i32
    %dma_start3A_214 = arith.constant 1 : i32
    %dma_start3A_215 = arith.constant 0 : i32
    %dma_start3A_216 = arith.constant 4096 : i32
    %dma_start3A_217 = tpu.memref_slice %arg7[%dma_start3A_213, %dma_start3A_216] : memref<3x16384xf32, #tpu.memory_space<vmem>> -> memref<1x4096xf32, #tpu.memory_space<vmem>>
    %dma_start3A_218 = tpu.memref_squeeze %dma_start3A_217 : memref<1x4096xf32, #tpu.memory_space<vmem>> -> memref<4096xf32, #tpu.memory_space<vmem>>
    %dma_start3A_219 = tpu.memref_slice %arg4[%select_n3A, %dma_start3A_214, %mul3A_197] : memref<50x4x131072xf32, #tpu.memory_space<hbm>> -> memref<1x1x4096xf32, #tpu.memory_space<hbm>>
    %dma_start3A_220 = tpu.memref_squeeze %dma_start3A_219 : memref<1x1x4096xf32, #tpu.memory_space<hbm>> -> memref<4096xf32, #tpu.memory_space<hbm>>
    %dma_start3A_221 = tpu.memref_slice %arg9[%dma_start3A_215] : memref<3x!tpu.dma_semaphore, #tpu.memory_space<semaphore_mem>> -> memref<1x!tpu.dma_semaphore, #tpu.memory_space<semaphore_mem>>
    %dma_start3A_222 = tpu.memref_squeeze %dma_start3A_221 : memref<1x!tpu.dma_semaphore, #tpu.memory_space<semaphore_mem>> -> memref<!tpu.dma_semaphore, #tpu.memory_space<semaphore_mem>>
    %dma_start3A_223 = tpu.memref_slice %arg4[%select_n3A, %dma_start3A_214, %mul3A_197] : memref<50x4x131072xf32, #tpu.memory_space<hbm>> -> memref<1x1x4096xf32, #tpu.memory_space<hbm>>
    %dma_start3A_224 = tpu.memref_squeeze %dma_start3A_223 : memref<1x1x4096xf32, #tpu.memory_space<hbm>> -> memref<4096xf32, #tpu.memory_space<hbm>>
    %dma_start3A_225 = arith.constant 4096 : i32
    %dma_start3A_226 = tpu.memref_slice %arg7[%dma_start3A_213, %dma_start3A_225] : memref<3x16384xf32, #tpu.memory_space<vmem>> -> memref<1x4096xf32, #tpu.memory_space<vmem>>
    %dma_start3A_227 = tpu.memref_squeeze %dma_start3A_226 : memref<1x4096xf32, #tpu.memory_space<vmem>> -> memref<4096xf32, #tpu.memory_space<vmem>>
    tpu.enqueue_dma source(%dma_start3A_227 : memref<4096xf32, #tpu.memory_space<vmem>>) target(%dma_start3A_224 : memref<4096xf32, #tpu.memory_space<hbm>>) target_semaphore(%dma_start3A_222 : memref<!tpu.dma_semaphore, #tpu.memory_space<semaphore_mem>>)
    %dma_start3A_228 = arith.constant 0 : i32
    %dma_start3A_229 = arith.constant 2 : i32
    %dma_start3A_230 = arith.constant 0 : i32
    %dma_start3A_231 = arith.constant 8192 : i32
    %dma_start3A_232 = tpu.memref_slice %arg7[%dma_start3A_228, %dma_start3A_231] : memref<3x16384xf32, #tpu.memory_space<vmem>> -> memref<1x4096xf32, #tpu.memory_space<vmem>>
    %dma_start3A_233 = tpu.memref_squeeze %dma_start3A_232 : memref<1x4096xf32, #tpu.memory_space<vmem>> -> memref<4096xf32, #tpu.memory_space<vmem>>
    %dma_start3A_234 = tpu.memref_slice %arg4[%select_n3A, %dma_start3A_229, %mul3A_197] : memref<50x4x131072xf32, #tpu.memory_space<hbm>> -> memref<1x1x4096xf32, #tpu.memory_space<hbm>>
    %dma_start3A_235 = tpu.memref_squeeze %dma_start3A_234 : memref<1x1x4096xf32, #tpu.memory_space<hbm>> -> memref<4096xf32, #tpu.memory_space<hbm>>
    %dma_start3A_236 = tpu.memref_slice %arg9[%dma_start3A_230] : memref<3x!tpu.dma_semaphore, #tpu.memory_space<semaphore_mem>> -> memref<1x!tpu.dma_semaphore, #tpu.memory_space<semaphore_mem>>
    %dma_start3A_237 = tpu.memref_squeeze %dma_start3A_236 : memref<1x!tpu.dma_semaphore, #tpu.memory_space<semaphore_mem>> -> memref<!tpu.dma_semaphore, #tpu.memory_space<semaphore_mem>>
    %dma_start3A_238 = tpu.memref_slice %arg4[%select_n3A, %dma_start3A_229, %mul3A_197] : memref<50x4x131072xf32, #tpu.memory_space<hbm>> -> memref<1x1x4096xf32, #tpu.memory_space<hbm>>
    %dma_start3A_239 = tpu.memref_squeeze %dma_start3A_238 : memref<1x1x4096xf32, #tpu.memory_space<hbm>> -> memref<4096xf32, #tpu.memory_space<hbm>>
    %dma_start3A_240 = arith.constant 8192 : i32
    %dma_start3A_241 = tpu.memref_slice %arg7[%dma_start3A_228, %dma_start3A_240] : memref<3x16384xf32, #tpu.memory_space<vmem>> -> memref<1x4096xf32, #tpu.memory_space<vmem>>
    %dma_start3A_242 = tpu.memref_squeeze %dma_start3A_241 : memref<1x4096xf32, #tpu.memory_space<vmem>> -> memref<4096xf32, #tpu.memory_space<vmem>>
    tpu.enqueue_dma source(%dma_start3A_242 : memref<4096xf32, #tpu.memory_space<vmem>>) target(%dma_start3A_239 : memref<4096xf32, #tpu.memory_space<hbm>>) target_semaphore(%dma_start3A_237 : memref<!tpu.dma_semaphore, #tpu.memory_space<semaphore_mem>>)
    %dma_start3A_243 = arith.constant 0 : i32
    %dma_start3A_244 = arith.constant 3 : i32
    %dma_start3A_245 = arith.constant 0 : i32
    %dma_start3A_246 = arith.constant 12288 : i32
    %dma_start3A_247 = tpu.memref_slice %arg7[%dma_start3A_243, %dma_start3A_246] : memref<3x16384xf32, #tpu.memory_space<vmem>> -> memref<1x4096xf32, #tpu.memory_space<vmem>>
    %dma_start3A_248 = tpu.memref_squeeze %dma_start3A_247 : memref<1x4096xf32, #tpu.memory_space<vmem>> -> memref<4096xf32, #tpu.memory_space<vmem>>
    %dma_start3A_249 = tpu.memref_slice %arg4[%select_n3A, %dma_start3A_244, %mul3A_197] : memref<50x4x131072xf32, #tpu.memory_space<hbm>> -> memref<1x1x4096xf32, #tpu.memory_space<hbm>>
    %dma_start3A_250 = tpu.memref_squeeze %dma_start3A_249 : memref<1x1x4096xf32, #tpu.memory_space<hbm>> -> memref<4096xf32, #tpu.memory_space<hbm>>
    %dma_start3A_251 = tpu.memref_slice %arg9[%dma_start3A_245] : memref<3x!tpu.dma_semaphore, #tpu.memory_space<semaphore_mem>> -> memref<1x!tpu.dma_semaphore, #tpu.memory_space<semaphore_mem>>
    %dma_start3A_252 = tpu.memref_squeeze %dma_start3A_251 : memref<1x!tpu.dma_semaphore, #tpu.memory_space<semaphore_mem>> -> memref<!tpu.dma_semaphore, #tpu.memory_space<semaphore_mem>>
    %dma_start3A_253 = tpu.memref_slice %arg4[%select_n3A, %dma_start3A_244, %mul3A_197] : memref<50x4x131072xf32, #tpu.memory_space<hbm>> -> memref<1x1x4096xf32, #tpu.memory_space<hbm>>
    %dma_start3A_254 = tpu.memref_squeeze %dma_start3A_253 : memref<1x1x4096xf32, #tpu.memory_space<hbm>> -> memref<4096xf32, #tpu.memory_space<hbm>>
    %dma_start3A_255 = arith.constant 12288 : i32
    %dma_start3A_256 = tpu.memref_slice %arg7[%dma_start3A_243, %dma_start3A_255] : memref<3x16384xf32, #tpu.memory_space<vmem>> -> memref<1x4096xf32, #tpu.memory_space<vmem>>
    %dma_start3A_257 = tpu.memref_squeeze %dma_start3A_256 : memref<1x4096xf32, #tpu.memory_space<vmem>> -> memref<4096xf32, #tpu.memory_space<vmem>>
    tpu.enqueue_dma source(%dma_start3A_257 : memref<4096xf32, #tpu.memory_space<vmem>>) target(%dma_start3A_254 : memref<4096xf32, #tpu.memory_space<hbm>>) target_semaphore(%dma_start3A_252 : memref<!tpu.dma_semaphore, #tpu.memory_space<semaphore_mem>>)
    %dma_wait3A_258 = arith.constant 1 : i32
    %dma_wait3A_259 = arith.constant 1 : i32
    %dma_wait3A_260 = arith.constant 0 : i32
    %dma_wait3A_261 = arith.constant 0 : i32
    %dma_wait3A_262 = tpu.memref_slice %arg6[%dma_wait3A_258, %dma_wait3A_260, %dma_wait3A_261] : memref<3x512x32xf32, #tpu.memory_space<vmem>> -> memref<1x512x32xf32, #tpu.memory_space<vmem>>
    %dma_wait3A_263 = tpu.memref_squeeze %dma_wait3A_262 : memref<1x512x32xf32, #tpu.memory_space<vmem>> -> memref<512x32xf32, #tpu.memory_space<vmem>>
    %dma_wait3A_264 = arith.constant 0 : i32
    %dma_wait3A_265 = arith.constant 0 : i32
    %dma_wait3A_266 = tpu.memref_slice %arg2[%dma_wait3A_264, %dma_wait3A_265] : memref<1000000x32xf32, #tpu.memory_space<hbm>> -> memref<512x32xf32, #tpu.memory_space<hbm>>
    %dma_wait3A_267 = tpu.memref_slice %arg8[%dma_wait3A_259] : memref<3x!tpu.dma_semaphore, #tpu.memory_space<semaphore_mem>> -> memref<1x!tpu.dma_semaphore, #tpu.memory_space<semaphore_mem>>
    %dma_wait3A_268 = tpu.memref_squeeze %dma_wait3A_267 : memref<1x!tpu.dma_semaphore, #tpu.memory_space<semaphore_mem>> -> memref<!tpu.dma_semaphore, #tpu.memory_space<semaphore_mem>>
    %dma_wait3A_269 = arith.constant 0 : i32
    %dma_wait3A_270 = arith.constant 0 : i32
    %dma_wait3A_271 = tpu.memref_slice %arg6[%dma_wait3A_258, %dma_wait3A_269, %dma_wait3A_270] : memref<3x512x32xf32, #tpu.memory_space<vmem>> -> memref<1x512x32xf32, #tpu.memory_space<vmem>>
    %dma_wait3A_272 = tpu.memref_squeeze %dma_wait3A_271 : memref<1x512x32xf32, #tpu.memory_space<vmem>> -> memref<512x32xf32, #tpu.memory_space<vmem>>
    %dma_wait3A_273 = arith.constant 0 : i32
    %dma_wait3A_274 = arith.constant 0 : i32
    %dma_wait3A_275 = tpu.memref_slice %arg2[%dma_wait3A_273, %dma_wait3A_274] : memref<1000000x32xf32, #tpu.memory_space<hbm>> -> memref<512x32xf32, #tpu.memory_space<hbm>>
    tpu.wait_dma2 semaphore(%dma_wait3A_268 : memref<!tpu.dma_semaphore, #tpu.memory_space<semaphore_mem>>) src(%dma_wait3A_275 : memref<512x32xf32, #tpu.memory_space<hbm>>) dst(%dma_wait3A_272 : memref<512x32xf32, #tpu.memory_space<vmem>>)
    %dma_wait3A_276 = arith.constant 0 : i32
    %dma_wait3A_277 = arith.constant 0 : i32
    %dma_wait3A_278 = arith.constant 1 : i32
    %dma_wait3A_279 = arith.constant 1 : i32
    %dma_wait3A_280 = arith.constant 0 : i32
    %dma_wait3A_281 = tpu.memref_slice %arg7[%dma_wait3A_278, %dma_wait3A_280] : memref<3x16384xf32, #tpu.memory_space<vmem>> -> memref<1x4096xf32, #tpu.memory_space<vmem>>
    %dma_wait3A_282 = tpu.memref_squeeze %dma_wait3A_281 : memref<1x4096xf32, #tpu.memory_space<vmem>> -> memref<4096xf32, #tpu.memory_space<vmem>>
    %dma_wait3A_283 = arith.constant 0 : i32
    %dma_wait3A_284 = tpu.memref_slice %arg4[%dma_wait3A_276, %dma_wait3A_277, %dma_wait3A_283] : memref<50x4x131072xf32, #tpu.memory_space<hbm>> -> memref<1x1x4096xf32, #tpu.memory_space<hbm>>
    %dma_wait3A_285 = tpu.memref_squeeze %dma_wait3A_284 : memref<1x1x4096xf32, #tpu.memory_space<hbm>> -> memref<4096xf32, #tpu.memory_space<hbm>>
    %dma_wait3A_286 = tpu.memref_slice %arg9[%dma_wait3A_279] : memref<3x!tpu.dma_semaphore, #tpu.memory_space<semaphore_mem>> -> memref<1x!tpu.dma_semaphore, #tpu.memory_space<semaphore_mem>>
    %dma_wait3A_287 = tpu.memref_squeeze %dma_wait3A_286 : memref<1x!tpu.dma_semaphore, #tpu.memory_space<semaphore_mem>> -> memref<!tpu.dma_semaphore, #tpu.memory_space<semaphore_mem>>
    %dma_wait3A_288 = arith.constant 0 : i32
    %dma_wait3A_289 = tpu.memref_slice %arg7[%dma_wait3A_278, %dma_wait3A_288] : memref<3x16384xf32, #tpu.memory_space<vmem>> -> memref<1x4096xf32, #tpu.memory_space<vmem>>
    %dma_wait3A_290 = tpu.memref_squeeze %dma_wait3A_289 : memref<1x4096xf32, #tpu.memory_space<vmem>> -> memref<4096xf32, #tpu.memory_space<vmem>>
    %dma_wait3A_291 = arith.constant 0 : i32
    %dma_wait3A_292 = tpu.memref_slice %arg4[%dma_wait3A_276, %dma_wait3A_277, %dma_wait3A_291] : memref<50x4x131072xf32, #tpu.memory_space<hbm>> -> memref<1x1x4096xf32, #tpu.memory_space<hbm>>
    %dma_wait3A_293 = tpu.memref_squeeze %dma_wait3A_292 : memref<1x1x4096xf32, #tpu.memory_space<hbm>> -> memref<4096xf32, #tpu.memory_space<hbm>>
    tpu.wait_dma2 semaphore(%dma_wait3A_287 : memref<!tpu.dma_semaphore, #tpu.memory_space<semaphore_mem>>) src(%dma_wait3A_293 : memref<4096xf32, #tpu.memory_space<hbm>>) dst(%dma_wait3A_290 : memref<4096xf32, #tpu.memory_space<vmem>>)
    %dma_wait3A_294 = arith.constant 0 : i32
    %dma_wait3A_295 = arith.constant 0 : i32
    %dma_wait3A_296 = arith.constant 1 : i32
    %dma_wait3A_297 = arith.constant 1 : i32
    %dma_wait3A_298 = arith.constant 4096 : i32
    %dma_wait3A_299 = tpu.memref_slice %arg7[%dma_wait3A_296, %dma_wait3A_298] : memref<3x16384xf32, #tpu.memory_space<vmem>> -> memref<1x4096xf32, #tpu.memory_space<vmem>>
    %dma_wait3A_300 = tpu.memref_squeeze %dma_wait3A_299 : memref<1x4096xf32, #tpu.memory_space<vmem>> -> memref<4096xf32, #tpu.memory_space<vmem>>
    %dma_wait3A_301 = arith.constant 0 : i32
    %dma_wait3A_302 = tpu.memref_slice %arg4[%dma_wait3A_294, %dma_wait3A_295, %dma_wait3A_301] : memref<50x4x131072xf32, #tpu.memory_space<hbm>> -> memref<1x1x4096xf32, #tpu.memory_space<hbm>>
    %dma_wait3A_303 = tpu.memref_squeeze %dma_wait3A_302 : memref<1x1x4096xf32, #tpu.memory_space<hbm>> -> memref<4096xf32, #tpu.memory_space<hbm>>
    %dma_wait3A_304 = tpu.memref_slice %arg9[%dma_wait3A_297] : memref<3x!tpu.dma_semaphore, #tpu.memory_space<semaphore_mem>> -> memref<1x!tpu.dma_semaphore, #tpu.memory_space<semaphore_mem>>
    %dma_wait3A_305 = tpu.memref_squeeze %dma_wait3A_304 : memref<1x!tpu.dma_semaphore, #tpu.memory_space<semaphore_mem>> -> memref<!tpu.dma_semaphore, #tpu.memory_space<semaphore_mem>>
    %dma_wait3A_306 = arith.constant 4096 : i32
    %dma_wait3A_307 = tpu.memref_slice %arg7[%dma_wait3A_296, %dma_wait3A_306] : memref<3x16384xf32, #tpu.memory_space<vmem>> -> memref<1x4096xf32, #tpu.memory_space<vmem>>
    %dma_wait3A_308 = tpu.memref_squeeze %dma_wait3A_307 : memref<1x4096xf32, #tpu.memory_space<vmem>> -> memref<4096xf32, #tpu.memory_space<vmem>>
    %dma_wait3A_309 = arith.constant 0 : i32
    %dma_wait3A_310 = tpu.memref_slice %arg4[%dma_wait3A_294, %dma_wait3A_295, %dma_wait3A_309] : memref<50x4x131072xf32, #tpu.memory_space<hbm>> -> memref<1x1x4096xf32, #tpu.memory_space<hbm>>
    %dma_wait3A_311 = tpu.memref_squeeze %dma_wait3A_310 : memref<1x1x4096xf32, #tpu.memory_space<hbm>> -> memref<4096xf32, #tpu.memory_space<hbm>>
    tpu.wait_dma2 semaphore(%dma_wait3A_305 : memref<!tpu.dma_semaphore, #tpu.memory_space<semaphore_mem>>) src(%dma_wait3A_311 : memref<4096xf32, #tpu.memory_space<hbm>>) dst(%dma_wait3A_308 : memref<4096xf32, #tpu.memory_space<vmem>>)
    %dma_wait3A_312 = arith.constant 0 : i32
    %dma_wait3A_313 = arith.constant 0 : i32
    %dma_wait3A_314 = arith.constant 1 : i32
    %dma_wait3A_315 = arith.constant 1 : i32
    %dma_wait3A_316 = arith.constant 8192 : i32
    %dma_wait3A_317 = tpu.memref_slice %arg7[%dma_wait3A_314, %dma_wait3A_316] : memref<3x16384xf32, #tpu.memory_space<vmem>> -> memref<1x4096xf32, #tpu.memory_space<vmem>>
    %dma_wait3A_318 = tpu.memref_squeeze %dma_wait3A_317 : memref<1x4096xf32, #tpu.memory_space<vmem>> -> memref<4096xf32, #tpu.memory_space<vmem>>
    %dma_wait3A_319 = arith.constant 0 : i32
    %dma_wait3A_320 = tpu.memref_slice %arg4[%dma_wait3A_312, %dma_wait3A_313, %dma_wait3A_319] : memref<50x4x131072xf32, #tpu.memory_space<hbm>> -> memref<1x1x4096xf32, #tpu.memory_space<hbm>>
    %dma_wait3A_321 = tpu.memref_squeeze %dma_wait3A_320 : memref<1x1x4096xf32, #tpu.memory_space<hbm>> -> memref<4096xf32, #tpu.memory_space<hbm>>
    %dma_wait3A_322 = tpu.memref_slice %arg9[%dma_wait3A_315] : memref<3x!tpu.dma_semaphore, #tpu.memory_space<semaphore_mem>> -> memref<1x!tpu.dma_semaphore, #tpu.memory_space<semaphore_mem>>
    %dma_wait3A_323 = tpu.memref_squeeze %dma_wait3A_322 : memref<1x!tpu.dma_semaphore, #tpu.memory_space<semaphore_mem>> -> memref<!tpu.dma_semaphore, #tpu.memory_space<semaphore_mem>>
    %dma_wait3A_324 = arith.constant 8192 : i32
    %dma_wait3A_325 = tpu.memref_slice %arg7[%dma_wait3A_314, %dma_wait3A_324] : memref<3x16384xf32, #tpu.memory_space<vmem>> -> memref<1x4096xf32, #tpu.memory_space<vmem>>
    %dma_wait3A_326 = tpu.memref_squeeze %dma_wait3A_325 : memref<1x4096xf32, #tpu.memory_space<vmem>> -> memref<4096xf32, #tpu.memory_space<vmem>>
    %dma_wait3A_327 = arith.constant 0 : i32
    %dma_wait3A_328 = tpu.memref_slice %arg4[%dma_wait3A_312, %dma_wait3A_313, %dma_wait3A_327] : memref<50x4x131072xf32, #tpu.memory_space<hbm>> -> memref<1x1x4096xf32, #tpu.memory_space<hbm>>
    %dma_wait3A_329 = tpu.memref_squeeze %dma_wait3A_328 : memref<1x1x4096xf32, #tpu.memory_space<hbm>> -> memref<4096xf32, #tpu.memory_space<hbm>>
    tpu.wait_dma2 semaphore(%dma_wait3A_323 : memref<!tpu.dma_semaphore, #tpu.memory_space<semaphore_mem>>) src(%dma_wait3A_329 : memref<4096xf32, #tpu.memory_space<hbm>>) dst(%dma_wait3A_326 : memref<4096xf32, #tpu.memory_space<vmem>>)
    %dma_wait3A_330 = arith.constant 0 : i32
    %dma_wait3A_331 = arith.constant 0 : i32
    %dma_wait3A_332 = arith.constant 1 : i32
    %dma_wait3A_333 = arith.constant 1 : i32
    %dma_wait3A_334 = arith.constant 12288 : i32
    %dma_wait3A_335 = tpu.memref_slice %arg7[%dma_wait3A_332, %dma_wait3A_334] : memref<3x16384xf32, #tpu.memory_space<vmem>> -> memref<1x4096xf32, #tpu.memory_space<vmem>>
    %dma_wait3A_336 = tpu.memref_squeeze %dma_wait3A_335 : memref<1x4096xf32, #tpu.memory_space<vmem>> -> memref<4096xf32, #tpu.memory_space<vmem>>
    %dma_wait3A_337 = arith.constant 0 : i32
    %dma_wait3A_338 = tpu.memref_slice %arg4[%dma_wait3A_330, %dma_wait3A_331, %dma_wait3A_337] : memref<50x4x131072xf32, #tpu.memory_space<hbm>> -> memref<1x1x4096xf32, #tpu.memory_space<hbm>>
    %dma_wait3A_339 = tpu.memref_squeeze %dma_wait3A_338 : memref<1x1x4096xf32, #tpu.memory_space<hbm>> -> memref<4096xf32, #tpu.memory_space<hbm>>
    %dma_wait3A_340 = tpu.memref_slice %arg9[%dma_wait3A_333] : memref<3x!tpu.dma_semaphore, #tpu.memory_space<semaphore_mem>> -> memref<1x!tpu.dma_semaphore, #tpu.memory_space<semaphore_mem>>
    %dma_wait3A_341 = tpu.memref_squeeze %dma_wait3A_340 : memref<1x!tpu.dma_semaphore, #tpu.memory_space<semaphore_mem>> -> memref<!tpu.dma_semaphore, #tpu.memory_space<semaphore_mem>>
    %dma_wait3A_342 = arith.constant 12288 : i32
    %dma_wait3A_343 = tpu.memref_slice %arg7[%dma_wait3A_332, %dma_wait3A_342] : memref<3x16384xf32, #tpu.memory_space<vmem>> -> memref<1x4096xf32, #tpu.memory_space<vmem>>
    %dma_wait3A_344 = tpu.memref_squeeze %dma_wait3A_343 : memref<1x4096xf32, #tpu.memory_space<vmem>> -> memref<4096xf32, #tpu.memory_space<vmem>>
    %dma_wait3A_345 = arith.constant 0 : i32
    %dma_wait3A_346 = tpu.memref_slice %arg4[%dma_wait3A_330, %dma_wait3A_331, %dma_wait3A_345] : memref<50x4x131072xf32, #tpu.memory_space<hbm>> -> memref<1x1x4096xf32, #tpu.memory_space<hbm>>
    %dma_wait3A_347 = tpu.memref_squeeze %dma_wait3A_346 : memref<1x1x4096xf32, #tpu.memory_space<hbm>> -> memref<4096xf32, #tpu.memory_space<hbm>>
    tpu.wait_dma2 semaphore(%dma_wait3A_341 : memref<!tpu.dma_semaphore, #tpu.memory_space<semaphore_mem>>) src(%dma_wait3A_347 : memref<4096xf32, #tpu.memory_space<hbm>>) dst(%dma_wait3A_344 : memref<4096xf32, #tpu.memory_space<vmem>>)
    %parallel_loop3A_348 = arith.constant 0 : i32
    %parallel_loop3A_349 = arith.constant 512 : i32
    %parallel_loop3A_350 = arith.constant 1 : i32
    scf.for %parallel_loop3A_658 = %parallel_loop3A_348 to %parallel_loop3A_349 step %parallel_loop3A_350  : i32 {
      %parallel_loop3A_659 = arith.constant 7 : i32
      %parallel_loop3A_660 = arith.shrsi %parallel_loop3A_658, %parallel_loop3A_659 : i32
      %parallel_loop3A_661 = arith.constant 1024 : i32
      %parallel_loop3A_662 = arith.muli %parallel_loop3A_660, %parallel_loop3A_661 : i32
      %parallel_loop3A_663 = arith.constant 127 : i32
      %parallel_loop3A_664 = arith.andi %parallel_loop3A_658, %parallel_loop3A_663 : i32
      %parallel_loop3A_665 = arith.addi %parallel_loop3A_662, %parallel_loop3A_664 : i32
      %parallel_loop3A_666 = arith.constant 1 : i32
      %parallel_loop3A_667 = arith.index_cast %parallel_loop3A_666 : i32 to index
      %parallel_loop3A_668 = arith.index_cast %parallel_loop3A_658 : i32 to index
      %parallel_loop3A_669 = arith.constant 0 : index
      %parallel_loop3A_670 = tpu.vector_load %arg6[%parallel_loop3A_667, %parallel_loop3A_668, %parallel_loop3A_669] {strides = array<i32>} : memref<3x512x32xf32, #tpu.memory_space<vmem>>, vector<16xf32>,
      %parallel_loop3A_671 = vector.broadcast %parallel_loop3A_665 : i32 to vector<16xi32>
      %parallel_loop3A_672 = arith.addi %add3A_21, %parallel_loop3A_671 : vector<16xi32>
      %parallel_loop3A_673 = arith.constant 1 : i32
      %parallel_loop3A_674 = arith.constant 0 : i32
      %parallel_loop3A_675 = tpu.memref_slice %arg7[%parallel_loop3A_673, %parallel_loop3A_674] : memref<3x16384xf32, #tpu.memory_space<vmem>> -> memref<1x16384xf32, #tpu.memory_space<vmem>>
      %parallel_loop3A_676 = tpu.memref_squeeze %parallel_loop3A_675 : memref<1x16384xf32, #tpu.memory_space<vmem>> -> memref<16384xf32, #tpu.memory_space<vmem>>
      tpu.vector_store_idx %parallel_loop3A_676[%parallel_loop3A_672], %parallel_loop3A_670 : memref<16384xf32, #tpu.memory_space<vmem>>[vector<16xi32>], vector<16xf32>,
      %parallel_loop3A_677 = arith.constant 1 : i32
      %parallel_loop3A_678 = arith.index_cast %parallel_loop3A_677 : i32 to index
      %parallel_loop3A_679 = arith.index_cast %parallel_loop3A_658 : i32 to index
      %parallel_loop3A_680 = arith.constant 16 : index
      %parallel_loop3A_681 = tpu.vector_load %arg6[%parallel_loop3A_678, %parallel_loop3A_679, %parallel_loop3A_680] {strides = array<i32>} : memref<3x512x32xf32, #tpu.memory_space<vmem>>, vector<16xf32>,
      %parallel_loop3A_682 = vector.broadcast %parallel_loop3A_665 : i32 to vector<16xi32>
      %parallel_loop3A_683 = arith.addi %add3A_40, %parallel_loop3A_682 : vector<16xi32>
      %parallel_loop3A_684 = arith.constant 1 : i32
      %parallel_loop3A_685 = arith.constant 0 : i32
      %parallel_loop3A_686 = tpu.memref_slice %arg7[%parallel_loop3A_684, %parallel_loop3A_685] : memref<3x16384xf32, #tpu.memory_space<vmem>> -> memref<1x16384xf32, #tpu.memory_space<vmem>>
      %parallel_loop3A_687 = tpu.memref_squeeze %parallel_loop3A_686 : memref<1x16384xf32, #tpu.memory_space<vmem>> -> memref<16384xf32, #tpu.memory_space<vmem>>
      tpu.vector_store_idx %parallel_loop3A_687[%parallel_loop3A_683], %parallel_loop3A_681 : memref<16384xf32, #tpu.memory_space<vmem>>[vector<16xi32>], vector<16xf32>,
    } {sc.loop_unroll_factor = 16 : i64, sc.parallel_access}
    %add3A_351 = arith.constant 49 : i32
    %add3A_352 = arith.addi %mul3A_4, %add3A_351 : i32
    %jit3A_353 = arith.constant 32 : i32
    %div3A_354 = arith.divsi %add3A_352, %jit3A_353 : i32
    %sign3A_355 = arith.constant 0 : i32
    %sign3A_356 = arith.cmpi sgt, %add3A_352, %sign3A_355 : i32
    %sign3A_357 = arith.extui %sign3A_356 : i1 to i32
    %sign3A_358 = arith.constant 0 : i32
    %sign3A_359 = arith.cmpi slt, %add3A_352, %sign3A_358 : i32
    %sign3A_360 = arith.extui %sign3A_359 : i1 to i32
    %sign3A_361 = arith.subi %sign3A_357, %sign3A_360 : i32
    %sign3A_362 = arith.constant 0 : i32
    %sign3A_363 = arith.cmpi sgt, %jit3A_353, %sign3A_362 : i32
    %sign3A_364 = arith.extui %sign3A_363 : i1 to i32
    %sign3A_365 = arith.constant 0 : i32
    %sign3A_366 = arith.cmpi slt, %jit3A_353, %sign3A_365 : i32
    %sign3A_367 = arith.extui %sign3A_366 : i1 to i32
    %sign3A_368 = arith.subi %sign3A_364, %sign3A_367 : i32
    %ne3A_369 = arith.cmpi ne, %sign3A_361, %sign3A_368 : i32
    %rem3A_370 = arith.remsi %add3A_352, %jit3A_353 : i32
    %ne3A_371 = arith.constant 0 : i32
    %ne3A_372 = arith.cmpi ne, %rem3A_370, %ne3A_371 : i32
    %and3A_373 = arith.andi %ne3A_369, %ne3A_372 : i1
    %sub3A_374 = arith.constant 1 : i32
    %sub3A_375 = arith.subi %div3A_354, %sub3A_374 : i32
    %select_n3A_376 = arith.select %and3A_373, %sub3A_375, %div3A_354 : i32
    %mul3A_377 = arith.constant 32 : i32
    %mul3A_378 = arith.muli %select_n3A_376, %mul3A_377 : i32
    %sub3A_379 = arith.subi %add3A_352, %mul3A_378 : i32
    %mul3A_380 = arith.constant 4096 : i32
    %mul3A_381 = arith.muli %sub3A_379, %mul3A_380 : i32
    %dma_start3A_382 = arith.constant 1 : i32
    %dma_start3A_383 = arith.constant 0 : i32
    %dma_start3A_384 = arith.constant 1 : i32
    %dma_start3A_385 = arith.constant 0 : i32
    %dma_start3A_386 = tpu.memref_slice %arg7[%dma_start3A_382, %dma_start3A_385] : memref<3x16384xf32, #tpu.memory_space<vmem>> -> memref<1x4096xf32, #tpu.memory_space<vmem>>
    %dma_start3A_387 = tpu.memref_squeeze %dma_start3A_386 : memref<1x4096xf32, #tpu.memory_space<vmem>> -> memref<4096xf32, #tpu.memory_space<vmem>>
    %dma_start3A_388 = tpu.memref_slice %arg4[%select_n3A_376, %dma_start3A_383, %mul3A_381] : memref<50x4x131072xf32, #tpu.memory_space<hbm>> -> memref<1x1x4096xf32, #tpu.memory_space<hbm>>
    %dma_start3A_389 = tpu.memref_squeeze %dma_start3A_388 : memref<1x1x4096xf32, #tpu.memory_space<hbm>> -> memref<4096xf32, #tpu.memory_space<hbm>>
    %dma_start3A_390 = tpu.memref_slice %arg9[%dma_start3A_384] : memref<3x!tpu.dma_semaphore, #tpu.memory_space<semaphore_mem>> -> memref<1x!tpu.dma_semaphore, #tpu.memory_space<semaphore_mem>>
    %dma_start3A_391 = tpu.memref_squeeze %dma_start3A_390 : memref<1x!tpu.dma_semaphore, #tpu.memory_space<semaphore_mem>> -> memref<!tpu.dma_semaphore, #tpu.memory_space<semaphore_mem>>
    %dma_start3A_392 = tpu.memref_slice %arg4[%select_n3A_376, %dma_start3A_383, %mul3A_381] : memref<50x4x131072xf32, #tpu.memory_space<hbm>> -> memref<1x1x4096xf32, #tpu.memory_space<hbm>>
    %dma_start3A_393 = tpu.memref_squeeze %dma_start3A_392 : memref<1x1x4096xf32, #tpu.memory_space<hbm>> -> memref<4096xf32, #tpu.memory_space<hbm>>
    %dma_start3A_394 = arith.constant 0 : i32
    %dma_start3A_395 = tpu.memref_slice %arg7[%dma_start3A_382, %dma_start3A_394] : memref<3x16384xf32, #tpu.memory_space<vmem>> -> memref<1x4096xf32, #tpu.memory_space<vmem>>
    %dma_start3A_396 = tpu.memref_squeeze %dma_start3A_395 : memref<1x4096xf32, #tpu.memory_space<vmem>> -> memref<4096xf32, #tpu.memory_space<vmem>>
    tpu.enqueue_dma source(%dma_start3A_396 : memref<4096xf32, #tpu.memory_space<vmem>>) target(%dma_start3A_393 : memref<4096xf32, #tpu.memory_space<hbm>>) target_semaphore(%dma_start3A_391 : memref<!tpu.dma_semaphore, #tpu.memory_space<semaphore_mem>>)
    %dma_start3A_397 = arith.constant 1 : i32
    %dma_start3A_398 = arith.constant 1 : i32
    %dma_start3A_399 = arith.constant 1 : i32
    %dma_start3A_400 = arith.constant 4096 : i32
    %dma_start3A_401 = tpu.memref_slice %arg7[%dma_start3A_397, %dma_start3A_400] : memref<3x16384xf32, #tpu.memory_space<vmem>> -> memref<1x4096xf32, #tpu.memory_space<vmem>>
    %dma_start3A_402 = tpu.memref_squeeze %dma_start3A_401 : memref<1x4096xf32, #tpu.memory_space<vmem>> -> memref<4096xf32, #tpu.memory_space<vmem>>
    %dma_start3A_403 = tpu.memref_slice %arg4[%select_n3A_376, %dma_start3A_398, %mul3A_381] : memref<50x4x131072xf32, #tpu.memory_space<hbm>> -> memref<1x1x4096xf32, #tpu.memory_space<hbm>>
    %dma_start3A_404 = tpu.memref_squeeze %dma_start3A_403 : memref<1x1x4096xf32, #tpu.memory_space<hbm>> -> memref<4096xf32, #tpu.memory_space<hbm>>
    %dma_start3A_405 = tpu.memref_slice %arg9[%dma_start3A_399] : memref<3x!tpu.dma_semaphore, #tpu.memory_space<semaphore_mem>> -> memref<1x!tpu.dma_semaphore, #tpu.memory_space<semaphore_mem>>
    %dma_start3A_406 = tpu.memref_squeeze %dma_start3A_405 : memref<1x!tpu.dma_semaphore, #tpu.memory_space<semaphore_mem>> -> memref<!tpu.dma_semaphore, #tpu.memory_space<semaphore_mem>>
    %dma_start3A_407 = tpu.memref_slice %arg4[%select_n3A_376, %dma_start3A_398, %mul3A_381] : memref<50x4x131072xf32, #tpu.memory_space<hbm>> -> memref<1x1x4096xf32, #tpu.memory_space<hbm>>
    %dma_start3A_408 = tpu.memref_squeeze %dma_start3A_407 : memref<1x1x4096xf32, #tpu.memory_space<hbm>> -> memref<4096xf32, #tpu.memory_space<hbm>>
    %dma_start3A_409 = arith.constant 4096 : i32
    %dma_start3A_410 = tpu.memref_slice %arg7[%dma_start3A_397, %dma_start3A_409] : memref<3x16384xf32, #tpu.memory_space<vmem>> -> memref<1x4096xf32, #tpu.memory_space<vmem>>
    %dma_start3A_411 = tpu.memref_squeeze %dma_start3A_410 : memref<1x4096xf32, #tpu.memory_space<vmem>> -> memref<4096xf32, #tpu.memory_space<vmem>>
    tpu.enqueue_dma source(%dma_start3A_411 : memref<4096xf32, #tpu.memory_space<vmem>>) target(%dma_start3A_408 : memref<4096xf32, #tpu.memory_space<hbm>>) target_semaphore(%dma_start3A_406 : memref<!tpu.dma_semaphore, #tpu.memory_space<semaphore_mem>>)
    %dma_start3A_412 = arith.constant 1 : i32
    %dma_start3A_413 = arith.constant 2 : i32
    %dma_start3A_414 = arith.constant 1 : i32
    %dma_start3A_415 = arith.constant 8192 : i32
    %dma_start3A_416 = tpu.memref_slice %arg7[%dma_start3A_412, %dma_start3A_415] : memref<3x16384xf32, #tpu.memory_space<vmem>> -> memref<1x4096xf32, #tpu.memory_space<vmem>>
    %dma_start3A_417 = tpu.memref_squeeze %dma_start3A_416 : memref<1x4096xf32, #tpu.memory_space<vmem>> -> memref<4096xf32, #tpu.memory_space<vmem>>
    %dma_start3A_418 = tpu.memref_slice %arg4[%select_n3A_376, %dma_start3A_413, %mul3A_381] : memref<50x4x131072xf32, #tpu.memory_space<hbm>> -> memref<1x1x4096xf32, #tpu.memory_space<hbm>>
    %dma_start3A_419 = tpu.memref_squeeze %dma_start3A_418 : memref<1x1x4096xf32, #tpu.memory_space<hbm>> -> memref<4096xf32, #tpu.memory_space<hbm>>
    %dma_start3A_420 = tpu.memref_slice %arg9[%dma_start3A_414] : memref<3x!tpu.dma_semaphore, #tpu.memory_space<semaphore_mem>> -> memref<1x!tpu.dma_semaphore, #tpu.memory_space<semaphore_mem>>
    %dma_start3A_421 = tpu.memref_squeeze %dma_start3A_420 : memref<1x!tpu.dma_semaphore, #tpu.memory_space<semaphore_mem>> -> memref<!tpu.dma_semaphore, #tpu.memory_space<semaphore_mem>>
    %dma_start3A_422 = tpu.memref_slice %arg4[%select_n3A_376, %dma_start3A_413, %mul3A_381] : memref<50x4x131072xf32, #tpu.memory_space<hbm>> -> memref<1x1x4096xf32, #tpu.memory_space<hbm>>
    %dma_start3A_423 = tpu.memref_squeeze %dma_start3A_422 : memref<1x1x4096xf32, #tpu.memory_space<hbm>> -> memref<4096xf32, #tpu.memory_space<hbm>>
    %dma_start3A_424 = arith.constant 8192 : i32
    %dma_start3A_425 = tpu.memref_slice %arg7[%dma_start3A_412, %dma_start3A_424] : memref<3x16384xf32, #tpu.memory_space<vmem>> -> memref<1x4096xf32, #tpu.memory_space<vmem>>
    %dma_start3A_426 = tpu.memref_squeeze %dma_start3A_425 : memref<1x4096xf32, #tpu.memory_space<vmem>> -> memref<4096xf32, #tpu.memory_space<vmem>>
    tpu.enqueue_dma source(%dma_start3A_426 : memref<4096xf32, #tpu.memory_space<vmem>>) target(%dma_start3A_423 : memref<4096xf32, #tpu.memory_space<hbm>>) target_semaphore(%dma_start3A_421 : memref<!tpu.dma_semaphore, #tpu.memory_space<semaphore_mem>>)
    %dma_start3A_427 = arith.constant 1 : i32
    %dma_start3A_428 = arith.constant 3 : i32
    %dma_start3A_429 = arith.constant 1 : i32
    %dma_start3A_430 = arith.constant 12288 : i32
    %dma_start3A_431 = tpu.memref_slice %arg7[%dma_start3A_427, %dma_start3A_430] : memref<3x16384xf32, #tpu.memory_space<vmem>> -> memref<1x4096xf32, #tpu.memory_space<vmem>>
    %dma_start3A_432 = tpu.memref_squeeze %dma_start3A_431 : memref<1x4096xf32, #tpu.memory_space<vmem>> -> memref<4096xf32, #tpu.memory_space<vmem>>
    %dma_start3A_433 = tpu.memref_slice %arg4[%select_n3A_376, %dma_start3A_428, %mul3A_381] : memref<50x4x131072xf32, #tpu.memory_space<hbm>> -> memref<1x1x4096xf32, #tpu.memory_space<hbm>>
    %dma_start3A_434 = tpu.memref_squeeze %dma_start3A_433 : memref<1x1x4096xf32, #tpu.memory_space<hbm>> -> memref<4096xf32, #tpu.memory_space<hbm>>
    %dma_start3A_435 = tpu.memref_slice %arg9[%dma_start3A_429] : memref<3x!tpu.dma_semaphore, #tpu.memory_space<semaphore_mem>> -> memref<1x!tpu.dma_semaphore, #tpu.memory_space<semaphore_mem>>
    %dma_start3A_436 = tpu.memref_squeeze %dma_start3A_435 : memref<1x!tpu.dma_semaphore, #tpu.memory_space<semaphore_mem>> -> memref<!tpu.dma_semaphore, #tpu.memory_space<semaphore_mem>>
    %dma_start3A_437 = tpu.memref_slice %arg4[%select_n3A_376, %dma_start3A_428, %mul3A_381] : memref<50x4x131072xf32, #tpu.memory_space<hbm>> -> memref<1x1x4096xf32, #tpu.memory_space<hbm>>
    %dma_start3A_438 = tpu.memref_squeeze %dma_start3A_437 : memref<1x1x4096xf32, #tpu.memory_space<hbm>> -> memref<4096xf32, #tpu.memory_space<hbm>>
    %dma_start3A_439 = arith.constant 12288 : i32
    %dma_start3A_440 = tpu.memref_slice %arg7[%dma_start3A_427, %dma_start3A_439] : memref<3x16384xf32, #tpu.memory_space<vmem>> -> memref<1x4096xf32, #tpu.memory_space<vmem>>
    %dma_start3A_441 = tpu.memref_squeeze %dma_start3A_440 : memref<1x4096xf32, #tpu.memory_space<vmem>> -> memref<4096xf32, #tpu.memory_space<vmem>>
    tpu.enqueue_dma source(%dma_start3A_441 : memref<4096xf32, #tpu.memory_space<vmem>>) target(%dma_start3A_438 : memref<4096xf32, #tpu.memory_space<hbm>>) target_semaphore(%dma_start3A_436 : memref<!tpu.dma_semaphore, #tpu.memory_space<semaphore_mem>>)
    %dma_wait3A_442 = arith.constant 0 : i32
    %dma_wait3A_443 = arith.constant 0 : i32
    %dma_wait3A_444 = arith.constant 0 : i32
    %dma_wait3A_445 = arith.constant 0 : i32
    %dma_wait3A_446 = arith.constant 0 : i32
    %dma_wait3A_447 = tpu.memref_slice %arg7[%dma_wait3A_444, %dma_wait3A_446] : memref<3x16384xf32, #tpu.memory_space<vmem>> -> memref<1x4096xf32, #tpu.memory_space<vmem>>
    %dma_wait3A_448 = tpu.memref_squeeze %dma_wait3A_447 : memref<1x4096xf32, #tpu.memory_space<vmem>> -> memref<4096xf32, #tpu.memory_space<vmem>>
    %dma_wait3A_449 = arith.constant 0 : i32
    %dma_wait3A_450 = tpu.memref_slice %arg4[%dma_wait3A_442, %dma_wait3A_443, %dma_wait3A_449] : memref<50x4x131072xf32, #tpu.memory_space<hbm>> -> memref<1x1x4096xf32, #tpu.memory_space<hbm>>
    %dma_wait3A_451 = tpu.memref_squeeze %dma_wait3A_450 : memref<1x1x4096xf32, #tpu.memory_space<hbm>> -> memref<4096xf32, #tpu.memory_space<hbm>>
    %dma_wait3A_452 = tpu.memref_slice %arg9[%dma_wait3A_445] : memref<3x!tpu.dma_semaphore, #tpu.memory_space<semaphore_mem>> -> memref<1x!tpu.dma_semaphore, #tpu.memory_space<semaphore_mem>>
    %dma_wait3A_453 = tpu.memref_squeeze %dma_wait3A_452 : memref<1x!tpu.dma_semaphore, #tpu.memory_space<semaphore_mem>> -> memref<!tpu.dma_semaphore, #tpu.memory_space<semaphore_mem>>
    %dma_wait3A_454 = arith.constant 0 : i32
    %dma_wait3A_455 = tpu.memref_slice %arg7[%dma_wait3A_444, %dma_wait3A_454] : memref<3x16384xf32, #tpu.memory_space<vmem>> -> memref<1x4096xf32, #tpu.memory_space<vmem>>
    %dma_wait3A_456 = tpu.memref_squeeze %dma_wait3A_455 : memref<1x4096xf32, #tpu.memory_space<vmem>> -> memref<4096xf32, #tpu.memory_space<vmem>>
    %dma_wait3A_457 = arith.constant 0 : i32
    %dma_wait3A_458 = tpu.memref_slice %arg4[%dma_wait3A_442, %dma_wait3A_443, %dma_wait3A_457] : memref<50x4x131072xf32, #tpu.memory_space<hbm>> -> memref<1x1x4096xf32, #tpu.memory_space<hbm>>
    %dma_wait3A_459 = tpu.memref_squeeze %dma_wait3A_458 : memref<1x1x4096xf32, #tpu.memory_space<hbm>> -> memref<4096xf32, #tpu.memory_space<hbm>>
    tpu.wait_dma2 semaphore(%dma_wait3A_453 : memref<!tpu.dma_semaphore, #tpu.memory_space<semaphore_mem>>) src(%dma_wait3A_459 : memref<4096xf32, #tpu.memory_space<hbm>>) dst(%dma_wait3A_456 : memref<4096xf32, #tpu.memory_space<vmem>>)
    %dma_wait3A_460 = arith.constant 0 : i32
    %dma_wait3A_461 = arith.constant 0 : i32
    %dma_wait3A_462 = arith.constant 0 : i32
    %dma_wait3A_463 = arith.constant 0 : i32
    %dma_wait3A_464 = arith.constant 4096 : i32
    %dma_wait3A_465 = tpu.memref_slice %arg7[%dma_wait3A_462, %dma_wait3A_464] : memref<3x16384xf32, #tpu.memory_space<vmem>> -> memref<1x4096xf32, #tpu.memory_space<vmem>>
    %dma_wait3A_466 = tpu.memref_squeeze %dma_wait3A_465 : memref<1x4096xf32, #tpu.memory_space<vmem>> -> memref<4096xf32, #tpu.memory_space<vmem>>
    %dma_wait3A_467 = arith.constant 0 : i32
    %dma_wait3A_468 = tpu.memref_slice %arg4[%dma_wait3A_460, %dma_wait3A_461, %dma_wait3A_467] : memref<50x4x131072xf32, #tpu.memory_space<hbm>> -> memref<1x1x4096xf32, #tpu.memory_space<hbm>>
    %dma_wait3A_469 = tpu.memref_squeeze %dma_wait3A_468 : memref<1x1x4096xf32, #tpu.memory_space<hbm>> -> memref<4096xf32, #tpu.memory_space<hbm>>
    %dma_wait3A_470 = tpu.memref_slice %arg9[%dma_wait3A_463] : memref<3x!tpu.dma_semaphore, #tpu.memory_space<semaphore_mem>> -> memref<1x!tpu.dma_semaphore, #tpu.memory_space<semaphore_mem>>
    %dma_wait3A_471 = tpu.memref_squeeze %dma_wait3A_470 : memref<1x!tpu.dma_semaphore, #tpu.memory_space<semaphore_mem>> -> memref<!tpu.dma_semaphore, #tpu.memory_space<semaphore_mem>>
    %dma_wait3A_472 = arith.constant 4096 : i32
    %dma_wait3A_473 = tpu.memref_slice %arg7[%dma_wait3A_462, %dma_wait3A_472] : memref<3x16384xf32, #tpu.memory_space<vmem>> -> memref<1x4096xf32, #tpu.memory_space<vmem>>
    %dma_wait3A_474 = tpu.memref_squeeze %dma_wait3A_473 : memref<1x4096xf32, #tpu.memory_space<vmem>> -> memref<4096xf32, #tpu.memory_space<vmem>>
    %dma_wait3A_475 = arith.constant 0 : i32
    %dma_wait3A_476 = tpu.memref_slice %arg4[%dma_wait3A_460, %dma_wait3A_461, %dma_wait3A_475] : memref<50x4x131072xf32, #tpu.memory_space<hbm>> -> memref<1x1x4096xf32, #tpu.memory_space<hbm>>
    %dma_wait3A_477 = tpu.memref_squeeze %dma_wait3A_476 : memref<1x1x4096xf32, #tpu.memory_space<hbm>> -> memref<4096xf32, #tpu.memory_space<hbm>>
    tpu.wait_dma2 semaphore(%dma_wait3A_471 : memref<!tpu.dma_semaphore, #tpu.memory_space<semaphore_mem>>) src(%dma_wait3A_477 : memref<4096xf32, #tpu.memory_space<hbm>>) dst(%dma_wait3A_474 : memref<4096xf32, #tpu.memory_space<vmem>>)
    %dma_wait3A_478 = arith.constant 0 : i32
    %dma_wait3A_479 = arith.constant 0 : i32
    %dma_wait3A_480 = arith.constant 0 : i32
    %dma_wait3A_481 = arith.constant 0 : i32
    %dma_wait3A_482 = arith.constant 8192 : i32
    %dma_wait3A_483 = tpu.memref_slice %arg7[%dma_wait3A_480, %dma_wait3A_482] : memref<3x16384xf32, #tpu.memory_space<vmem>> -> memref<1x4096xf32, #tpu.memory_space<vmem>>
    %dma_wait3A_484 = tpu.memref_squeeze %dma_wait3A_483 : memref<1x4096xf32, #tpu.memory_space<vmem>> -> memref<4096xf32, #tpu.memory_space<vmem>>
    %dma_wait3A_485 = arith.constant 0 : i32
    %dma_wait3A_486 = tpu.memref_slice %arg4[%dma_wait3A_478, %dma_wait3A_479, %dma_wait3A_485] : memref<50x4x131072xf32, #tpu.memory_space<hbm>> -> memref<1x1x4096xf32, #tpu.memory_space<hbm>>
    %dma_wait3A_487 = tpu.memref_squeeze %dma_wait3A_486 : memref<1x1x4096xf32, #tpu.memory_space<hbm>> -> memref<4096xf32, #tpu.memory_space<hbm>>
    %dma_wait3A_488 = tpu.memref_slice %arg9[%dma_wait3A_481] : memref<3x!tpu.dma_semaphore, #tpu.memory_space<semaphore_mem>> -> memref<1x!tpu.dma_semaphore, #tpu.memory_space<semaphore_mem>>
    %dma_wait3A_489 = tpu.memref_squeeze %dma_wait3A_488 : memref<1x!tpu.dma_semaphore, #tpu.memory_space<semaphore_mem>> -> memref<!tpu.dma_semaphore, #tpu.memory_space<semaphore_mem>>
    %dma_wait3A_490 = arith.constant 8192 : i32
    %dma_wait3A_491 = tpu.memref_slice %arg7[%dma_wait3A_480, %dma_wait3A_490] : memref<3x16384xf32, #tpu.memory_space<vmem>> -> memref<1x4096xf32, #tpu.memory_space<vmem>>
    %dma_wait3A_492 = tpu.memref_squeeze %dma_wait3A_491 : memref<1x4096xf32, #tpu.memory_space<vmem>> -> memref<4096xf32, #tpu.memory_space<vmem>>
    %dma_wait3A_493 = arith.constant 0 : i32
    %dma_wait3A_494 = tpu.memref_slice %arg4[%dma_wait3A_478, %dma_wait3A_479, %dma_wait3A_493] : memref<50x4x131072xf32, #tpu.memory_space<hbm>> -> memref<1x1x4096xf32, #tpu.memory_space<hbm>>
    %dma_wait3A_495 = tpu.memref_squeeze %dma_wait3A_494 : memref<1x1x4096xf32, #tpu.memory_space<hbm>> -> memref<4096xf32, #tpu.memory_space<hbm>>
    tpu.wait_dma2 semaphore(%dma_wait3A_489 : memref<!tpu.dma_semaphore, #tpu.memory_space<semaphore_mem>>) src(%dma_wait3A_495 : memref<4096xf32, #tpu.memory_space<hbm>>) dst(%dma_wait3A_492 : memref<4096xf32, #tpu.memory_space<vmem>>)
    %dma_wait3A_496 = arith.constant 0 : i32
    %dma_wait3A_497 = arith.constant 0 : i32
    %dma_wait3A_498 = arith.constant 0 : i32
    %dma_wait3A_499 = arith.constant 0 : i32
    %dma_wait3A_500 = arith.constant 12288 : i32
    %dma_wait3A_501 = tpu.memref_slice %arg7[%dma_wait3A_498, %dma_wait3A_500] : memref<3x16384xf32, #tpu.memory_space<vmem>> -> memref<1x4096xf32, #tpu.memory_space<vmem>>
    %dma_wait3A_502 = tpu.memref_squeeze %dma_wait3A_501 : memref<1x4096xf32, #tpu.memory_space<vmem>> -> memref<4096xf32, #tpu.memory_space<vmem>>
    %dma_wait3A_503 = arith.constant 0 : i32
    %dma_wait3A_504 = tpu.memref_slice %arg4[%dma_wait3A_496, %dma_wait3A_497, %dma_wait3A_503] : memref<50x4x131072xf32, #tpu.memory_space<hbm>> -> memref<1x1x4096xf32, #tpu.memory_space<hbm>>
    %dma_wait3A_505 = tpu.memref_squeeze %dma_wait3A_504 : memref<1x1x4096xf32, #tpu.memory_space<hbm>> -> memref<4096xf32, #tpu.memory_space<hbm>>
    %dma_wait3A_506 = tpu.memref_slice %arg9[%dma_wait3A_499] : memref<3x!tpu.dma_semaphore, #tpu.memory_space<semaphore_mem>> -> memref<1x!tpu.dma_semaphore, #tpu.memory_space<semaphore_mem>>
    %dma_wait3A_507 = tpu.memref_squeeze %dma_wait3A_506 : memref<1x!tpu.dma_semaphore, #tpu.memory_space<semaphore_mem>> -> memref<!tpu.dma_semaphore, #tpu.memory_space<semaphore_mem>>
    %dma_wait3A_508 = arith.constant 12288 : i32
    %dma_wait3A_509 = tpu.memref_slice %arg7[%dma_wait3A_498, %dma_wait3A_508] : memref<3x16384xf32, #tpu.memory_space<vmem>> -> memref<1x4096xf32, #tpu.memory_space<vmem>>
    %dma_wait3A_510 = tpu.memref_squeeze %dma_wait3A_509 : memref<1x4096xf32, #tpu.memory_space<vmem>> -> memref<4096xf32, #tpu.memory_space<vmem>>
    %dma_wait3A_511 = arith.constant 0 : i32
    %dma_wait3A_512 = tpu.memref_slice %arg4[%dma_wait3A_496, %dma_wait3A_497, %dma_wait3A_511] : memref<50x4x131072xf32, #tpu.memory_space<hbm>> -> memref<1x1x4096xf32, #tpu.memory_space<hbm>>
    %dma_wait3A_513 = tpu.memref_squeeze %dma_wait3A_512 : memref<1x1x4096xf32, #tpu.memory_space<hbm>> -> memref<4096xf32, #tpu.memory_space<hbm>>
    tpu.wait_dma2 semaphore(%dma_wait3A_507 : memref<!tpu.dma_semaphore, #tpu.memory_space<semaphore_mem>>) src(%dma_wait3A_513 : memref<4096xf32, #tpu.memory_space<hbm>>) dst(%dma_wait3A_510 : memref<4096xf32, #tpu.memory_space<vmem>>)
    %dma_wait3A_514 = arith.constant 0 : i32
    %dma_wait3A_515 = arith.constant 0 : i32
    %dma_wait3A_516 = arith.constant 1 : i32
    %dma_wait3A_517 = arith.constant 1 : i32
    %dma_wait3A_518 = arith.constant 0 : i32
    %dma_wait3A_519 = tpu.memref_slice %arg7[%dma_wait3A_516, %dma_wait3A_518] : memref<3x16384xf32, #tpu.memory_space<vmem>> -> memref<1x4096xf32, #tpu.memory_space<vmem>>
    %dma_wait3A_520 = tpu.memref_squeeze %dma_wait3A_519 : memref<1x4096xf32, #tpu.memory_space<vmem>> -> memref<4096xf32, #tpu.memory_space<vmem>>
    %dma_wait3A_521 = arith.constant 0 : i32
    %dma_wait3A_522 = tpu.memref_slice %arg4[%dma_wait3A_514, %dma_wait3A_515, %dma_wait3A_521] : memref<50x4x131072xf32, #tpu.memory_space<hbm>> -> memref<1x1x4096xf32, #tpu.memory_space<hbm>>
    %dma_wait3A_523 = tpu.memref_squeeze %dma_wait3A_522 : memref<1x1x4096xf32, #tpu.memory_space<hbm>> -> memref<4096xf32, #tpu.memory_space<hbm>>
    %dma_wait3A_524 = tpu.memref_slice %arg9[%dma_wait3A_517] : memref<3x!tpu.dma_semaphore, #tpu.memory_space<semaphore_mem>> -> memref<1x!tpu.dma_semaphore, #tpu.memory_space<semaphore_mem>>
    %dma_wait3A_525 = tpu.memref_squeeze %dma_wait3A_524 : memref<1x!tpu.dma_semaphore, #tpu.memory_space<semaphore_mem>> -> memref<!tpu.dma_semaphore, #tpu.memory_space<semaphore_mem>>
    %dma_wait3A_526 = arith.constant 0 : i32
    %dma_wait3A_527 = tpu.memref_slice %arg7[%dma_wait3A_516, %dma_wait3A_526] : memref<3x16384xf32, #tpu.memory_space<vmem>> -> memref<1x4096xf32, #tpu.memory_space<vmem>>
    %dma_wait3A_528 = tpu.memref_squeeze %dma_wait3A_527 : memref<1x4096xf32, #tpu.memory_space<vmem>> -> memref<4096xf32, #tpu.memory_space<vmem>>
    %dma_wait3A_529 = arith.constant 0 : i32
    %dma_wait3A_530 = tpu.memref_slice %arg4[%dma_wait3A_514, %dma_wait3A_515, %dma_wait3A_529] : memref<50x4x131072xf32, #tpu.memory_space<hbm>> -> memref<1x1x4096xf32, #tpu.memory_space<hbm>>
    %dma_wait3A_531 = tpu.memref_squeeze %dma_wait3A_530 : memref<1x1x4096xf32, #tpu.memory_space<hbm>> -> memref<4096xf32, #tpu.memory_space<hbm>>
    tpu.wait_dma2 semaphore(%dma_wait3A_525 : memref<!tpu.dma_semaphore, #tpu.memory_space<semaphore_mem>>) src(%dma_wait3A_531 : memref<4096xf32, #tpu.memory_space<hbm>>) dst(%dma_wait3A_528 : memref<4096xf32, #tpu.memory_space<vmem>>)
    %dma_wait3A_532 = arith.constant 0 : i32
    %dma_wait3A_533 = arith.constant 0 : i32
    %dma_wait3A_534 = arith.constant 1 : i32
    %dma_wait3A_535 = arith.constant 1 : i32
    %dma_wait3A_536 = arith.constant 4096 : i32
    %dma_wait3A_537 = tpu.memref_slice %arg7[%dma_wait3A_534, %dma_wait3A_536] : memref<3x16384xf32, #tpu.memory_space<vmem>> -> memref<1x4096xf32, #tpu.memory_space<vmem>>
    %dma_wait3A_538 = tpu.memref_squeeze %dma_wait3A_537 : memref<1x4096xf32, #tpu.memory_space<vmem>> -> memref<4096xf32, #tpu.memory_space<vmem>>
    %dma_wait3A_539 = arith.constant 0 : i32
    %dma_wait3A_540 = tpu.memref_slice %arg4[%dma_wait3A_532, %dma_wait3A_533, %dma_wait3A_539] : memref<50x4x131072xf32, #tpu.memory_space<hbm>> -> memref<1x1x4096xf32, #tpu.memory_space<hbm>>
    %dma_wait3A_541 = tpu.memref_squeeze %dma_wait3A_540 : memref<1x1x4096xf32, #tpu.memory_space<hbm>> -> memref<4096xf32, #tpu.memory_space<hbm>>
    %dma_wait3A_542 = tpu.memref_slice %arg9[%dma_wait3A_535] : memref<3x!tpu.dma_semaphore, #tpu.memory_space<semaphore_mem>> -> memref<1x!tpu.dma_semaphore, #tpu.memory_space<semaphore_mem>>
    %dma_wait3A_543 = tpu.memref_squeeze %dma_wait3A_542 : memref<1x!tpu.dma_semaphore, #tpu.memory_space<semaphore_mem>> -> memref<!tpu.dma_semaphore, #tpu.memory_space<semaphore_mem>>
    %dma_wait3A_544 = arith.constant 4096 : i32
    %dma_wait3A_545 = tpu.memref_slice %arg7[%dma_wait3A_534, %dma_wait3A_544] : memref<3x16384xf32, #tpu.memory_space<vmem>> -> memref<1x4096xf32, #tpu.memory_space<vmem>>
    %dma_wait3A_546 = tpu.memref_squeeze %dma_wait3A_545 : memref<1x4096xf32, #tpu.memory_space<vmem>> -> memref<4096xf32, #tpu.memory_space<vmem>>
    %dma_wait3A_547 = arith.constant 0 : i32
    %dma_wait3A_548 = tpu.memref_slice %arg4[%dma_wait3A_532, %dma_wait3A_533, %dma_wait3A_547] : memref<50x4x131072xf32, #tpu.memory_space<hbm>> -> memref<1x1x4096xf32, #tpu.memory_space<hbm>>
    %dma_wait3A_549 = tpu.memref_squeeze %dma_wait3A_548 : memref<1x1x4096xf32, #tpu.memory_space<hbm>> -> memref<4096xf32, #tpu.memory_space<hbm>>
    tpu.wait_dma2 semaphore(%dma_wait3A_543 : memref<!tpu.dma_semaphore, #tpu.memory_space<semaphore_mem>>) src(%dma_wait3A_549 : memref<4096xf32, #tpu.memory_space<hbm>>) dst(%dma_wait3A_546 : memref<4096xf32, #tpu.memory_space<vmem>>)
    %dma_wait3A_550 = arith.constant 0 : i32
    %dma_wait3A_551 = arith.constant 0 : i32
    %dma_wait3A_552 = arith.constant 1 : i32
    %dma_wait3A_553 = arith.constant 1 : i32
    %dma_wait3A_554 = arith.constant 8192 : i32
    %dma_wait3A_555 = tpu.memref_slice %arg7[%dma_wait3A_552, %dma_wait3A_554] : memref<3x16384xf32, #tpu.memory_space<vmem>> -> memref<1x4096xf32, #tpu.memory_space<vmem>>
    %dma_wait3A_556 = tpu.memref_squeeze %dma_wait3A_555 : memref<1x4096xf32, #tpu.memory_space<vmem>> -> memref<4096xf32, #tpu.memory_space<vmem>>
    %dma_wait3A_557 = arith.constant 0 : i32
    %dma_wait3A_558 = tpu.memref_slice %arg4[%dma_wait3A_550, %dma_wait3A_551, %dma_wait3A_557] : memref<50x4x131072xf32, #tpu.memory_space<hbm>> -> memref<1x1x4096xf32, #tpu.memory_space<hbm>>
    %dma_wait3A_559 = tpu.memref_squeeze %dma_wait3A_558 : memref<1x1x4096xf32, #tpu.memory_space<hbm>> -> memref<4096xf32, #tpu.memory_space<hbm>>
    %dma_wait3A_560 = tpu.memref_slice %arg9[%dma_wait3A_553] : memref<3x!tpu.dma_semaphore, #tpu.memory_space<semaphore_mem>> -> memref<1x!tpu.dma_semaphore, #tpu.memory_space<semaphore_mem>>
    %dma_wait3A_561 = tpu.memref_squeeze %dma_wait3A_560 : memref<1x!tpu.dma_semaphore, #tpu.memory_space<semaphore_mem>> -> memref<!tpu.dma_semaphore, #tpu.memory_space<semaphore_mem>>
    %dma_wait3A_562 = arith.constant 8192 : i32
    %dma_wait3A_563 = tpu.memref_slice %arg7[%dma_wait3A_552, %dma_wait3A_562] : memref<3x16384xf32, #tpu.memory_space<vmem>> -> memref<1x4096xf32, #tpu.memory_space<vmem>>
    %dma_wait3A_564 = tpu.memref_squeeze %dma_wait3A_563 : memref<1x4096xf32, #tpu.memory_space<vmem>> -> memref<4096xf32, #tpu.memory_space<vmem>>
    %dma_wait3A_565 = arith.constant 0 : i32
    %dma_wait3A_566 = tpu.memref_slice %arg4[%dma_wait3A_550, %dma_wait3A_551, %dma_wait3A_565] : memref<50x4x131072xf32, #tpu.memory_space<hbm>> -> memref<1x1x4096xf32, #tpu.memory_space<hbm>>
    %dma_wait3A_567 = tpu.memref_squeeze %dma_wait3A_566 : memref<1x1x4096xf32, #tpu.memory_space<hbm>> -> memref<4096xf32, #tpu.memory_space<hbm>>
    tpu.wait_dma2 semaphore(%dma_wait3A_561 : memref<!tpu.dma_semaphore, #tpu.memory_space<semaphore_mem>>) src(%dma_wait3A_567 : memref<4096xf32, #tpu.memory_space<hbm>>) dst(%dma_wait3A_564 : memref<4096xf32, #tpu.memory_space<vmem>>)
    %dma_wait3A_568 = arith.constant 0 : i32
    %dma_wait3A_569 = arith.constant 0 : i32
    %dma_wait3A_570 = arith.constant 1 : i32
    %dma_wait3A_571 = arith.constant 1 : i32
    %dma_wait3A_572 = arith.constant 12288 : i32
    %dma_wait3A_573 = tpu.memref_slice %arg7[%dma_wait3A_570, %dma_wait3A_572] : memref<3x16384xf32, #tpu.memory_space<vmem>> -> memref<1x4096xf32, #tpu.memory_space<vmem>>
    %dma_wait3A_574 = tpu.memref_squeeze %dma_wait3A_573 : memref<1x4096xf32, #tpu.memory_space<vmem>> -> memref<4096xf32, #tpu.memory_space<vmem>>
    %dma_wait3A_575 = arith.constant 0 : i32
    %dma_wait3A_576 = tpu.memref_slice %arg4[%dma_wait3A_568, %dma_wait3A_569, %dma_wait3A_575] : memref<50x4x131072xf32, #tpu.memory_space<hbm>> -> memref<1x1x4096xf32, #tpu.memory_space<hbm>>
    %dma_wait3A_577 = tpu.memref_squeeze %dma_wait3A_576 : memref<1x1x4096xf32, #tpu.memory_space<hbm>> -> memref<4096xf32, #tpu.memory_space<hbm>>
    %dma_wait3A_578 = tpu.memref_slice %arg9[%dma_wait3A_571] : memref<3x!tpu.dma_semaphore, #tpu.memory_space<semaphore_mem>> -> memref<1x!tpu.dma_semaphore, #tpu.memory_space<semaphore_mem>>
    %dma_wait3A_579 = tpu.memref_squeeze %dma_wait3A_578 : memref<1x!tpu.dma_semaphore, #tpu.memory_space<semaphore_mem>> -> memref<!tpu.dma_semaphore, #tpu.memory_space<semaphore_mem>>
    %dma_wait3A_580 = arith.constant 12288 : i32
    %dma_wait3A_581 = tpu.memref_slice %arg7[%dma_wait3A_570, %dma_wait3A_580] : memref<3x16384xf32, #tpu.memory_space<vmem>> -> memref<1x4096xf32, #tpu.memory_space<vmem>>
    %dma_wait3A_582 = tpu.memref_squeeze %dma_wait3A_581 : memref<1x4096xf32, #tpu.memory_space<vmem>> -> memref<4096xf32, #tpu.memory_space<vmem>>
    %dma_wait3A_583 = arith.constant 0 : i32
    %dma_wait3A_584 = tpu.memref_slice %arg4[%dma_wait3A_568, %dma_wait3A_569, %dma_wait3A_583] : memref<50x4x131072xf32, #tpu.memory_space<hbm>> -> memref<1x1x4096xf32, #tpu.memory_space<hbm>>
    %dma_wait3A_585 = tpu.memref_squeeze %dma_wait3A_584 : memref<1x1x4096xf32, #tpu.memory_space<hbm>> -> memref<4096xf32, #tpu.memory_space<hbm>>
    tpu.wait_dma2 semaphore(%dma_wait3A_579 : memref<!tpu.dma_semaphore, #tpu.memory_space<semaphore_mem>>) src(%dma_wait3A_585 : memref<4096xf32, #tpu.memory_space<hbm>>) dst(%dma_wait3A_582 : memref<4096xf32, #tpu.memory_space<vmem>>)
    %dma_wait3A_586 = arith.constant 0 : i32
    %dma_wait3A_587 = arith.constant 0 : i32
    %dma_wait3A_588 = arith.constant 2 : i32
    %dma_wait3A_589 = arith.constant 2 : i32
    %dma_wait3A_590 = arith.constant 0 : i32
    %dma_wait3A_591 = tpu.memref_slice %arg7[%dma_wait3A_588, %dma_wait3A_590] : memref<3x16384xf32, #tpu.memory_space<vmem>> -> memref<1x4096xf32, #tpu.memory_space<vmem>>
    %dma_wait3A_592 = tpu.memref_squeeze %dma_wait3A_591 : memref<1x4096xf32, #tpu.memory_space<vmem>> -> memref<4096xf32, #tpu.memory_space<vmem>>
    %dma_wait3A_593 = arith.constant 0 : i32
    %dma_wait3A_594 = tpu.memref_slice %arg4[%dma_wait3A_586, %dma_wait3A_587, %dma_wait3A_593] : memref<50x4x131072xf32, #tpu.memory_space<hbm>> -> memref<1x1x4096xf32, #tpu.memory_space<hbm>>
    %dma_wait3A_595 = tpu.memref_squeeze %dma_wait3A_594 : memref<1x1x4096xf32, #tpu.memory_space<hbm>> -> memref<4096xf32, #tpu.memory_space<hbm>>
    %dma_wait3A_596 = tpu.memref_slice %arg9[%dma_wait3A_589] : memref<3x!tpu.dma_semaphore, #tpu.memory_space<semaphore_mem>> -> memref<1x!tpu.dma_semaphore, #tpu.memory_space<semaphore_mem>>
    %dma_wait3A_597 = tpu.memref_squeeze %dma_wait3A_596 : memref<1x!tpu.dma_semaphore, #tpu.memory_space<semaphore_mem>> -> memref<!tpu.dma_semaphore, #tpu.memory_space<semaphore_mem>>
    %dma_wait3A_598 = arith.constant 0 : i32
    %dma_wait3A_599 = tpu.memref_slice %arg7[%dma_wait3A_588, %dma_wait3A_598] : memref<3x16384xf32, #tpu.memory_space<vmem>> -> memref<1x4096xf32, #tpu.memory_space<vmem>>
    %dma_wait3A_600 = tpu.memref_squeeze %dma_wait3A_599 : memref<1x4096xf32, #tpu.memory_space<vmem>> -> memref<4096xf32, #tpu.memory_space<vmem>>
    %dma_wait3A_601 = arith.constant 0 : i32
    %dma_wait3A_602 = tpu.memref_slice %arg4[%dma_wait3A_586, %dma_wait3A_587, %dma_wait3A_601] : memref<50x4x131072xf32, #tpu.memory_space<hbm>> -> memref<1x1x4096xf32, #tpu.memory_space<hbm>>
    %dma_wait3A_603 = tpu.memref_squeeze %dma_wait3A_602 : memref<1x1x4096xf32, #tpu.memory_space<hbm>> -> memref<4096xf32, #tpu.memory_space<hbm>>
    tpu.wait_dma2 semaphore(%dma_wait3A_597 : memref<!tpu.dma_semaphore, #tpu.memory_space<semaphore_mem>>) src(%dma_wait3A_603 : memref<4096xf32, #tpu.memory_space<hbm>>) dst(%dma_wait3A_600 : memref<4096xf32, #tpu.memory_space<vmem>>)
    %dma_wait3A_604 = arith.constant 0 : i32
    %dma_wait3A_605 = arith.constant 0 : i32
    %dma_wait3A_606 = arith.constant 2 : i32
    %dma_wait3A_607 = arith.constant 2 : i32
    %dma_wait3A_608 = arith.constant 4096 : i32
    %dma_wait3A_609 = tpu.memref_slice %arg7[%dma_wait3A_606, %dma_wait3A_608] : memref<3x16384xf32, #tpu.memory_space<vmem>> -> memref<1x4096xf32, #tpu.memory_space<vmem>>
    %dma_wait3A_610 = tpu.memref_squeeze %dma_wait3A_609 : memref<1x4096xf32, #tpu.memory_space<vmem>> -> memref<4096xf32, #tpu.memory_space<vmem>>
    %dma_wait3A_611 = arith.constant 0 : i32
    %dma_wait3A_612 = tpu.memref_slice %arg4[%dma_wait3A_604, %dma_wait3A_605, %dma_wait3A_611] : memref<50x4x131072xf32, #tpu.memory_space<hbm>> -> memref<1x1x4096xf32, #tpu.memory_space<hbm>>
    %dma_wait3A_613 = tpu.memref_squeeze %dma_wait3A_612 : memref<1x1x4096xf32, #tpu.memory_space<hbm>> -> memref<4096xf32, #tpu.memory_space<hbm>>
    %dma_wait3A_614 = tpu.memref_slice %arg9[%dma_wait3A_607] : memref<3x!tpu.dma_semaphore, #tpu.memory_space<semaphore_mem>> -> memref<1x!tpu.dma_semaphore, #tpu.memory_space<semaphore_mem>>
    %dma_wait3A_615 = tpu.memref_squeeze %dma_wait3A_614 : memref<1x!tpu.dma_semaphore, #tpu.memory_space<semaphore_mem>> -> memref<!tpu.dma_semaphore, #tpu.memory_space<semaphore_mem>>
    %dma_wait3A_616 = arith.constant 4096 : i32
    %dma_wait3A_617 = tpu.memref_slice %arg7[%dma_wait3A_606, %dma_wait3A_616] : memref<3x16384xf32, #tpu.memory_space<vmem>> -> memref<1x4096xf32, #tpu.memory_space<vmem>>
    %dma_wait3A_618 = tpu.memref_squeeze %dma_wait3A_617 : memref<1x4096xf32, #tpu.memory_space<vmem>> -> memref<4096xf32, #tpu.memory_space<vmem>>
    %dma_wait3A_619 = arith.constant 0 : i32
    %dma_wait3A_620 = tpu.memref_slice %arg4[%dma_wait3A_604, %dma_wait3A_605, %dma_wait3A_619] : memref<50x4x131072xf32, #tpu.memory_space<hbm>> -> memref<1x1x4096xf32, #tpu.memory_space<hbm>>
    %dma_wait3A_621 = tpu.memref_squeeze %dma_wait3A_620 : memref<1x1x4096xf32, #tpu.memory_space<hbm>> -> memref<4096xf32, #tpu.memory_space<hbm>>
    tpu.wait_dma2 semaphore(%dma_wait3A_615 : memref<!tpu.dma_semaphore, #tpu.memory_space<semaphore_mem>>) src(%dma_wait3A_621 : memref<4096xf32, #tpu.memory_space<hbm>>) dst(%dma_wait3A_618 : memref<4096xf32, #tpu.memory_space<vmem>>)
    %dma_wait3A_622 = arith.constant 0 : i32
    %dma_wait3A_623 = arith.constant 0 : i32
    %dma_wait3A_624 = arith.constant 2 : i32
    %dma_wait3A_625 = arith.constant 2 : i32
    %dma_wait3A_626 = arith.constant 8192 : i32
    %dma_wait3A_627 = tpu.memref_slice %arg7[%dma_wait3A_624, %dma_wait3A_626] : memref<3x16384xf32, #tpu.memory_space<vmem>> -> memref<1x4096xf32, #tpu.memory_space<vmem>>
    %dma_wait3A_628 = tpu.memref_squeeze %dma_wait3A_627 : memref<1x4096xf32, #tpu.memory_space<vmem>> -> memref<4096xf32, #tpu.memory_space<vmem>>
    %dma_wait3A_629 = arith.constant 0 : i32
    %dma_wait3A_630 = tpu.memref_slice %arg4[%dma_wait3A_622, %dma_wait3A_623, %dma_wait3A_629] : memref<50x4x131072xf32, #tpu.memory_space<hbm>> -> memref<1x1x4096xf32, #tpu.memory_space<hbm>>
    %dma_wait3A_631 = tpu.memref_squeeze %dma_wait3A_630 : memref<1x1x4096xf32, #tpu.memory_space<hbm>> -> memref<4096xf32, #tpu.memory_space<hbm>>
    %dma_wait3A_632 = tpu.memref_slice %arg9[%dma_wait3A_625] : memref<3x!tpu.dma_semaphore, #tpu.memory_space<semaphore_mem>> -> memref<1x!tpu.dma_semaphore, #tpu.memory_space<semaphore_mem>>
    %dma_wait3A_633 = tpu.memref_squeeze %dma_wait3A_632 : memref<1x!tpu.dma_semaphore, #tpu.memory_space<semaphore_mem>> -> memref<!tpu.dma_semaphore, #tpu.memory_space<semaphore_mem>>
    %dma_wait3A_634 = arith.constant 8192 : i32
    %dma_wait3A_635 = tpu.memref_slice %arg7[%dma_wait3A_624, %dma_wait3A_634] : memref<3x16384xf32, #tpu.memory_space<vmem>> -> memref<1x4096xf32, #tpu.memory_space<vmem>>
    %dma_wait3A_636 = tpu.memref_squeeze %dma_wait3A_635 : memref<1x4096xf32, #tpu.memory_space<vmem>> -> memref<4096xf32, #tpu.memory_space<vmem>>
    %dma_wait3A_637 = arith.constant 0 : i32
    %dma_wait3A_638 = tpu.memref_slice %arg4[%dma_wait3A_622, %dma_wait3A_623, %dma_wait3A_637] : memref<50x4x131072xf32, #tpu.memory_space<hbm>> -> memref<1x1x4096xf32, #tpu.memory_space<hbm>>
    %dma_wait3A_639 = tpu.memref_squeeze %dma_wait3A_638 : memref<1x1x4096xf32, #tpu.memory_space<hbm>> -> memref<4096xf32, #tpu.memory_space<hbm>>
    tpu.wait_dma2 semaphore(%dma_wait3A_633 : memref<!tpu.dma_semaphore, #tpu.memory_space<semaphore_mem>>) src(%dma_wait3A_639 : memref<4096xf32, #tpu.memory_space<hbm>>) dst(%dma_wait3A_636 : memref<4096xf32, #tpu.memory_space<vmem>>)
    %dma_wait3A_640 = arith.constant 0 : i32
    %dma_wait3A_641 = arith.constant 0 : i32
    %dma_wait3A_642 = arith.constant 2 : i32
    %dma_wait3A_643 = arith.constant 2 : i32
    %dma_wait3A_644 = arith.constant 12288 : i32
    %dma_wait3A_645 = tpu.memref_slice %arg7[%dma_wait3A_642, %dma_wait3A_644] : memref<3x16384xf32, #tpu.memory_space<vmem>> -> memref<1x4096xf32, #tpu.memory_space<vmem>>
    %dma_wait3A_646 = tpu.memref_squeeze %dma_wait3A_645 : memref<1x4096xf32, #tpu.memory_space<vmem>> -> memref<4096xf32, #tpu.memory_space<vmem>>
    %dma_wait3A_647 = arith.constant 0 : i32
    %dma_wait3A_648 = tpu.memref_slice %arg4[%dma_wait3A_640, %dma_wait3A_641, %dma_wait3A_647] : memref<50x4x131072xf32, #tpu.memory_space<hbm>> -> memref<1x1x4096xf32, #tpu.memory_space<hbm>>
    %dma_wait3A_649 = tpu.memref_squeeze %dma_wait3A_648 : memref<1x1x4096xf32, #tpu.memory_space<hbm>> -> memref<4096xf32, #tpu.memory_space<hbm>>
    %dma_wait3A_650 = tpu.memref_slice %arg9[%dma_wait3A_643] : memref<3x!tpu.dma_semaphore, #tpu.memory_space<semaphore_mem>> -> memref<1x!tpu.dma_semaphore, #tpu.memory_space<semaphore_mem>>
    %dma_wait3A_651 = tpu.memref_squeeze %dma_wait3A_650 : memref<1x!tpu.dma_semaphore, #tpu.memory_space<semaphore_mem>> -> memref<!tpu.dma_semaphore, #tpu.memory_space<semaphore_mem>>
    %dma_wait3A_652 = arith.constant 12288 : i32
    %dma_wait3A_653 = tpu.memref_slice %arg7[%dma_wait3A_642, %dma_wait3A_652] : memref<3x16384xf32, #tpu.memory_space<vmem>> -> memref<1x4096xf32, #tpu.memory_space<vmem>>
    %dma_wait3A_654 = tpu.memref_squeeze %dma_wait3A_653 : memref<1x4096xf32, #tpu.memory_space<vmem>> -> memref<4096xf32, #tpu.memory_space<vmem>>
    %dma_wait3A_655 = arith.constant 0 : i32
    %dma_wait3A_656 = tpu.memref_slice %arg4[%dma_wait3A_640, %dma_wait3A_641, %dma_wait3A_655] : memref<50x4x131072xf32, #tpu.memory_space<hbm>> -> memref<1x1x4096xf32, #tpu.memory_space<hbm>>
    %dma_wait3A_657 = tpu.memref_squeeze %dma_wait3A_656 : memref<1x1x4096xf32, #tpu.memory_space<hbm>> -> memref<4096xf32, #tpu.memory_space<hbm>>
    tpu.wait_dma2 semaphore(%dma_wait3A_651 : memref<!tpu.dma_semaphore, #tpu.memory_space<semaphore_mem>>) src(%dma_wait3A_657 : memref<4096xf32, #tpu.memory_space<hbm>>) dst(%dma_wait3A_654 : memref<4096xf32, #tpu.memory_space<vmem>>)
    return
  }
}

</mosaic_0001>

<sc_bundles>
// kernel: _embedding_sc.3.cloned.1.call-start
scs
__scs_entry_jumppad:
0x0: {  	(pc) =	sbr.rel $0x88, $3  }
0x1: {  	(tag) =	ssettag $0x0;
	lr =	simm.s32 $0x1  }
0x2: {  	[smem:$0x3F9F] =	sst lr;
	_ =	strace $0xD0000000  }
0x3: {  	_ = 	snop  }
0x4: {  	_ = 	snop  }
0x5: {  	_ = 	snop  }
0x6: {  	_ = 	snop  }
0x7: {  	_ = 	snop  }
__scs_overlays_trampoline_lowered:
0x8: {  	[smem:$0x3FAE] =	sst s0  }
0x9: {  	[smem:$0x3FAF] =	sst s1  }
0xa: {  	[smem:$0x3FB0] =	sst s2  }
0xb: {  	[smem:$0x3FB1] =	sst s3  }
0xc: {  	[smem:$0x3FB2] =	sst s4  }
0xd: {  	[smem:$0x3FB3] =	sst s5  }
0xe: {  	[smem:$0x3FB4] =	sst s6  }
0xf: {  	[smem:$0x3FB5] =	sst s7  }
0x10: {  	[smem:$0x3FB6] =	sst s8  }
0x11: {  	[smem:$0x3FB7] =	sst s9;
	s0 =	simm.s32 @!p0 $0x0  }
0x12: {  	s1 =	sld [smem:$0x3F9D];
	s0 =	simm.s32 @p0 $0x1  }
0x13: {  	[smem:$0x3FB8] =	sst s0;
	s0 =	simm.s32 @!p1 $0x0  }
0x14: {  	s2 =	sld [smem:$0x3F9C];
	s0 =	simm.s32 @p1 $0x1  }
0x15: {  	[smem:$0x3FB9] =	sst s0;
	s0 =	simm.s32 @!p2 $0x0  }
0x16: {  	s3 =	sld [smem:$0x3FDB];
	s0 =	simm.s32 @p2 $0x1  }
0x17: {  	s4 =	simm.s32 $0x1BF5;
	[smem:$0x3FBB] =	sst s0  }
0x18: {  	s0 =	sld [smem:$0x3F9E];
	_ =	swait.ge [sflag:s4], $0x0  }
0x19: {  	s7 =	sld [smem:$0x3F9F]  }
0x1a: {  	s8 =	sadd.s32 $0xFFFFE003, lr  }
0x1b: {  	s9 =	sadd.s32 $0xFFFFFEF7, lr;
	s5 =	simm.s32 $0xFFFFFFFF;
	p2 =	slt.u32 s8, $0xFFFFF086  }
0x1c: {  	p1 =	slt.u32 s9, $0xF7A;
	s5 =	simm.s32 @!p2 $0x0  }
0x1d: {  	s5 =	simm.s32 @p1 $0x1;
	p0 =	seq.s32 s7, s2  }
0x1e: {  	s7 =	smul.u32 @!p0 $0xF7A, s2;
	p2 =	seq.s32 @!p0 s5, $0x0  }
0x1f: {  	s9 =	smul.u32 $0xF7A, s1;
	s8 =	simm.s32 @!p0 $0x1BF5;
	p2 =	por !p2, p0  }
0x20: {  	[sflag:s8] =	ssyncset.s32 @!p0 $0xFFFFF086;
	s6 =	sadd.s32 @!p0 s3, s7;
	s7 =	simm.s32 @!p0 $0x108  }
0x21: {  	s3 =	sadd.s32 s3, s9;
	s6 =	sadd.s32 @!p0 $0x88, s6;
	s7 =	simm.s32 @p2 $0x1082  }
0x22: {  	[simem:s7], [sflag:s8] =	dma.local @!p0 [hbm:s6], $0xF7A  }
0x23: {  	s9 =	sor.u32 $0xD0000000, s2;
	s6 =	simm.s32 $0x108;
	_ =	swait.ge @!p0 [sflag:s8], $0x0  }
0x24: {  	s3 =	sadd.s32 $0x88, s3;
	s6 =	simm.s32 @!p1 $0x1082;
	[sflag:s4] =	ssyncset.s32 $0xFFFFF086  }
0x25: {  	[simem:s6], [sflag:s4] =	dma.local [hbm:s3], $0xF7A  }
0x26: {  	[smem:$0x3F9F] =	sst s1;
	(tag) =	ssettag s2;
	_ =	strace s9  }
0x27: {  	s1 =	sld [smem:$0x3FAF]  }
0x28: {  	s2 =	sld [smem:$0x3FB0]  }
0x29: {  	s4 =	sld [smem:$0x3FB2]  }
0x2a: {  	p0 =	seq.s32 s5, $0x0;
	s5 =	sld [smem:$0x3FB3]  }
0x2b: {  	s6 =	sld [smem:$0x3FB4]  }
0x2c: {  	s7 =	sld [smem:$0x3FB5]  }
0x2d: {  	s3 =	simm.s32 $0x108;
	s8 =	sld [smem:$0x3FB6]  }
0x2e: {  	s3 =	simm.s32 @!p0 $0x1082;
	s9 =	sld [smem:$0x3FB7]  }
0x2f: {  	lr =	sadd.s32 s0, s3;
	s0 =	sld [smem:$0x3FAE]  }
0x30: {  	s3 =	sld [smem:$0x3FB1]  }
0x31: {  	[smem:$0x3FBA] =	sst s10  }
0x32: {  	s10 =	sld [smem:$0x3FB8];
	_ =	sdelay $0x3  }
0x33: {  	p0 =	seq.s32 s10, $0x1;
	s10 =	sld [smem:$0x3FBA];
	_ =	sdelay $0x3  }
0x34: {  	[smem:$0x3FBA] =	sst s10  }
0x35: {  	s10 =	sld [smem:$0x3FB9];
	_ =	sdelay $0x3  }
0x36: {  	p1 =	seq.s32 s10, $0x1;
	s10 =	sld [smem:$0x3FBA];
	_ =	sdelay $0x3  }
0x37: {  	[smem:$0x3FBA] =	sst s10  }
0x38: {  	s10 =	sld [smem:$0x3FBB]  }
0x39: {  	_ = 	snop;
	(pc) =	sbr.ind lr, $3  }
0x3a: {  	_ = 	snop  }
0x3b: {  	_ = 	snop  }
0x3c: {  	p2 =	seq.s32 s10, $0x1;
	s10 =	sld [smem:$0x3FBA]  }
0x3d: {  	_ =	shalt  }
0x3e: {  	_ =	shalt  }
0x3f: {  	_ =	shalt  }
0x40: {  	_ =	shalt  }
0x41: {  	_ =	shalt  }
0x42: {  	_ =	shalt  }
0x43: {  	_ =	shalt  }
0x44: {  	_ =	shalt  }
0x45: {  	_ =	shalt  }
0x46: {  	_ =	shalt  }
0x47: {  	_ =	shalt  }
0x48: {  	_ =	shalt  }
0x49: {  	_ =	shalt  }
0x4a: {  	_ =	shalt  }
0x4b: {  	_ =	shalt  }
0x4c: {  	_ =	shalt  }
0x4d: {  	_ =	shalt  }
0x4e: {  	_ =	shalt  }
0x4f: {  	_ =	shalt  }
0x50: {  	_ =	shalt  }
0x51: {  	_ =	shalt  }
0x52: {  	_ =	shalt  }
0x53: {  	_ =	shalt  }
0x54: {  	_ =	shalt  }
0x55: {  	_ =	shalt  }
0x56: {  	_ =	shalt  }
0x57: {  	_ =	shalt  }
0x58: {  	_ =	shalt  }
0x59: {  	_ =	shalt  }
0x5a: {  	_ =	shalt  }
0x5b: {  	_ =	shalt  }
0x5c: {  	_ =	shalt  }
0x5d: {  	_ =	shalt  }
0x5e: {  	_ =	shalt  }
0x5f: {  	_ =	shalt  }
0x60: {  	_ =	shalt  }
0x61: {  	_ =	shalt  }
0x62: {  	_ =	shalt  }
0x63: {  	_ =	shalt  }
0x64: {  	_ =	shalt  }
0x65: {  	_ =	shalt  }
0x66: {  	_ =	shalt  }
0x67: {  	_ =	shalt  }
0x68: {  	_ =	shalt  }
0x69: {  	_ =	shalt  }
0x6a: {  	_ =	shalt  }
0x6b: {  	_ =	shalt  }
0x6c: {  	_ =	shalt  }
0x6d: {  	_ =	shalt  }
0x6e: {  	_ =	shalt  }
0x6f: {  	_ =	shalt  }
0x70: {  	_ =	shalt  }
0x71: {  	_ =	shalt  }
0x72: {  	_ =	shalt  }
0x73: {  	_ =	shalt  }
0x74: {  	_ =	shalt  }
0x75: {  	_ =	shalt  }
0x76: {  	_ =	shalt  }
0x77: {  	_ =	shalt  }
0x78: {  	_ =	shalt  }
0x79: {  	_ =	shalt  }
0x7a: {  	_ =	shalt  }
0x7b: {  	_ =	shalt  }
0x7c: {  	_ =	shalt  }
0x7d: {  	_ =	shalt  }
0x7e: {  	_ =	shalt  }
0x7f: {  	_ =	shalt  }
0x80: {  	_ =	shalt  }
0x81: {  	_ =	shalt  }
0x82: {  	_ =	shalt  }
0x83: {  	_ =	shalt  }
0x84: {  	_ =	shalt  }
0x85: {  	_ =	shalt  }
0x86: {  	_ =	shalt  }
0x87: {  	_ =	shalt  }
.Lfunc_end0:
.L_simem_size_0:
called_computation_lowered:
.L_overlay_start_0:
0x88: {  	s2 =	sld [smem:$0x3FD9]  }
0x89: {  	s3 =	sld [smem:$0x3FFE];
	_ =	sdelay $0x1  }
0x8a: {  	s1 =	srdreg.scid  }
0x8b: {  	s0 =	sand.u32 $0x1, s1  }
0x8c: {  	s17 =	sshll.u32 s0, $0xA;
	s2 =	sadd.s32 s3, s2  }
0x8d: {  	s2 =	sadd.s32 s2, s17  }
0x8e: {  	[smem:$0x3FC6] =	sst s2  }
0x8f: {  	_ = 	snop  }
0x90: {  	s2 =	sld [smem:$0x3FC9];
	(tm) =	ssettm $0x1  }
0x91: {  	s18 =	sld [smem:$0x3FFB];
	_ =	sdelay $0x3  }
0x92: {  	_ =	strace s18  }
0x93: {  	s3 =	sld [smem:$0x3FFC];
	_ =	sdelay $0x3  }
0x94: {  	_ =	strace s3  }
0x95: {  	s3 =	sld [smem:$0x3FFD];
	_ =	sdelay $0x3  }
0x96: {  	_ =	strace s3  }
0x97: {  	_ =	strace $0x8FFFFFFF  }
0x98: {  	s19 =	sld [smem:$0x3FDB];
	_ =	sdelay $0x1  }
0x99: {  	s4 =	simm.s32 $_scs_section_size  }
0x9a: {  	s5 =	simm.s32 $_size__tile_overlayer_lowered;
	s6 =	simm.s32 $_tile_overlayer_lowered  }
0x9b: {  	s22 =	simm.s32 $0x1BFF;
	s21 =	sshll.u32 s6, $0x1;
	s3 =	sadd.s32 s4, s19  }
0x9c: {  	s7 =	simm.s32 $0x0;
	s20 =	sshll.u32 s5, $0x1;
	s5 =	sadd.s32 s21, s3  }
0x9d: {  	[timem:s7], [sflag:s22] =	dma.local [hbm:s5], s20  }
0x9e: {  	_ =	swait.ge [sflag:s22], s20  }
0x9f: {  	s4 =	ssub.s32 $0x0, s20;
	[sflag:s22] =	ssyncset.done $0x0  }
0xa0: {  	[sflag:s22] =	ssyncadd.s32 s4;
	_ =	sdelay $0x1  }
0xa1: {  	s23 =	simm.s32 $0x1B8B  }
0xa2: {  	_ =	swait.ge [sflag:s23], $0x1  }
0xa3: {  	[sflag:s23] =	ssyncset.done $0x0  }
0xa4: {  	s25 =	simm.s32 $0x1B8E;
	s24 =	sld [smem:$0x3FFE];
	[sflag:s23] =	ssyncadd.s32 $0xFFFFFFFF  }
0xa5: {  	s26 =	simm.s32 $execute0_lowered;
	[smem:$0x3FD2] =	sst s25  }
0xa6: {  	s5 =	sshll.u32 s26, $0x1;
	_ =	strace $0x80000046;
	[dreg:$0x1] =	wrdreg $0xFFFFFFFF  }
0xa7: {  	s28 =	simm.s32 $_size_execute0_lowered;
	s3 =	sadd.s32 s3, s5;
	[dreg:$0x0] =	wrdreg $0x0  }
0xa8: {  	s5 =	sshll.u32 s28, $0x1;
	[dreg:$0x2] =	wrdreg s3  }
0xa9: {  	[dreg:$0x3] =	wrdreg s5  }
0xaa: {  	[dreg:$0x4] =	wrdreg $0xC0  }
0xab: {  	_ =	task [dreg:s7], $0x5FFFF  }
0xac: {  	[dreg:$0x1] =	wrdreg $0xFFFFFFFF  }
0xad: {  	[dreg:$0x0] =	wrdreg $0x60  }
0xae: {  	[dreg:$0x2] =	wrdreg s24  }
0xaf: {  	[dreg:$0x3] =	wrdreg s2  }
0xb0: {  	[dreg:$0x4] =	wrdreg $0x9  }
0xb1: {  	_ =	task.clear_ibuf [dreg:s7], $0x5FFFF;
	_ =	strace $0x90000046  }
0xb2: {  	s29 =	simm.s32 $0x9;
	_ =	strace $0x80000048  }
0xb3: {  	_ =	swait.ge [sflag:s29], $0x1  }
0xb4: {  	[sflag:s29] =	ssyncadd.s32 $0xFFFFFFFF  }
0xb5: {  	_ =	strace $0x90000048  }
0xb6: {  	_ =	sfence  }
0xb7: {  	s30 =	sld [smem:$0x0];
	_ =	sdelay $0x2  }
0xb8: {  	s31 =	sshll.u32 s1, $0xD;
	s1 =	sshrl.u32 s1, $0x2  }
0xb9: {  	s3 =	sand.u32 $0x4000, s31;
	s1 =	sadd.s32 s1, s30  }
0xba: {  	s0 =	sor.u32 s3, s0;
	s1 =	sshll.u32 s1, $0x11  }
0xbb: {  	s0 =	sor.u32 s1, s0  }
0xbc: {  	s0 =	sadd.s32 $0x8F2B, s0  }
0xbd: {  	[sflag:s0] =	ssyncadd.remote.s32 $0x1  }
0xbe: {  	_ =	sfence.sel $0xFFFF  }
0xbf: {  	[dreg:$0x0] =	wrdreg $0xFFFFFFFF;
	(pc) =	sbr.abs _section_cstart, $3  }
0xc0: {  	[dreg:$0x1] =	wrdreg $0xFFFFFFFF  }
0xc1: {  	_ =	task.clear_ibuf [dreg:s7], $0x2FFFF;
	_ =	strace $0x9FFFFFFF  }
0xc2: {  	(tm) =	ssettm $0x7FFFFFFF  }
0xc3: {  	_ =	shalt  }
tec
execute0_lowered:
.L_overlay_start_1:
0x0: {  	(tag) =	ssettag $0x1  }
0x1: {  	s0 =	srdreg.scid;
	s1 =	rddreg [dreg:$0x0]  }
0x2: {  	s2 =	stileid.u32;
	s3 =	rddreg [dreg:$0x1]  }
0x3: {  	s30 =	simm.s32 $0x2;
	s0 =	sand.u32 $0x1, s0;
	s2 =	sshll.u32 s2, $0x1  }
0x4: {  	s31 =	simm.s32 $0x16400;
	s4 =	sadd.s32 $0xF42800, s1;
	s6 =	sor.u32 s0, s2  }
0x5: {  	s2 =	simm.s32 $0x0;
	s0 =	ssub.s32 $0x2, s0;
	s10 =	smul.u32 $0x32, s6  }
0x6: {  	[smem:$0x7FF] =	sst s2;
	s6 =	smul.u32 $0xC80, s6;
	s9 =	sshrl.u32 s0, $0x1  }
0x7: {  	s5 =	sadd.s32 $0x400, s1;
	_ =	strace $0x80000047;
	s0 =	ssub.s32 s0, s9  }
0x8: {  	s7 =	sadd.s32 $0x30, s10;
	s3 =	sadd.s32 s3, s6;
	s16 =	sor.u32 $0x1, s10  }
0x9: {  	s17 =	sadd.s32 $0x2, s10;
	[dreg:$0x3] =	wrdreg s10;
	s20 =	sadd.s32 $0x31, s10  }
0xa: {  	s0 =	smax.u32 s0, $0x1;
	s15 =	sshrl.u32 s7, $0x5;
	[dreg:$0x4] =	wrdreg s3  }
0xb: {  	v0 =	vimm.s32 $0x1380;
	vm0 =	vcmask $0x300;
	v1 =	vimm.s32 $0x3380;
	s7 =	sshll.u32 s7, $0xC;
	[dreg:$0x5] =	wrdreg s16;
	s8 =	sshll.u32 s15, $0x11  }
0xc: {  	vm1 =	vcmask $0x704;
	v0 =	vsel vm0, $0x0, v0;
	v1 =	vsel vm0, $0x2000, v1;
	[dreg:$0x6] =	wrdreg s17;
	s1 =	sshll.u32 s15, $0x13;
	s7 =	ssub.s32 s7, s8  }
0xd: {  	vm15 =	vcmask $0xB08;
	v0 =	vsel vm1, $0x80, v0;
	v1 =	vsel vm1, $0x2080, v1;
	s21 =	sshrl.u32 s20, $0x5;
	[dreg:$0xf] =	wrdreg s0;
	s1 =	sadd.s32 s1, s7  }
0xe: {  	vm4 =	vcmask $0xF0C;
	v0 =	vsel vm15, $0x100, v0;
	v1 =	vsel vm15, $0x2100, v1;
	s23 =	sshll.u32 s21, $0x11;
	s7 =	sshll.u32 s20, $0xC;
	s18 =	sadd.s32 $0x20000, s1  }
0xf: {  	vm5 =	vcmask $0x1310;
	v0 =	vsel vm4, $0x180, v0;
	v1 =	vsel vm4, $0x2180, v1;
	s19 =	sshrl.u32 s1, $0x3;
	s22 =	sadd.s32 $0x40000, s1;
	s1 =	sadd.s32 $0x60000, s1  }
0x10: {  	vm6 =	vcmask $0x1714;
	v0 =	vsel vm5, $0x200, v0;
	v1 =	vsel vm5, $0x2200, v1;
	s7 =	ssub.s32 s7, s23;
	s3 =	sshrl.u32 s18, $0x3;
	s6 =	sadd.s32 s5, s19  }
0x11: {  	vm7 =	vcmask $0x1B18;
	v0 =	vsel vm6, $0x280, v0;
	v1 =	vsel vm6, $0x2280, v1;
	s1 =	sshrl.u32 s1, $0x3;
	[dreg:$0x7] =	wrdreg s6;
	s3 =	sadd.s32 s5, s3  }
0x12: {  	vm8 =	vcmask $0x1F1C;
	v0 =	vsel vm7, $0x300, v0;
	v1 =	vsel vm7, $0x2300, v1;
	s6 =	sshrl.u32 s22, $0x3;
	s1 =	sadd.s32 s5, s1;
	[dreg:$0x8] =	wrdreg s3  }
0x13: {  	vm9 =	vcmask $0x2320;
	v0 =	vsel vm8, $0x380, v0;
	v1 =	vsel vm8, $0x2380, v1;
	s3 =	sshll.u32 s21, $0x13;
	s6 =	sadd.s32 s5, s6;
	[dreg:$0xa] =	wrdreg s1  }
0x14: {  	vm10 =	vcmask $0x2724;
	s9 =	simm.s32 $0x1A400;
	v0 =	vsel vm9, $0x1000, v0;
	v1 =	vsel vm9, $0x3000, v1;
	s3 =	sadd.s32 s3, s7;
	[dreg:$0x9] =	wrdreg s6  }
0x15: {  	vm11 =	vcmask $0x2B28;
	v0 =	vsel vm10, $0x1080, v0;
	v1 =	vsel vm10, $0x3080, v1;
	s24 =	sshrl.u32 s3, $0x3;
	s25 =	sadd.s32 $0x20000, s3;
	s26 =	sadd.s32 $0x40000, s3  }
0x16: {  	vm12 =	vcmask $0x2F2C;
	v0 =	vsel vm11, $0x1100, v0;
	v1 =	vsel vm11, $0x3100, v1;
	s3 =	sadd.s32 $0x60000, s3;
	s1 =	sadd.s32 s5, s24;
	s6 =	sshrl.u32 s26, $0x3  }
0x17: {  	vm13 =	vcmask $0x3330;
	v0 =	vsel vm12, $0x1180, v0;
	v1 =	vsel vm12, $0x3180, v1;
	[dreg:$0xb] =	wrdreg s1;
	s1 =	sshrl.u32 s25, $0x3;
	s28 =	sadd.s32 s5, s6  }
0x18: {  	vm14 =	vcmask $0x3734;
	v0 =	vsel vm13, $0x1200, v0;
	v1 =	vsel vm13, $0x3200, v1;
	s29 =	sshrl.u32 s3, $0x3;
	s1 =	sadd.s32 s5, s1;
	[dreg:$0xd] =	wrdreg s28  }
0x19: {  	vm15 =	vcmask $0x3B38;
	v0 =	vsel vm14, $0x1280, v0;
	v1 =	vsel vm14, $0x3280, v1;
	s24 =	simm.s32 $0x200;
	[dreg:$0xc] =	wrdreg s1;
	s1 =	sadd.s32 s5, s29  }
0x1a: {  	v0 =	vsel vm15, $0x1300, v0;
	v1 =	vsel vm15, $0x3300, v1;
	s3 =	simm.s32 $0x0;
	s25 =	simm.s32 $0x12400;
	[dreg:$0xe] =	wrdreg s1  }
.LBB2_1:
0x1b: {  	[dreg:$0x10] =	wrdreg s3  }
0x1c: {  	s0 =	rddreg [dreg:$0x4];
	s23 =	simm.s32 $0x7  }
0x1d: {  	[tilespmem:s2], [sflag:$0x7] =	stream.linear.gather [hbm4b:s0+s2], $0x6400, $0x38;
	[tilespmem:$0x1E400] =	vst v63  }
0x1e: {  	_ =	swait.ge [sflag:s23], $0x6400  }
0x1f: {  	[sflag:s23] =	ssyncset.done $0x0  }
0x20: {  	s26 =	simm.s32 $0x6400;
	[sflag:s23] =	ssyncadd.s32 $0xFFFF9C00  }
0x21: {  	[tilespmem:s26], [sflag:$0x1] =	stream.indirect.gather [hbm4b:s4+s24], $0x20, s2, s24, $0xb8;
	[tilespmem:$0x1E400] =	vst v63  }
0x22: {  	s28 =	simm.s32 $0xA400  }
0x23: {  	[tilespmem:s28], [sflag:$0x2] =	stream.indirect.gather [hbm4b:s4+s24], $0x20, s24, s24, $0xb8;
	[tilespmem:$0x1E400] =	vst v63  }
0x24: {  	s29 =	simm.s32 $0x400;
	s1 =	simm.s32 $0xE400;
	s17 =	simm.s32 $0x0  }
0x25: {  	[tilespmem:s1], [sflag:$0x3] =	stream.indirect.gather [hbm4b:s4+s24], $0x20, s29, s24, $0xb8;
	[tilespmem:$0x1E400] =	vst v63  }
.LBB2_2:
0x26: {  	s0 =	simm.s32 $0x1  }
0x27: {  	_ =	swait.ge [sflag:s0], $0x4000  }
0x28: {  	p0 =	seq.s32 s17, $0x0;
	[sflag:s0] =	ssyncset.done $0x0  }
0x29: {  	[sflag:s0] =	ssyncadd.s32 $0xFFFFC000;
	s0 =	simm.s32 @!p0 $0x4  }
0x2a: {  	_ =	swait.ge @!p0 [sflag:s0], $0x1000  }
0x2b: {  	[sflag:s0] =	ssyncset.done @!p0 $0x0  }
0x2c: {  	[sflag:s0] =	ssyncadd.s32 @!p0 $0xFFFFF000  }
0x2d: {  	_ =	swait.ge @!p0 [sflag:s0], $0x1000  }
0x2e: {  	[sflag:s0] =	ssyncset.done @!p0 $0x0  }
0x2f: {  	[sflag:s0] =	ssyncadd.s32 @!p0 $0xFFFFF000  }
0x30: {  	_ =	swait.ge @!p0 [sflag:s0], $0x1000  }
0x31: {  	[sflag:s0] =	ssyncset.done @!p0 $0x0  }
0x32: {  	[sflag:s0] =	ssyncadd.s32 @!p0 $0xFFFFF000  }
0x33: {  	_ =	swait.ge @!p0 [sflag:s0], $0x1000  }
0x34: {  	[sflag:s0] =	ssyncset.done @!p0 $0x0  }
0x35: {  	s16 =	simm.s32 $0x6500;
	[sflag:s0] =	ssyncadd.s32 @!p0 $0xFFFFF000  }
0x36: {  	v2 =	vld [tilespmem:s16+$0xC0]  }
0x37: {  	v4 =	vld [tilespmem:s16+$0xFFFFFF20]  }
0x38: {  	v3 =	vld [tilespmem:s16+$0xA0]  }
0x39: {  	s11 =	simm.s32 $0x0;
	s3 =	simm.s32 $0x3;
	v5 =	vld [tilespmem:s16+$0xFFFFFF00]  }
0x3a: {  	s13 =	simm.s32 $0x4;
	s1 =	sand.u32 $0xC00, s11;
	s12 =	sand.u32 $0x73, s3;
	v6 =	vld [tilespmem:s16+$0xFFFFFF40]  }
0x3b: {  	s7 =	simm.s32 $0xD;
	s3 =	sand.u32 $0x74, s13;
	s10 =	sor.u32 s12, s1;
	v7 =	vld [tilespmem:s16+$0xFFFFFF60]  }
0x3c: {  	s15 =	simm.s32 $0x0;
	s14 =	sand.u32 $0x7D, s7;
	s12 =	sor.u32 s3, s1;
	v8 =	vor.u32 s10, v0;
	v9 =	vld [tilespmem:s16+$0xFFFFFF80]  }
0x3d: {  	s18 =	sand.u32 $0x70, s15;
	s11 =	simm.s32 $0x6;
	v11 =	vor.u32 s12, v0;
	s0 =	sor.u32 s14, s1;
	v12 =	vld [tilespmem:s16+$0xFFFFFFA0]  }
0x3e: {  	s13 =	simm.s32 $0xF;
	s3 =	sor.u32 s18, s1;
	s19 =	sand.u32 $0x76, s11;
	v10 =	vor.u32 s0, v0;
	v13 =	vld [tilespmem:s16+$0xFFFFFFC0]  }
0x3f: {  	s21 =	simm.s32 $0x7;
	s20 =	sand.u32 $0x7F, s13;
	v14 =	vor.u32 s3, v0;
	s7 =	sor.u32 s19, s1;
	v15 =	vld [tilespmem:s16+$0xFFFFFFE0]  }
0x40: {  	s23 =	simm.s32 $0x1;
	s22 =	sand.u32 $0x77, s21;
	s18 =	sor.u32 s20, s1;
	v16 =	vor.u32 s7, v0;
	v17 =	vld [tilespmem:s16+$0x0]  }
0x41: {  	s11 =	sor.u32 s22, s1;
	s13 =	sand.u32 $0x71, s23;
	v18 =	vor.u32 s18, v0;
	s14 =	simm.s32 $0x2;
	[tilespmem:v8+s25+$0x0] =	vst.idx.msk $0xffff, v7;
	v7 =	vld [tilespmem:s16+$0xE0]  }
0x42: {  	s13 =	sor.u32 s13, s1;
	s14 =	sand.u32 $0x72, s14;
	v8 =	vor.u32 s11, v0;
	[tilespmem:v11+s25+$0x0] =	vst.idx.msk $0xffff, v9;
	v9 =	vld [tilespmem:s16+$0x20]  }
0x43: {  	s20 =	simm.s32 $0x9;
	s14 =	sor.u32 s14, s1;
	[tilespmem:v10+s25+$0x0] =	vst.idx.msk $0xffff, v3;
	v10 =	vor.u32 s13, v0;
	v3 =	vld [tilespmem:s16+$0x40]  }
0x44: {  	s26 =	sand.u32 $0x79, s20;
	[tilespmem:v14+s25+$0x0] =	vst.idx.msk $0xffff, v5;
	v14 =	vor.u32 s14, v0;
	v19 =	vld [tilespmem:s16+$0xFFFFFF70]  }
0x45: {  	s21 =	simm.s32 $0x8;
	s22 =	sor.u32 s26, s1;
	v11 =	vor.u32 s10, v1;
	[tilespmem:v16+s25+$0x0] =	vst.idx.msk $0xffff, v13;
	v5 =	vld [tilespmem:s16+$0xFFFFFF90]  }
0x46: {  	s28 =	simm.s32 $0xE;
	s21 =	sand.u32 $0x78, s21;
	v16 =	vor.u32 s22, v0;
	v13 =	vld [tilespmem:s16+$0xFFFFFFD0];
	[tilespmem:v18+s25+$0x0] =	vst.idx.msk $0xffff, v7  }
0x47: {  	s20 =	sand.u32 $0x7E, s28;
	v22 =	vor.u32 s7, v1;
	s10 =	sor.u32 s21, s1;
	[tilespmem:v8+s25+$0x0] =	vst.idx.msk $0xffff, v15;
	v8 =	vld [tilespmem:s16+$0x60]  }
0x48: {  	s8 =	simm.s32 $0x5;
	s23 =	simm.s32 $0xC;
	s26 =	sor.u32 s20, s1;
	v7 =	vor.u32 s10, v0;
	[tilespmem:v10+s25+$0x0] =	vst.idx.msk $0xffff, v4;
	v4 =	vld [tilespmem:s16+$0x80]  }
0x49: {  	s6 =	sand.u32 $0x7C, s23;
	s20 =	sand.u32 $0x75, s8;
	v15 =	vor.u32 s26, v0;
	[tilespmem:v14+s25+$0x0] =	vst.idx.msk $0xffff, v6;
	v10 =	vld [tilespmem:s16+$0xFFFFFFF0]  }
0x4a: {  	s23 =	sor.u32 s6, s1;
	s19 =	sor.u32 s20, s1;
	s20 =	simm.s32 $0xB;
	[tilespmem:v11+s25+$0x0] =	vst.idx.msk $0xffff, v19;
	v19 =	vor.u32 s12, v1;
	v11 =	vld [tilespmem:s16+$0xFFFFFF10]  }
0x4b: {  	v18 =	vor.u32 s23, v0;
	[tilespmem:v16+s25+$0x0] =	vst.idx.msk $0xffff, v9;
	s12 =	sand.u32 $0x7B, s20;
	v16 =	vld [tilespmem:s16+$0xF0]  }
0x4c: {  	v14 =	vor.u32 s19, v0;
	v20 =	vld [tilespmem:s16+$0x30];
	[tilespmem:v22+s25+$0x0] =	vst.idx.msk $0xffff, v13;
	s29 =	sor.u32 s12, s1  }
0x4d: {  	v6 =	vld [tilespmem:s16+$0xFFFFFF50];
	v21 =	vor.u32 s29, v0;
	[tilespmem:v7+s25+$0x0] =	vst.idx.msk $0xffff, v17  }
0x4e: {  	v9 =	vld [tilespmem:s16+$0xFFFFFF30];
	v17 =	vor.u32 s18, v1;
	[tilespmem:v15+s25+$0x0] =	vst.idx.msk $0xffff, v2  }
0x4f: {  	v13 =	vld [tilespmem:s16+$0xB0];
	[tilespmem:v19+s25+$0x0] =	vst.idx.msk $0xffff, v5;
	v5 =	vor.u32 s22, v1  }
0x50: {  	[tilespmem:v18+s25+$0x0] =	vst.idx.msk $0xffff, v4;
	v7 =	vld [tilespmem:s16+$0x10]  }
0x51: {  	[tilespmem:v14+s25+$0x0] =	vst.idx.msk $0xffff, v12;
	v18 =	vor.u32 s3, v1;
	v4 =	vld [tilespmem:s16+$0x90];
	s22 =	simm.s32 $0xA  }
0x52: {  	v15 =	vld [tilespmem:s16+$0xFFFFFFB0];
	v19 =	vor.u32 s19, v1;
	s28 =	sand.u32 $0x7A, s22;
	[tilespmem:v21+s25+$0x0] =	vst.idx.msk $0xffff, v8  }
0x53: {  	v2 =	vor.u32 s0, v1;
	v12 =	vld [tilespmem:s16+$0xD0];
	s20 =	sor.u32 s28, s1;
	[tilespmem:v17+s25+$0x0] =	vst.idx.msk $0xffff, v16;
	v16 =	vor.u32 s11, v1  }
0x54: {  	s12 =	simm.s32 $0x6700;
	s18 =	smul.u32 $0x3, s17;
	v14 =	vor.u32 s26, v1;
	v8 =	vld [tilespmem:s16+$0x70];
	v17 =	vor.u32 s20, v0;
	s11 =	simm.s32 $0x80;
	[tilespmem:v5+s25+$0x0] =	vst.idx.msk $0xffff, v20  }
.LBB2_3:
0x55: {  	s0 =	sadd.s32 $0x12, s15  }
0x56: {  	s7 =	sadd.s32 $0x1D, s15;
	v5 =	vld [tilespmem:s12+$0xC0];
	[tilespmem:v18+s25+$0x0] =	vst.idx.msk $0xffff, v11;
	s28 =	smov.u32 s15;
	s15 =	sadd.s32 $0x10, s15  }
0x57: {  	s21 =	sand.u32 $0xC00, s11;
	s1 =	sand.u32 $0x70, s15;
	v11 =	vld [tilespmem:s12+$0xFFFFFF20];
	s22 =	sadd.s32 $0x1E, s28;
	[tilespmem:v19+s25+$0x0] =	vst.idx.msk $0xffff, v15;
	v15 =	vor.u32 s10, v1  }
0x58: {  	s3 =	sand.u32 $0x72, s0;
	s0 =	sadd.s32 $0x15, s28;
	s10 =	sadd.s32 $0x1F, s28;
	v19 =	vor.u32 s14, v1;
	v18 =	vld [tilespmem:s12+$0xA0];
	[tilespmem:v16+s25+$0x0] =	vst.idx.msk $0xffff, v10  }
0x59: {  	s26 =	sor.u32 s1, s21;
	s1 =	sadd.s32 $0x13, s28;
	s10 =	sand.u32 $0x7F, s10;
	v16 =	vor.u32 s13, v1;
	v10 =	vld [tilespmem:s12+$0xFFFFFF00];
	[tilespmem:v17+s25+$0x0] =	vst.idx.msk $0xffff, v3  }
0x5a: {  	v20 =	vor.u32 s20, v1;
	s14 =	sadd.s32 $0x1A, s28;
	s13 =	sadd.s32 $0x14, s28;
	v3 =	vor.u32 s26, v0;
	s1 =	sand.u32 $0x73, s1;
	v17 =	vld [tilespmem:s16+$0x50];
	[tilespmem:v14+s25+$0x0] =	vst.idx.msk $0xffff, v12  }
0x5b: {  	v21 =	vor.u32 s23, v1;
	s13 =	sand.u32 $0x74, s13;
	s20 =	sor.u32 s1, s21;
	s1 =	sor.u32 s10, s21;
	v14 =	vor.u32 s29, v1;
	v12 =	vld [tilespmem:s12+$0xFFFFFF40];
	[tilespmem:v2+s25+$0x0] =	vst.idx.msk $0xffff, v13  }
0x5c: {  	s7 =	sand.u32 $0x7D, s7;
	s16 =	sor.u32 s13, s21;
	s10 =	sadd.s32 $0x16, s28;
	v22 =	vor.u32 s20, v0;
	v13 =	vld [tilespmem:s12+$0xFFFFFF60];
	[tilespmem:v15+s25+$0x0] =	vst.idx.msk $0xffff, v7  }
0x5d: {  	s7 =	sor.u32 s7, s21;
	s13 =	sadd.s32 $0x17, s28;
	s10 =	sand.u32 $0x76, s10;
	v15 =	vor.u32 s16, v0;
	v7 =	vld [tilespmem:s12+$0xFFFFFF80];
	[tilespmem:v19+s25+$0x0] =	vst.idx.msk $0xffff, v6  }
0x5e: {  	s23 =	sadd.s32 $0x1C, s28;
	v2 =	vor.u32 s7, v1;
	s29 =	sor.u32 s10, s21;
	s10 =	sadd.s32 $0x18, s28;
	v6 =	vor.u32 s7, v0;
	v19 =	vld [tilespmem:s12+$0xFFFFFFA0];
	[tilespmem:v16+s25+$0x0] =	vst.idx.msk $0xffff, v9  }
0x5f: {  	s8 =	sand.u32 $0x7A, s14;
	s7 =	sand.u32 $0x77, s13;
	s10 =	sand.u32 $0x78, s10;
	v16 =	vor.u32 s29, v0;
	v9 =	vld [tilespmem:s12+$0xFFFFFFC0];
	[tilespmem:v20+s25+$0x0] =	vst.idx.msk $0xffff, v17  }
0x60: {  	s13 =	sand.u32 $0x75, s0;
	s0 =	sor.u32 s7, s21;
	s10 =	sor.u32 s10, s21;
	v17 =	vld [tilespmem:s12+$0xFFFFFFE0];
	[tilespmem:v21+s25+$0x0] =	vst.idx.msk $0xffff, v4  }
0x61: {  	s14 =	sor.u32 s3, s21;
	s23 =	sand.u32 $0x7C, s23;
	s7 =	sadd.s32 $0x11, s28;
	v20 =	vor.u32 s10, v0;
	v21 =	vor.u32 s1, v0;
	v4 =	vld [tilespmem:s12+$0x0];
	[tilespmem:v14+s25+$0x0] =	vst.idx.msk $0xffff, v8  }
0x62: {  	s23 =	sor.u32 s23, s21;
	s3 =	sor.u32 s13, s21;
	s7 =	sand.u32 $0x71, s7;
	v8 =	vor.u32 s20, v1;
	[tilespmem:v22+s25+$0x0] =	vst.idx.msk $0xffff, v13;
	v13 =	vor.u32 s0, v0;
	v14 =	vld [tilespmem:s12+$0xE0]  }
0x63: {  	s13 =	sor.u32 s7, s21;
	s7 =	sand.u32 $0x7E, s22;
	s20 =	sor.u32 s8, s21;
	v22 =	vor.u32 s14, v0;
	v23 =	vld [tilespmem:s12+$0xFFFFFF70];
	[tilespmem:v6+s25+$0x0] =	vst.idx.msk $0xffff, v18  }
0x64: {  	p1 =	slt.u32 s15, $0x1F0;
	s8 =	sadd.s32 $0x19, s28;
	s7 =	sor.u32 s7, s21;
	v6 =	vor.u32 s13, v0;
	[tilespmem:v15+s25+$0x0] =	vst.idx.msk $0xffff, v7;
	v7 =	vld [tilespmem:s12+$0x20]  }
0x65: {  	v24 =	vor.u32 s29, v1;
	s8 =	sand.u32 $0x79, s8;
	v18 =	vor.u32 s16, v1;
	s16 =	smov.u32 s12;
	[tilespmem:v3+s25+$0x0] =	vst.idx.msk $0xffff, v10;
	v15 =	vld [tilespmem:s12+$0xFFFFFF90]  }
0x66: {  	s8 =	sor.u32 s8, s21;
	[tilespmem:v16+s25+$0x0] =	vst.idx.msk $0xffff, v9;
	v3 =	vld [tilespmem:s12+$0x40]  }
0x67: {  	v9 =	vor.u32 s8, v0;
	v25 =	vld [tilespmem:s12+$0xFFFFFFD0];
	[tilespmem:v21+s25+$0x0] =	vst.idx.msk $0xffff, v14  }
0x68: {  	[tilespmem:v13+s25+$0x0] =	vst.idx.msk $0xffff, v17;
	v13 =	vld [tilespmem:s12+$0x60]  }
0x69: {  	[tilespmem:v6+s25+$0x0] =	vst.idx.msk $0xffff, v11;
	v14 =	vld [tilespmem:s12+$0x80];
	v6 =	vor.u32 s7, v0  }
0x6a: {  	[tilespmem:v8+s25+$0x0] =	vst.idx.msk $0xffff, v23;
	v10 =	vld [tilespmem:s12+$0xFFFFFFF0];
	v8 =	vor.u32 s23, v0  }
0x6b: {  	s22 =	sadd.s32 $0x1B, s28;
	v11 =	vld [tilespmem:s12+$0xFFFFFF10];
	[tilespmem:v22+s25+$0x0] =	vst.idx.msk $0xffff, v12  }
0x6c: {  	s22 =	sand.u32 $0x7B, s22;
	v12 =	vor.u32 s3, v0;
	[tilespmem:v9+s25+$0x0] =	vst.idx.msk $0xffff, v7;
	v16 =	vld [tilespmem:s12+$0xF0]  }
0x6d: {  	s29 =	sor.u32 s22, s21;
	v17 =	vor.u32 s1, v1;
	[tilespmem:v20+s25+$0x0] =	vst.idx.msk $0xffff, v4;
	v20 =	vld [tilespmem:s12+$0x30]  }
0x6e: {  	v21 =	vor.u32 s29, v0;
	v7 =	vld [tilespmem:s12+$0x10];
	[tilespmem:v6+s25+$0x0] =	vst.idx.msk $0xffff, v5  }
0x6f: {  	v6 =	vld [tilespmem:s12+$0xFFFFFF50];
	[tilespmem:v8+s25+$0x0] =	vst.idx.msk $0xffff, v14  }
0x70: {  	v5 =	vor.u32 s8, v1;
	[tilespmem:v18+s25+$0x0] =	vst.idx.msk $0xffff, v15;
	v4 =	vld [tilespmem:s12+$0x90]  }
.Ltmp0:
0x71: {  	v18 =	vor.u32 s26, v1;
	v9 =	vld [tilespmem:s12+$0xFFFFFF30];
	[tilespmem:v12+s25+$0x0] =	vst.idx.msk $0xffff, v19;
	(pc) =	sbr.rel @p1 .LBB2_3-.Ltmp0, $4  }
0x72: {  	v19 =	vor.u32 s3, v1;
	v15 =	vld [tilespmem:s12+$0xFFFFFFB0];
	[tilespmem:v17+s25+$0x0] =	vst.idx.msk $0xffff, v16  }
0x73: {  	v16 =	vor.u32 s0, v1;
	[tilespmem:v21+s25+$0x0] =	vst.idx.msk $0xffff, v13;
	v12 =	vld [tilespmem:s12+$0xD0]  }
0x74: {  	v17 =	vor.u32 s20, v0;
	[tilespmem:v24+s25+$0x0] =	vst.idx.msk $0xffff, v25;
	v8 =	vld [tilespmem:s12+$0x70]  }
0x75: {  	s11 =	sadd.s32 $0x80, s11;
	v14 =	vor.u32 s7, v1;
	s12 =	sadd.s32 $0x200, s12;
	[tilespmem:v5+s25+$0x0] =	vst.idx.msk $0xffff, v20;
	v13 =	vld [tilespmem:s16+$0xB0]  }
0x76: {  	_ =	sdelay $0x3  }
0x77: {  	[tilespmem:v18+s25+$0x0] =	vst.idx.msk $0xffff, v11  }
0x78: {  	[tilespmem:v16+s25+$0x0] =	vst.idx.msk $0xffff, v10  }
0x79: {  	[tilespmem:v17+s25+$0x0] =	vst.idx.msk $0xffff, v3  }
0x7a: {  	v5 =	vor.u32 s10, v1;
	[tilespmem:v19+s25+$0x0] =	vst.idx.msk $0xffff, v15  }
0x7b: {  	v11 =	vor.u32 s14, v1;
	[tilespmem:v14+s25+$0x0] =	vst.idx.msk $0xffff, v12  }
0x7c: {  	v10 =	vor.u32 s13, v1;
	[tilespmem:v2+s25+$0x0] =	vst.idx.msk $0xffff, v13  }
0x7d: {  	v3 =	vld [tilespmem:s16+$0x50];
	v15 =	vor.u32 s20, v1;
	s0 =	rddreg [dreg:$0x3]  }
0x7e: {  	v12 =	vor.u32 s23, v1;
	s0 =	sadd.s32 s0, s18  }
0x7f: {  	v2 =	vor.u32 s29, v1;
	[tilespmem:v5+s25+$0x0] =	vst.idx.msk $0xffff, v7;
	s1 =	sshrl.u32 s0, $0x5  }
0x80: {  	[tilespmem:v11+s25+$0x0] =	vst.idx.msk $0xffff, v6;
	s0 =	sshll.u32 s0, $0xC;
	s3 =	sshll.u32 s1, $0x11  }
0x81: {  	[tilespmem:v10+s25+$0x0] =	vst.idx.msk $0xffff, v9;
	s1 =	sshll.u32 s1, $0x13;
	s0 =	ssub.s32 s0, s3  }
0x82: {  	[tilespmem:v15+s25+$0x0] =	vst.idx.msk $0xffff, v3;
	s0 =	sadd.s32 s1, s0  }
0x83: {  	[tilespmem:v12+s25+$0x0] =	vst.idx.msk $0xffff, v4;
	s1 =	sshrl.u32 s0, $0x3  }
0x84: {  	[tilespmem:v2+s25+$0x0] =	vst.idx.msk $0xffff, v8;
	s21 =	sadd.s32 $0x20000, s0;
	s1 =	sadd.s32 s5, s1  }
0x85: {  	[hbm4b:s1+s2] =	stream.linear.scatter [tilespmem:s25], [sflag:$0x4], $0x1000, $0x38;
	[tilespmem:$0x1E400] =	vst v63  }
0x86: {  	s1 =	sshrl.u32 s21, $0x3  }
0x87: {  	s22 =	simm.s32 $0x13400;
	s23 =	sadd.s32 $0x40000, s0;
	s1 =	sadd.s32 s5, s1  }
0x88: {  	[hbm4b:s1+s2] =	stream.linear.scatter [tilespmem:s22], [sflag:$0x4], $0x1000, $0x38;
	[tilespmem:$0x1E400] =	vst v63  }
0x89: {  	s26 =	simm.s32 $0x14400;
	s0 =	sadd.s32 $0x60000, s0;
	s1 =	sshrl.u32 s23, $0x3  }
0x8a: {  	s28 =	smul.u32 $0x1800, s17;
	s0 =	sshrl.u32 s0, $0x3;
	s1 =	sadd.s32 s5, s1  }
0x8b: {  	[hbm4b:s1+s2] =	stream.linear.scatter [tilespmem:s26], [sflag:$0x4], $0x1000, $0x38;
	[tilespmem:$0x1E400] =	vst v63  }
0x8c: {  	s15 =	sshra.s32 s28, $0x2;
	s29 =	simm.s32 $0x15400;
	s0 =	sadd.s32 s5, s0  }
0x8d: {  	[hbm4b:s0+s2] =	stream.linear.scatter [tilespmem:s29], [sflag:$0x4], $0x1000, $0x38;
	[tilespmem:$0x1E400] =	vst v63  }
0x8e: {  	s6 =	simm.s32 $0x6400;
	s3 =	sadd.s32 $0x600, s15  }
0x8f: {  	[tilespmem:s6], [sflag:$0x1] =	stream.indirect.gather [hbm4b:s4+s24], $0x20, s3, s24, $0xb8;
	[tilespmem:$0x1E400] =	vst v63  }
0x90: {  	_ =	swait.ge [sflag:s30], $0x4000  }
0x91: {  	[sflag:s30] =	ssyncset.done $0x0  }
0x92: {  	s0 =	simm.s32 @!p0 $0x5;
	[sflag:s30] =	ssyncadd.s32 $0xFFFFC000  }
0x93: {  	_ =	swait.ge @!p0 [sflag:s0], $0x1000  }
0x94: {  	[sflag:s0] =	ssyncset.done @!p0 $0x0  }
0x95: {  	[sflag:s0] =	ssyncadd.s32 @!p0 $0xFFFFF000  }
0x96: {  	_ =	swait.ge @!p0 [sflag:s0], $0x1000  }
0x97: {  	[sflag:s0] =	ssyncset.done @!p0 $0x0  }
0x98: {  	[sflag:s0] =	ssyncadd.s32 @!p0 $0xFFFFF000  }
0x99: {  	_ =	swait.ge @!p0 [sflag:s0], $0x1000  }
0x9a: {  	[sflag:s0] =	ssyncset.done @!p0 $0x0  }
0x9b: {  	[sflag:s0] =	ssyncadd.s32 @!p0 $0xFFFFF000  }
0x9c: {  	_ =	swait.ge @!p0 [sflag:s0], $0x1000  }
0x9d: {  	[sflag:s0] =	ssyncset.done @!p0 $0x0  }
0x9e: {  	s13 =	simm.s32 $0xA5F0;
	[sflag:s0] =	ssyncadd.s32 @!p0 $0xFFFFF000  }
0x9f: {  	v2 =	vld [tilespmem:s13+$0xFFFFFFD0]  }
0xa0: {  	v4 =	vld [tilespmem:s13+$0xFFFFFE30]  }
0xa1: {  	v3 =	vld [tilespmem:s13+$0xFFFFFFB0]  }
0xa2: {  	s7 =	simm.s32 $0x0;
	s8 =	simm.s32 $0x3;
	v5 =	vld [tilespmem:s13+$0xFFFFFE10]  }
0xa3: {  	s14 =	simm.s32 $0x4;
	s11 =	sand.u32 $0xC00, s7;
	s12 =	sand.u32 $0x73, s8;
	v6 =	vld [tilespmem:s13+$0xFFFFFE50]  }
0xa4: {  	s10 =	simm.s32 $0xD;
	s8 =	sor.u32 s12, s11;
	s1 =	sand.u32 $0x74, s14;
	v7 =	vld [tilespmem:s13+$0xFFFFFE70]  }
0xa5: {  	s19 =	sand.u32 $0x7D, s10;
	s16 =	simm.s32 $0x0;
	v8 =	vor.u32 s8, v0;
	s1 =	sor.u32 s1, s11;
	v9 =	vld [tilespmem:s13+$0xFFFFFE90]  }
0xa6: {  	s7 =	simm.s32 $0x6;
	s20 =	sand.u32 $0x70, s16;
	v11 =	vor.u32 s1, v0;
	s0 =	sor.u32 s19, s11;
	v12 =	vld [tilespmem:s13+$0xFFFFFEB0]  }
0xa7: {  	s7 =	sand.u32 $0x76, s7;
	s21 =	simm.s32 $0xF;
	s3 =	sor.u32 s20, s11;
	v10 =	vor.u32 s0, v0;
	v13 =	vld [tilespmem:s13+$0xFFFFFED0]  }
0xa8: {  	s12 =	simm.s32 $0x7;
	s7 =	sor.u32 s7, s11;
	s10 =	sand.u32 $0x7F, s21;
	v14 =	vor.u32 s3, v0;
	v15 =	vld [tilespmem:s13+$0xFFFFFEF0]  }
0xa9: {  	v16 =	vor.u32 s7, v0;
	s21 =	sor.u32 s10, s11;
	s22 =	sand.u32 $0x77, s12;
	s23 =	simm.s32 $0x1;
	v17 =	vld [tilespmem:s13+$0xFFFFFF10]  }
0xaa: {  	s28 =	simm.s32 $0x2;
	v18 =	vor.u32 s21, v0;
	s26 =	sand.u32 $0x71, s23;
	s20 =	sor.u32 s22, s11;
	[tilespmem:v8+s31+$0x0] =	vst.idx.msk $0xffff, v7;
	v7 =	vld [tilespmem:s13+$0xFFFFFFF0]  }
0xab: {  	s14 =	sor.u32 s26, s11;
	s29 =	sand.u32 $0x72, s28;
	v8 =	vor.u32 s20, v0;
	[tilespmem:v11+s31+$0x0] =	vst.idx.msk $0xffff, v9;
	v9 =	vld [tilespmem:s13+$0xFFFFFF30]  }
0xac: {  	s23 =	sor.u32 s29, s11;
	s6 =	simm.s32 $0x9;
	[tilespmem:v10+s31+$0x0] =	vst.idx.msk $0xffff, v3;
	v10 =	vor.u32 s14, v0;
	v3 =	vld [tilespmem:s13+$0xFFFFFF50]  }
0xad: {  	s19 =	sand.u32 $0x79, s6;
	[tilespmem:v14+s31+$0x0] =	vst.idx.msk $0xffff, v5;
	v14 =	vor.u32 s23, v0;
	v19 =	vld [tilespmem:s13+$0xFFFFFE80]  }
0xae: {  	s22 =	simm.s32 $0x8;
	v11 =	vor.u32 s8, v1;
	[tilespmem:v16+s31+$0x0] =	vst.idx.msk $0xffff, v13;
	s8 =	sor.u32 s19, s11;
	v5 =	vld [tilespmem:s13+$0xFFFFFEA0]  }
0xaf: {  	s26 =	simm.s32 $0xE;
	s28 =	sand.u32 $0x78, s22;
	v13 =	vld [tilespmem:s13+$0xFFFFFEE0];
	v16 =	vor.u32 s8, v0;
	[tilespmem:v18+s31+$0x0] =	vst.idx.msk $0xffff, v7  }
0xb0: {  	v22 =	vor.u32 s7, v1;
	s10 =	sand.u32 $0x7E, s26;
	s12 =	sor.u32 s28, s11;
	[tilespmem:v8+s31+$0x0] =	vst.idx.msk $0xffff, v15;
	v8 =	vld [tilespmem:s13+$0xFFFFFF70]  }
0xb1: {  	s29 =	simm.s32 $0xC;
	s26 =	sor.u32 s10, s11;
	v7 =	vor.u32 s12, v0;
	[tilespmem:v10+s31+$0x0] =	vst.idx.msk $0xffff, v4;
	v4 =	vld [tilespmem:s13+$0xFFFFFF90]  }
0xb2: {  	s22 =	sand.u32 $0x7C, s29;
	s28 =	simm.s32 $0x5;
	v15 =	vor.u32 s26, v0;
	[tilespmem:v14+s31+$0x0] =	vst.idx.msk $0xffff, v6;
	v10 =	vld [tilespmem:s13+$0xFFFFFF00]  }
0xb3: {  	s10 =	sor.u32 s22, s11;
	s6 =	sand.u32 $0x75, s28;
	[tilespmem:v11+s31+$0x0] =	vst.idx.msk $0xffff, v19;
	v19 =	vor.u32 s1, v1;
	v11 =	vld [tilespmem:s13+$0xFFFFFE20]  }
0xb4: {  	s22 =	sor.u32 s6, s11;
	s19 =	simm.s32 $0xB;
	v18 =	vor.u32 s10, v0;
	[tilespmem:v16+s31+$0x0] =	vst.idx.msk $0xffff, v9;
	v16 =	vld [tilespmem:s13+$0x0]  }
0xb5: {  	v14 =	vor.u32 s22, v0;
	s1 =	sand.u32 $0x7B, s19;
	v6 =	vld [tilespmem:s13+$0xFFFFFE60];
	[tilespmem:v22+s31+$0x0] =	vst.idx.msk $0xffff, v13  }
0xb6: {  	v20 =	vor.u32 s21, v1;
	v9 =	vld [tilespmem:s13+$0xFFFFFE40];
	s1 =	sor.u32 s1, s11;
	[tilespmem:v7+s31+$0x0] =	vst.idx.msk $0xffff, v17  }
0xb7: {  	v13 =	vld [tilespmem:s13+$0xFFFFFFC0];
	v17 =	vor.u32 s1, v0;
	[tilespmem:v15+s31+$0x0] =	vst.idx.msk $0xffff, v2  }
0xb8: {  	v21 =	vld [tilespmem:s13+$0xFFFFFF40];
	[tilespmem:v19+s31+$0x0] =	vst.idx.msk $0xffff, v5;
	v5 =	vor.u32 s8, v1  }
0xb9: {  	[tilespmem:v18+s31+$0x0] =	vst.idx.msk $0xffff, v4;
	v7 =	vld [tilespmem:s13+$0xFFFFFF20]  }
0xba: {  	s28 =	simm.s32 $0xA;
	[tilespmem:v14+s31+$0x0] =	vst.idx.msk $0xffff, v12;
	v18 =	vor.u32 s3, v1;
	v4 =	vld [tilespmem:s13+$0xFFFFFFA0]  }
0xbb: {  	s29 =	sand.u32 $0x7A, s28;
	v15 =	vld [tilespmem:s13+$0xFFFFFEC0];
	[tilespmem:v20+s31+$0x0] =	vst.idx.msk $0xffff, v16;
	v19 =	vor.u32 s22, v1  }
0xbc: {  	s21 =	sor.u32 s29, s11;
	v2 =	vor.u32 s0, v1;
	v12 =	vld [tilespmem:s13+$0xFFFFFFE0];
	[tilespmem:v17+s31+$0x0] =	vst.idx.msk $0xffff, v8;
	v17 =	vor.u32 s20, v1  }
0xbd: {  	s11 =	simm.s32 $0xA7F0;
	v14 =	vor.u32 s26, v1;
	v16 =	vor.u32 s21, v0;
	s20 =	simm.s32 $0x80;
	v8 =	vld [tilespmem:s13+$0xFFFFFF80];
	[tilespmem:v5+s31+$0x0] =	vst.idx.msk $0xffff, v21  }
.LBB2_5:
0xbe: {  	s0 =	sadd.s32 $0x12, s16  }
0xbf: {  	s8 =	sadd.s32 $0x1D, s16;
	v5 =	vld [tilespmem:s11+$0xFFFFFFD0];
	[tilespmem:v18+s31+$0x0] =	vst.idx.msk $0xffff, v11;
	s29 =	smov.u32 s16;
	s16 =	sadd.s32 $0x10, s16  }
0xc0: {  	s26 =	sand.u32 $0xC00, s20;
	s22 =	sand.u32 $0x70, s16;
	v11 =	vld [tilespmem:s11+$0xFFFFFE30];
	s3 =	sadd.s32 $0x1E, s29;
	[tilespmem:v19+s31+$0x0] =	vst.idx.msk $0xffff, v15;
	v15 =	vor.u32 s12, v1  }
0xc1: {  	s7 =	sand.u32 $0x72, s0;
	s12 =	sadd.s32 $0x15, s29;
	s0 =	sadd.s32 $0x1F, s29;
	v19 =	vor.u32 s23, v1;
	v18 =	vld [tilespmem:s11+$0xFFFFFFB0];
	[tilespmem:v17+s31+$0x0] =	vst.idx.msk $0xffff, v10  }
0xc2: {  	s28 =	sor.u32 s22, s26;
	s22 =	sadd.s32 $0x13, s29;
	s0 =	sand.u32 $0x7F, s0;
	v17 =	vor.u32 s14, v1;
	v10 =	vld [tilespmem:s11+$0xFFFFFE10];
	[tilespmem:v16+s31+$0x0] =	vst.idx.msk $0xffff, v3  }
0xc3: {  	v20 =	vor.u32 s21, v1;
	s23 =	sadd.s32 $0x1A, s29;
	v3 =	vor.u32 s28, v0;
	s14 =	sand.u32 $0x73, s22;
	s22 =	sadd.s32 $0x14, s29;
	v16 =	vld [tilespmem:s13+$0xFFFFFF60];
	[tilespmem:v14+s31+$0x0] =	vst.idx.msk $0xffff, v12  }
0xc4: {  	v21 =	vor.u32 s10, v1;
	s0 =	sor.u32 s0, s26;
	s13 =	sor.u32 s14, s26;
	s14 =	sand.u32 $0x74, s22;
	v14 =	vor.u32 s1, v1;
	v12 =	vld [tilespmem:s11+$0xFFFFFE50];
	[tilespmem:v2+s31+$0x0] =	vst.idx.msk $0xffff, v13  }
0xc5: {  	s10 =	sadd.s32 $0x16, s29;
	s8 =	sand.u32 $0x7D, s8;
	v22 =	vor.u32 s13, v0;
	s1 =	sor.u32 s14, s26;
	v13 =	vld [tilespmem:s11+$0xFFFFFE70];
	[tilespmem:v15+s31+$0x0] =	vst.idx.msk $0xffff, v7  }
0xc6: {  	s10 =	sand.u32 $0x76, s10;
	s8 =	sor.u32 s8, s26;
	s14 =	sadd.s32 $0x17, s29;
	v15 =	vor.u32 s1, v0;
	v7 =	vld [tilespmem:s11+$0xFFFFFE90];
	[tilespmem:v19+s31+$0x0] =	vst.idx.msk $0xffff, v6  }
0xc7: {  	s21 =	sadd.s32 $0x1C, s29;
	s6 =	sor.u32 s10, s26;
	s10 =	sadd.s32 $0x18, s29;
	v2 =	vor.u32 s8, v1;
	v6 =	vor.u32 s8, v0;
	v19 =	vld [tilespmem:s11+$0xFFFFFEB0];
	[tilespmem:v17+s31+$0x0] =	vst.idx.msk $0xffff, v9  }
0xc8: {  	s19 =	sand.u32 $0x7A, s23;
	s10 =	sand.u32 $0x78, s10;
	s8 =	sand.u32 $0x77, s14;
	v17 =	vor.u32 s6, v0;
	v9 =	vld [tilespmem:s11+$0xFFFFFED0];
	[tilespmem:v20+s31+$0x0] =	vst.idx.msk $0xffff, v16  }
0xc9: {  	s14 =	sand.u32 $0x75, s12;
	s12 =	sor.u32 s10, s26;
	s22 =	sor.u32 s8, s26;
	v16 =	vld [tilespmem:s11+$0xFFFFFEF0];
	[tilespmem:v21+s31+$0x0] =	vst.idx.msk $0xffff, v4  }
0xca: {  	s23 =	sor.u32 s7, s26;
	s10 =	sand.u32 $0x7C, s21;
	s8 =	sadd.s32 $0x11, s29;
	v20 =	vor.u32 s12, v0;
	v21 =	vor.u32 s0, v0;
	v4 =	vld [tilespmem:s11+$0xFFFFFF10];
	[tilespmem:v14+s31+$0x0] =	vst.idx.msk $0xffff, v8  }
0xcb: {  	s7 =	sor.u32 s14, s26;
	s10 =	sor.u32 s10, s26;
	s8 =	sand.u32 $0x71, s8;
	v8 =	vor.u32 s13, v1;
	[tilespmem:v22+s31+$0x0] =	vst.idx.msk $0xffff, v13;
	v13 =	vor.u32 s22, v0;
	v14 =	vld [tilespmem:s11+$0xFFFFFFF0]  }
0xcc: {  	s3 =	sand.u32 $0x7E, s3;
	s21 =	sor.u32 s19, s26;
	s14 =	sor.u32 s8, s26;
	v22 =	vor.u32 s23, v0;
	v23 =	vld [tilespmem:s11+$0xFFFFFE80];
	[tilespmem:v6+s31+$0x0] =	vst.idx.msk $0xffff, v18  }
0xcd: {  	p1 =	slt.u32 s16, $0x1F0;
	s3 =	sor.u32 s3, s26;
	s8 =	sadd.s32 $0x19, s29;
	v6 =	vor.u32 s14, v0;
	[tilespmem:v15+s31+$0x0] =	vst.idx.msk $0xffff, v7;
	v7 =	vld [tilespmem:s11+$0xFFFFFF30]  }
0xce: {  	v24 =	vor.u32 s6, v1;
	s13 =	smov.u32 s11;
	v18 =	vor.u32 s1, v1;
	s1 =	sand.u32 $0x79, s8;
	[tilespmem:v3+s31+$0x0] =	vst.idx.msk $0xffff, v10;
	v15 =	vld [tilespmem:s11+$0xFFFFFEA0]  }
0xcf: {  	s6 =	sor.u32 s1, s26;
	[tilespmem:v17+s31+$0x0] =	vst.idx.msk $0xffff, v9;
	v3 =	vld [tilespmem:s11+$0xFFFFFF50]  }
0xd0: {  	v9 =	vor.u32 s6, v0;
	v25 =	vld [tilespmem:s11+$0xFFFFFEE0];
	[tilespmem:v21+s31+$0x0] =	vst.idx.msk $0xffff, v14  }
0xd1: {  	[tilespmem:v13+s31+$0x0] =	vst.idx.msk $0xffff, v16;
	v13 =	vld [tilespmem:s11+$0xFFFFFF70]  }
0xd2: {  	[tilespmem:v6+s31+$0x0] =	vst.idx.msk $0xffff, v11;
	v14 =	vld [tilespmem:s11+$0xFFFFFF90];
	v6 =	vor.u32 s3, v0  }
0xd3: {  	[tilespmem:v8+s31+$0x0] =	vst.idx.msk $0xffff, v23;
	v10 =	vld [tilespmem:s11+$0xFFFFFF00];
	v8 =	vor.u32 s10, v0  }
0xd4: {  	s1 =	sadd.s32 $0x1B, s29;
	v11 =	vld [tilespmem:s11+$0xFFFFFE20];
	[tilespmem:v22+s31+$0x0] =	vst.idx.msk $0xffff, v12  }
0xd5: {  	s1 =	sand.u32 $0x7B, s1;
	v12 =	vor.u32 s7, v0;
	[tilespmem:v9+s31+$0x0] =	vst.idx.msk $0xffff, v7;
	v16 =	vld [tilespmem:s11+$0x0]  }
0xd6: {  	s1 =	sor.u32 s1, s26;
	v17 =	vor.u32 s0, v1;
	[tilespmem:v20+s31+$0x0] =	vst.idx.msk $0xffff, v4;
	v20 =	vld [tilespmem:s11+$0xFFFFFF40]  }
0xd7: {  	v21 =	vor.u32 s1, v0;
	v7 =	vld [tilespmem:s11+$0xFFFFFF20];
	[tilespmem:v6+s31+$0x0] =	vst.idx.msk $0xffff, v5  }
0xd8: {  	v6 =	vld [tilespmem:s11+$0xFFFFFE60];
	[tilespmem:v8+s31+$0x0] =	vst.idx.msk $0xffff, v14  }
0xd9: {  	v5 =	vor.u32 s6, v1;
	[tilespmem:v18+s31+$0x0] =	vst.idx.msk $0xffff, v15;
	v4 =	vld [tilespmem:s11+$0xFFFFFFA0]  }
.Ltmp1:
0xda: {  	v18 =	vor.u32 s28, v1;
	v9 =	vld [tilespmem:s11+$0xFFFFFE40];
	[tilespmem:v12+s31+$0x0] =	vst.idx.msk $0xffff, v19;
	(pc) =	sbr.rel @p1 .LBB2_5-.Ltmp1, $4  }
0xdb: {  	v19 =	vor.u32 s7, v1;
	v15 =	vld [tilespmem:s11+$0xFFFFFEC0];
	[tilespmem:v17+s31+$0x0] =	vst.idx.msk $0xffff, v16  }
0xdc: {  	v17 =	vor.u32 s22, v1;
	[tilespmem:v21+s31+$0x0] =	vst.idx.msk $0xffff, v13;
	v12 =	vld [tilespmem:s11+$0xFFFFFFE0]  }
0xdd: {  	v16 =	vor.u32 s21, v0;
	[tilespmem:v24+s31+$0x0] =	vst.idx.msk $0xffff, v25;
	v8 =	vld [tilespmem:s11+$0xFFFFFF80]  }
0xde: {  	s20 =	sadd.s32 $0x80, s20;
	v14 =	vor.u32 s3, v1;
	s11 =	sadd.s32 $0x200, s11;
	[tilespmem:v5+s31+$0x0] =	vst.idx.msk $0xffff, v20;
	v13 =	vld [tilespmem:s13+$0xFFFFFFC0]  }
0xdf: {  	_ =	sdelay $0x3  }
0xe0: {  	[tilespmem:v18+s31+$0x0] =	vst.idx.msk $0xffff, v11  }
0xe1: {  	[tilespmem:v17+s31+$0x0] =	vst.idx.msk $0xffff, v10  }
0xe2: {  	[tilespmem:v16+s31+$0x0] =	vst.idx.msk $0xffff, v3  }
0xe3: {  	v5 =	vor.u32 s12, v1;
	[tilespmem:v19+s31+$0x0] =	vst.idx.msk $0xffff, v15  }
0xe4: {  	v11 =	vor.u32 s23, v1;
	[tilespmem:v14+s31+$0x0] =	vst.idx.msk $0xffff, v12  }
0xe5: {  	v10 =	vor.u32 s14, v1;
	[tilespmem:v2+s31+$0x0] =	vst.idx.msk $0xffff, v13  }
0xe6: {  	v3 =	vld [tilespmem:s13+$0xFFFFFF60];
	v15 =	vor.u32 s21, v1;
	s0 =	rddreg [dreg:$0x5]  }
0xe7: {  	v12 =	vor.u32 s10, v1;
	s0 =	sadd.s32 s18, s0  }
0xe8: {  	v2 =	vor.u32 s1, v1;
	[tilespmem:v5+s31+$0x0] =	vst.idx.msk $0xffff, v7;
	s29 =	sshrl.u32 s0, $0x5  }
0xe9: {  	[tilespmem:v11+s31+$0x0] =	vst.idx.msk $0xffff, v6;
	s0 =	sshll.u32 s0, $0xC;
	s3 =	sshll.u32 s29, $0x11  }
0xea: {  	[tilespmem:v10+s31+$0x0] =	vst.idx.msk $0xffff, v9;
	s1 =	sshll.u32 s29, $0x13;
	s0 =	ssub.s32 s0, s3  }
0xeb: {  	[tilespmem:v15+s31+$0x0] =	vst.idx.msk $0xffff, v3;
	s0 =	sadd.s32 s1, s0  }
0xec: {  	[tilespmem:v12+s31+$0x0] =	vst.idx.msk $0xffff, v4;
	s1 =	sshrl.u32 s0, $0x3  }
0xed: {  	[tilespmem:v2+s31+$0x0] =	vst.idx.msk $0xffff, v8;
	s3 =	sadd.s32 $0x20000, s0;
	s1 =	sadd.s32 s5, s1  }
0xee: {  	[hbm4b:s1+s2] =	stream.linear.scatter [tilespmem:s31], [sflag:$0x5], $0x1000, $0x38;
	[tilespmem:$0x1E400] =	vst v63  }
0xef: {  	s1 =	sshrl.u32 s3, $0x3  }
0xf0: {  	s6 =	simm.s32 $0x17400;
	s7 =	sadd.s32 $0x40000, s0;
	s1 =	sadd.s32 s5, s1  }
0xf1: {  	[hbm4b:s1+s2] =	stream.linear.scatter [tilespmem:s6], [sflag:$0x5], $0x1000, $0x38;
	[tilespmem:$0x1E400] =	vst v63  }
0xf2: {  	s0 =	sadd.s32 $0x60000, s0;
	s1 =	sshrl.u32 s7, $0x3  }
0xf3: {  	s8 =	simm.s32 $0x18400;
	s0 =	sshrl.u32 s0, $0x3;
	s1 =	sadd.s32 s5, s1  }
0xf4: {  	[hbm4b:s1+s2] =	stream.linear.scatter [tilespmem:s8], [sflag:$0x5], $0x1000, $0x38;
	[tilespmem:$0x1E400] =	vst v63  }
0xf5: {  	s10 =	simm.s32 $0x19400;
	s0 =	sadd.s32 s5, s0  }
0xf6: {  	[hbm4b:s0+s2] =	stream.linear.scatter [tilespmem:s10], [sflag:$0x5], $0x1000, $0x38;
	[tilespmem:$0x1E400] =	vst v63  }
0xf7: {  	s11 =	sadd.s32 $0x800, s15;
	s12 =	simm.s32 $0xA400;
	s13 =	simm.s32 $0x3  }
0xf8: {  	[tilespmem:s12], [sflag:$0x2] =	stream.indirect.gather [hbm4b:s4+s24], $0x20, s11, s24, $0xb8;
	[tilespmem:$0x1E400] =	vst v63  }
0xf9: {  	_ =	swait.ge [sflag:s13], $0x4000  }
0xfa: {  	[sflag:s13] =	ssyncset.done $0x0  }
0xfb: {  	s0 =	simm.s32 @!p0 $0x6;
	[sflag:s13] =	ssyncadd.s32 $0xFFFFC000  }
0xfc: {  	_ =	swait.ge @!p0 [sflag:s0], $0x1000  }
0xfd: {  	[sflag:s0] =	ssyncset.done @!p0 $0x0  }
0xfe: {  	[sflag:s0] =	ssyncadd.s32 @!p0 $0xFFFFF000  }
0xff: {  	_ =	swait.ge @!p0 [sflag:s0], $0x1000  }
0x100: {  	[sflag:s0] =	ssyncset.done @!p0 $0x0  }
0x101: {  	[sflag:s0] =	ssyncadd.s32 @!p0 $0xFFFFF000  }
0x102: {  	_ =	swait.ge @!p0 [sflag:s0], $0x1000  }
0x103: {  	[sflag:s0] =	ssyncset.done @!p0 $0x0  }
0x104: {  	[sflag:s0] =	ssyncadd.s32 @!p0 $0xFFFFF000  }
0x105: {  	_ =	swait.ge @!p0 [sflag:s0], $0x1000  }
0x106: {  	[sflag:s0] =	ssyncset.done @!p0 $0x0  }
0x107: {  	s13 =	simm.s32 $0xE5F0;
	[sflag:s0] =	ssyncadd.s32 @!p0 $0xFFFFF000  }
0x108: {  	v2 =	vld [tilespmem:s13+$0xFFFFFFD0]  }
0x109: {  	v4 =	vld [tilespmem:s13+$0xFFFFFE30]  }
0x10a: {  	v3 =	vld [tilespmem:s13+$0xFFFFFFB0]  }
0x10b: {  	s14 =	simm.s32 $0x0;
	s16 =	simm.s32 $0x3;
	v5 =	vld [tilespmem:s13+$0xFFFFFE10]  }
0x10c: {  	s20 =	sand.u32 $0x73, s16;
	s21 =	simm.s32 $0x4;
	s11 =	sand.u32 $0xC00, s14;
	v6 =	vld [tilespmem:s13+$0xFFFFFE50]  }
0x10d: {  	s19 =	simm.s32 $0xD;
	s1 =	sand.u32 $0x74, s21;
	s6 =	sor.u32 s20, s11;
	v7 =	vld [tilespmem:s13+$0xFFFFFE70]  }
0x10e: {  	s22 =	sand.u32 $0x7D, s19;
	s16 =	simm.s32 $0x0;
	s1 =	sor.u32 s1, s11;
	v8 =	vor.u32 s6, v0;
	v9 =	vld [tilespmem:s13+$0xFFFFFE90]  }
0x10f: {  	s23 =	sand.u32 $0x70, s16;
	s7 =	simm.s32 $0x6;
	v11 =	vor.u32 s1, v0;
	s0 =	sor.u32 s22, s11;
	v12 =	vld [tilespmem:s13+$0xFFFFFEB0]  }
0x110: {  	s7 =	sand.u32 $0x76, s7;
	s8 =	simm.s32 $0xF;
	s3 =	sor.u32 s23, s11;
	v10 =	vor.u32 s0, v0;
	v13 =	vld [tilespmem:s13+$0xFFFFFED0]  }
0x111: {  	s8 =	sand.u32 $0x7F, s8;
	s24 =	simm.s32 $0x7;
	s7 =	sor.u32 s7, s11;
	v14 =	vor.u32 s3, v0;
	v15 =	vld [tilespmem:s13+$0xFFFFFEF0]  }
0x112: {  	s26 =	simm.s32 $0x1;
	s8 =	sor.u32 s8, s11;
	s10 =	sand.u32 $0x77, s24;
	v16 =	vor.u32 s7, v0;
	v17 =	vld [tilespmem:s13+$0xFFFFFF10]  }
0x113: {  	s28 =	sand.u32 $0x71, s26;
	s29 =	simm.s32 $0x2;
	s20 =	sor.u32 s10, s11;
	v18 =	vor.u32 s8, v0;
	[tilespmem:v8+s9+$0x0] =	vst.idx.msk $0xffff, v7;
	v7 =	vld [tilespmem:s13+$0xFFFFFFF0]  }
0x114: {  	s12 =	sand.u32 $0x72, s29;
	s14 =	sor.u32 s28, s11;
	v8 =	vor.u32 s20, v0;
	[tilespmem:v11+s9+$0x0] =	vst.idx.msk $0xffff, v9;
	v9 =	vld [tilespmem:s13+$0xFFFFFF30]  }
0x115: {  	s21 =	simm.s32 $0x9;
	s23 =	sor.u32 s12, s11;
	[tilespmem:v10+s9+$0x0] =	vst.idx.msk $0xffff, v3;
	v10 =	vor.u32 s14, v0;
	v3 =	vld [tilespmem:s13+$0xFFFFFF50]  }
0x116: {  	s22 =	sand.u32 $0x79, s21;
	[tilespmem:v14+s9+$0x0] =	vst.idx.msk $0xffff, v5;
	v14 =	vor.u32 s23, v0;
	v19 =	vld [tilespmem:s13+$0xFFFFFE80]  }
0x117: {  	s19 =	simm.s32 $0x8;
	v11 =	vor.u32 s6, v1;
	[tilespmem:v16+s9+$0x0] =	vst.idx.msk $0xffff, v13;
	s6 =	sor.u32 s22, s11;
	v5 =	vld [tilespmem:s13+$0xFFFFFEA0]  }
0x118: {  	s26 =	sand.u32 $0x78, s19;
	s24 =	simm.s32 $0xE;
	v13 =	vld [tilespmem:s13+$0xFFFFFEE0];
	v16 =	vor.u32 s6, v0;
	[tilespmem:v18+s9+$0x0] =	vst.idx.msk $0xffff, v7  }
0x119: {  	s12 =	sor.u32 s26, s11;
	s10 =	sand.u32 $0x7E, s24;
	v22 =	vor.u32 s7, v1;
	[tilespmem:v8+s9+$0x0] =	vst.idx.msk $0xffff, v15;
	v8 =	vld [tilespmem:s13+$0xFFFFFF70]  }
0x11a: {  	s28 =	simm.s32 $0xC;
	s22 =	sor.u32 s10, s11;
	v7 =	vor.u32 s12, v0;
	[tilespmem:v10+s9+$0x0] =	vst.idx.msk $0xffff, v4;
	v4 =	vld [tilespmem:s13+$0xFFFFFF90]  }
0x11b: {  	s29 =	simm.s32 $0x5;
	s19 =	sand.u32 $0x7C, s28;
	v15 =	vor.u32 s22, v0;
	[tilespmem:v14+s9+$0x0] =	vst.idx.msk $0xffff, v6;
	v10 =	vld [tilespmem:s13+$0xFFFFFF00]  }
0x11c: {  	s24 =	sand.u32 $0x75, s29;
	s10 =	sor.u32 s19, s11;
	[tilespmem:v11+s9+$0x0] =	vst.idx.msk $0xffff, v19;
	v19 =	vor.u32 s1, v1;
	v11 =	vld [tilespmem:s13+$0xFFFFFE20]  }
0x11d: {  	s26 =	simm.s32 $0xB;
	s19 =	sor.u32 s24, s11;
	v18 =	vor.u32 s10, v0;
	[tilespmem:v16+s9+$0x0] =	vst.idx.msk $0xffff, v9;
	v16 =	vld [tilespmem:s13+$0x0]  }
0x11e: {  	v14 =	vor.u32 s19, v0;
	s1 =	sand.u32 $0x7B, s26;
	v6 =	vld [tilespmem:s13+$0xFFFFFE60];
	[tilespmem:v22+s9+$0x0] =	vst.idx.msk $0xffff, v13  }
0x11f: {  	v20 =	vor.u32 s8, v1;
	v9 =	vld [tilespmem:s13+$0xFFFFFE40];
	s1 =	sor.u32 s1, s11;
	[tilespmem:v7+s9+$0x0] =	vst.idx.msk $0xffff, v17  }
0x120: {  	v13 =	vld [tilespmem:s13+$0xFFFFFFC0];
	v17 =	vor.u32 s1, v0;
	[tilespmem:v15+s9+$0x0] =	vst.idx.msk $0xffff, v2  }
0x121: {  	v21 =	vld [tilespmem:s13+$0xFFFFFF40];
	[tilespmem:v19+s9+$0x0] =	vst.idx.msk $0xffff, v5;
	v5 =	vor.u32 s6, v1  }
0x122: {  	[tilespmem:v18+s9+$0x0] =	vst.idx.msk $0xffff, v4;
	v7 =	vld [tilespmem:s13+$0xFFFFFF20]  }
0x123: {  	s28 =	simm.s32 $0xA;
	[tilespmem:v14+s9+$0x0] =	vst.idx.msk $0xffff, v12;
	v18 =	vor.u32 s3, v1;
	v4 =	vld [tilespmem:s13+$0xFFFFFFA0]  }
0x124: {  	s29 =	sand.u32 $0x7A, s28;
	v15 =	vld [tilespmem:s13+$0xFFFFFEC0];
	[tilespmem:v20+s9+$0x0] =	vst.idx.msk $0xffff, v16;
	v19 =	vor.u32 s19, v1  }
0x125: {  	s21 =	sor.u32 s29, s11;
	v2 =	vor.u32 s0, v1;
	v12 =	vld [tilespmem:s13+$0xFFFFFFE0];
	[tilespmem:v17+s9+$0x0] =	vst.idx.msk $0xffff, v8;
	v17 =	vor.u32 s20, v1  }
0x126: {  	s11 =	simm.s32 $0xE7F0;
	v14 =	vor.u32 s22, v1;
	v16 =	vor.u32 s21, v0;
	s20 =	simm.s32 $0x80;
	v8 =	vld [tilespmem:s13+$0xFFFFFF80];
	[tilespmem:v5+s9+$0x0] =	vst.idx.msk $0xffff, v21  }
.LBB2_7:
0x127: {  	s0 =	sadd.s32 $0x12, s16  }
0x128: {  	s6 =	sadd.s32 $0x1D, s16;
	v5 =	vld [tilespmem:s11+$0xFFFFFFD0];
	[tilespmem:v18+s9+$0x0] =	vst.idx.msk $0xffff, v11;
	s29 =	smov.u32 s16;
	s16 =	sadd.s32 $0x10, s16  }
0x129: {  	s26 =	sand.u32 $0xC00, s20;
	s8 =	sand.u32 $0x70, s16;
	v11 =	vld [tilespmem:s11+$0xFFFFFE30];
	s3 =	sadd.s32 $0x1E, s29;
	[tilespmem:v19+s9+$0x0] =	vst.idx.msk $0xffff, v15;
	v15 =	vor.u32 s12, v1  }
0x12a: {  	s7 =	sand.u32 $0x72, s0;
	s12 =	sadd.s32 $0x15, s29;
	s0 =	sadd.s32 $0x1F, s29;
	v19 =	vor.u32 s23, v1;
	v18 =	vld [tilespmem:s11+$0xFFFFFFB0];
	[tilespmem:v17+s9+$0x0] =	vst.idx.msk $0xffff, v10  }
0x12b: {  	s28 =	sor.u32 s8, s26;
	s8 =	sadd.s32 $0x13, s29;
	s0 =	sand.u32 $0x7F, s0;
	v17 =	vor.u32 s14, v1;
	v10 =	vld [tilespmem:s11+$0xFFFFFE10];
	[tilespmem:v16+s9+$0x0] =	vst.idx.msk $0xffff, v3  }
0x12c: {  	v20 =	vor.u32 s21, v1;
	s19 =	sadd.s32 $0x1A, s29;
	s14 =	sadd.s32 $0x14, s29;
	v3 =	vor.u32 s28, v0;
	s8 =	sand.u32 $0x73, s8;
	v16 =	vld [tilespmem:s13+$0xFFFFFF60];
	[tilespmem:v14+s9+$0x0] =	vst.idx.msk $0xffff, v12  }
0x12d: {  	v21 =	vor.u32 s10, v1;
	s0 =	sor.u32 s0, s26;
	s8 =	sor.u32 s8, s26;
	s13 =	sand.u32 $0x74, s14;
	v14 =	vor.u32 s1, v1;
	v12 =	vld [tilespmem:s11+$0xFFFFFE50];
	[tilespmem:v2+s9+$0x0] =	vst.idx.msk $0xffff, v13  }
0x12e: {  	s10 =	sadd.s32 $0x16, s29;
	s6 =	sand.u32 $0x7D, s6;
	v22 =	vor.u32 s8, v0;
	s1 =	sor.u32 s13, s26;
	v13 =	vld [tilespmem:s11+$0xFFFFFE70];
	[tilespmem:v15+s9+$0x0] =	vst.idx.msk $0xffff, v7  }
0x12f: {  	s10 =	sand.u32 $0x76, s10;
	s6 =	sor.u32 s6, s26;
	s13 =	sadd.s32 $0x17, s29;
	v15 =	vor.u32 s1, v0;
	v7 =	vld [tilespmem:s11+$0xFFFFFE90];
	[tilespmem:v19+s9+$0x0] =	vst.idx.msk $0xffff, v6  }
0x130: {  	s24 =	sor.u32 s10, s26;
	s10 =	sadd.s32 $0x18, s29;
	s14 =	sadd.s32 $0x1C, s29;
	v2 =	vor.u32 s6, v1;
	v6 =	vor.u32 s6, v0;
	v19 =	vld [tilespmem:s11+$0xFFFFFEB0];
	[tilespmem:v17+s9+$0x0] =	vst.idx.msk $0xffff, v9  }
0x131: {  	s10 =	sand.u32 $0x78, s10;
	s6 =	sand.u32 $0x77, s13;
	s13 =	sand.u32 $0x7A, s19;
	v17 =	vor.u32 s24, v0;
	v9 =	vld [tilespmem:s11+$0xFFFFFED0];
	[tilespmem:v20+s9+$0x0] =	vst.idx.msk $0xffff, v16  }
0x132: {  	s19 =	sand.u32 $0x75, s12;
	s12 =	sor.u32 s10, s26;
	s22 =	sor.u32 s6, s26;
	v16 =	vld [tilespmem:s11+$0xFFFFFEF0];
	[tilespmem:v21+s9+$0x0] =	vst.idx.msk $0xffff, v4  }
0x133: {  	s23 =	sor.u32 s7, s26;
	s10 =	sand.u32 $0x7C, s14;
	s6 =	sadd.s32 $0x11, s29;
	v20 =	vor.u32 s12, v0;
	v21 =	vor.u32 s0, v0;
	v4 =	vld [tilespmem:s11+$0xFFFFFF10];
	[tilespmem:v14+s9+$0x0] =	vst.idx.msk $0xffff, v8  }
0x134: {  	s7 =	sor.u32 s19, s26;
	s10 =	sor.u32 s10, s26;
	s6 =	sand.u32 $0x71, s6;
	v8 =	vor.u32 s8, v1;
	[tilespmem:v22+s9+$0x0] =	vst.idx.msk $0xffff, v13;
	v13 =	vor.u32 s22, v0;
	v14 =	vld [tilespmem:s11+$0xFFFFFFF0]  }
0x135: {  	s3 =	sand.u32 $0x7E, s3;
	s21 =	sor.u32 s13, s26;
	s14 =	sor.u32 s6, s26;
	v22 =	vor.u32 s23, v0;
	v23 =	vld [tilespmem:s11+$0xFFFFFE80];
	[tilespmem:v6+s9+$0x0] =	vst.idx.msk $0xffff, v18  }
0x136: {  	p0 =	slt.u32 s16, $0x1F0;
	s3 =	sor.u32 s3, s26;
	s6 =	sadd.s32 $0x19, s29;
	v6 =	vor.u32 s14, v0;
	[tilespmem:v15+s9+$0x0] =	vst.idx.msk $0xffff, v7;
	v7 =	vld [tilespmem:s11+$0xFFFFFF30]  }
0x137: {  	v24 =	vor.u32 s24, v1;
	s13 =	smov.u32 s11;
	v18 =	vor.u32 s1, v1;
	s1 =	sand.u32 $0x79, s6;
	[tilespmem:v3+s9+$0x0] =	vst.idx.msk $0xffff, v10;
	v15 =	vld [tilespmem:s11+$0xFFFFFEA0]  }
0x138: {  	s6 =	sor.u32 s1, s26;
	[tilespmem:v17+s9+$0x0] =	vst.idx.msk $0xffff, v9;
	v3 =	vld [tilespmem:s11+$0xFFFFFF50]  }
0x139: {  	v9 =	vor.u32 s6, v0;
	v25 =	vld [tilespmem:s11+$0xFFFFFEE0];
	[tilespmem:v21+s9+$0x0] =	vst.idx.msk $0xffff, v14  }
0x13a: {  	[tilespmem:v13+s9+$0x0] =	vst.idx.msk $0xffff, v16;
	v13 =	vld [tilespmem:s11+$0xFFFFFF70]  }
0x13b: {  	[tilespmem:v6+s9+$0x0] =	vst.idx.msk $0xffff, v11;
	v14 =	vld [tilespmem:s11+$0xFFFFFF90];
	v6 =	vor.u32 s3, v0  }
0x13c: {  	[tilespmem:v8+s9+$0x0] =	vst.idx.msk $0xffff, v23;
	v10 =	vld [tilespmem:s11+$0xFFFFFF00];
	v8 =	vor.u32 s10, v0  }
0x13d: {  	s1 =	sadd.s32 $0x1B, s29;
	v11 =	vld [tilespmem:s11+$0xFFFFFE20];
	[tilespmem:v22+s9+$0x0] =	vst.idx.msk $0xffff, v12  }
0x13e: {  	s1 =	sand.u32 $0x7B, s1;
	v12 =	vor.u32 s7, v0;
	[tilespmem:v9+s9+$0x0] =	vst.idx.msk $0xffff, v7;
	v16 =	vld [tilespmem:s11+$0x0]  }
0x13f: {  	s1 =	sor.u32 s1, s26;
	v17 =	vor.u32 s0, v1;
	[tilespmem:v20+s9+$0x0] =	vst.idx.msk $0xffff, v4;
	v20 =	vld [tilespmem:s11+$0xFFFFFF40]  }
0x140: {  	v21 =	vor.u32 s1, v0;
	v7 =	vld [tilespmem:s11+$0xFFFFFF20];
	[tilespmem:v6+s9+$0x0] =	vst.idx.msk $0xffff, v5  }
0x141: {  	v6 =	vld [tilespmem:s11+$0xFFFFFE60];
	[tilespmem:v8+s9+$0x0] =	vst.idx.msk $0xffff, v14  }
0x142: {  	v5 =	vor.u32 s6, v1;
	[tilespmem:v18+s9+$0x0] =	vst.idx.msk $0xffff, v15;
	v4 =	vld [tilespmem:s11+$0xFFFFFFA0]  }
.Ltmp2:
0x143: {  	v18 =	vor.u32 s28, v1;
	v9 =	vld [tilespmem:s11+$0xFFFFFE40];
	[tilespmem:v12+s9+$0x0] =	vst.idx.msk $0xffff, v19;
	(pc) =	sbr.rel @p0 .LBB2_7-.Ltmp2, $4  }
0x144: {  	v19 =	vor.u32 s7, v1;
	v15 =	vld [tilespmem:s11+$0xFFFFFEC0];
	[tilespmem:v17+s9+$0x0] =	vst.idx.msk $0xffff, v16  }
0x145: {  	v17 =	vor.u32 s22, v1;
	[tilespmem:v21+s9+$0x0] =	vst.idx.msk $0xffff, v13;
	v12 =	vld [tilespmem:s11+$0xFFFFFFE0]  }
0x146: {  	v16 =	vor.u32 s21, v0;
	[tilespmem:v24+s9+$0x0] =	vst.idx.msk $0xffff, v25;
	v8 =	vld [tilespmem:s11+$0xFFFFFF80]  }
0x147: {  	s20 =	sadd.s32 $0x80, s20;
	v14 =	vor.u32 s3, v1;
	s11 =	sadd.s32 $0x200, s11;
	[tilespmem:v5+s9+$0x0] =	vst.idx.msk $0xffff, v20;
	v13 =	vld [tilespmem:s13+$0xFFFFFFC0]  }
0x148: {  	_ =	sdelay $0x3  }
0x149: {  	[tilespmem:v18+s9+$0x0] =	vst.idx.msk $0xffff, v11  }
0x14a: {  	[tilespmem:v17+s9+$0x0] =	vst.idx.msk $0xffff, v10  }
0x14b: {  	[tilespmem:v16+s9+$0x0] =	vst.idx.msk $0xffff, v3  }
0x14c: {  	v5 =	vor.u32 s12, v1;
	[tilespmem:v19+s9+$0x0] =	vst.idx.msk $0xffff, v15  }
0x14d: {  	v60 =	vor.u32 s23, v1;
	[tilespmem:v14+s9+$0x0] =	vst.idx.msk $0xffff, v12  }
0x14e: {  	v61 =	vor.u32 s14, v1;
	[tilespmem:v2+s9+$0x0] =	vst.idx.msk $0xffff, v13  }
0x14f: {  	v63 =	vor.u32 s10, v1;
	s0 =	rddreg [dreg:$0x6]  }
0x150: {  	v62 =	vor.u32 s21, v1;
	v3 =	vld [tilespmem:s13+$0xFFFFFF60];
	s0 =	sadd.s32 s18, s0  }
0x151: {  	v2 =	vor.u32 s1, v1;
	[tilespmem:v5+s9+$0x0] =	vst.idx.msk $0xffff, v7;
	s22 =	sshrl.u32 s0, $0x5  }
0x152: {  	[tilespmem:v60+s9+$0x0] =	vst.idx.msk $0xffff, v6;
	s0 =	sshll.u32 s0, $0xC;
	s3 =	sshll.u32 s22, $0x11  }
0x153: {  	[tilespmem:v61+s9+$0x0] =	vst.idx.msk $0xffff, v9;
	s1 =	sshll.u32 s22, $0x13;
	s0 =	ssub.s32 s0, s3  }
0x154: {  	[tilespmem:v63+s9+$0x0] =	vst.idx.msk $0xffff, v4;
	s0 =	sadd.s32 s1, s0  }
0x155: {  	[tilespmem:v62+s9+$0x0] =	vst.idx.msk $0xffff, v3;
	s1 =	sshrl.u32 s0, $0x3  }
0x156: {  	[tilespmem:v2+s9+$0x0] =	vst.idx.msk $0xffff, v8;
	s23 =	sadd.s32 $0x20000, s0;
	s1 =	sadd.s32 s5, s1  }
0x157: {  	[hbm4b:s1+s2] =	stream.linear.scatter [tilespmem:s9], [sflag:$0x6], $0x1000, $0x38;
	[tilespmem:$0x1E400] =	vst v63  }
0x158: {  	s24 =	simm.s32 $0x1B400;
	s1 =	sshrl.u32 s23, $0x3  }
0x159: {  	p0 =	seq.s32 s17, $0xF;
	s26 =	sadd.s32 $0x40000, s0;
	s1 =	sadd.s32 s5, s1  }
0x15a: {  	[hbm4b:s1+s2] =	stream.linear.scatter [tilespmem:s24], [sflag:$0x6], $0x1000, $0x38;
	[tilespmem:$0x1E400] =	vst v63  }
.Ltmp3:
0x15b: {  	s0 =	sadd.s32 $0x60000, s0;
	s1 =	sshrl.u32 s26, $0x3;
	(pc) =	sbr.rel @p0 .LBB2_10-.Ltmp3, $4  }
0x15c: {  	s28 =	simm.s32 $0x1C400;
	s0 =	sshrl.u32 s0, $0x3;
	s1 =	sadd.s32 s5, s1  }
0x15d: {  	[hbm4b:s1+s2] =	stream.linear.scatter [tilespmem:s28], [sflag:$0x6], $0x1000, $0x38;
	[tilespmem:$0x1E400] =	vst v63  }
0x15e: {  	s29 =	simm.s32 $0x1D400;
	s0 =	sadd.s32 s5, s0  }
0x15f: {  	[hbm4b:s0+s2] =	stream.linear.scatter [tilespmem:s29], [sflag:$0x6], $0x1000, $0x38;
	[tilespmem:$0x1E400] =	vst v63  }
.Ltmp4:
0x160: {  	(pc) =	sbr.rel .LBB2_2-.Ltmp4, $4  }
0x161: {  	_ = 	snop  }
0x162: {  	s0 =	sadd.s32 $0xA00, s15  }
0x163: {  	s24 =	simm.s32 $0x200;
	s1 =	simm.s32 $0xE400;
	s17 =	sadd.s32 $0x1, s17  }
0x164: {  	[tilespmem:s1], [sflag:$0x3] =	stream.indirect.gather [hbm4b:s4+s24], $0x20, s0, s24, $0xb8;
	[tilespmem:$0x1E400] =	vst v63  }
.LBB2_10:
0x165: {  	s0 =	simm.s32 $0x1  }
0x166: {  	_ =	swait.ge [sflag:s0], $0x4000  }
0x167: {  	[sflag:s0] =	ssyncset.done $0x0  }
0x168: {  	s26 =	simm.s32 $0x4;
	[sflag:s0] =	ssyncadd.s32 $0xFFFFC000  }
0x169: {  	_ =	swait.ge [sflag:s26], $0x1000  }
0x16a: {  	[sflag:s26] =	ssyncset.done $0x0  }
0x16b: {  	[sflag:s26] =	ssyncadd.s32 $0xFFFFF000  }
0x16c: {  	_ =	swait.ge [sflag:s26], $0x1000  }
0x16d: {  	[sflag:s26] =	ssyncset.done $0x0  }
0x16e: {  	[sflag:s26] =	ssyncadd.s32 $0xFFFFF000  }
0x16f: {  	_ =	swait.ge [sflag:s26], $0x1000  }
0x170: {  	[sflag:s26] =	ssyncset.done $0x0  }
0x171: {  	[sflag:s26] =	ssyncadd.s32 $0xFFFFF000  }
0x172: {  	_ =	swait.ge [sflag:s26], $0x1000  }
0x173: {  	[sflag:s26] =	ssyncset.done $0x0  }
0x174: {  	s13 =	simm.s32 $0x6500;
	[sflag:s26] =	ssyncadd.s32 $0xFFFFF000  }
0x175: {  	v2 =	vld [tilespmem:s13+$0xC0]  }
0x176: {  	v4 =	vld [tilespmem:s13+$0xFFFFFF20]  }
0x177: {  	v3 =	vld [tilespmem:s13+$0xA0]  }
0x178: {  	s8 =	simm.s32 $0x0;
	s1 =	simm.s32 $0x3;
	v5 =	vld [tilespmem:s13+$0xFFFFFF00]  }
0x179: {  	s3 =	simm.s32 $0xD;
	s11 =	sand.u32 $0xC00, s8;
	s10 =	sand.u32 $0x73, s1;
	v6 =	vld [tilespmem:s13+$0xFFFFFF40]  }
0x17a: {  	s12 =	simm.s32 $0x4;
	s14 =	sand.u32 $0x7D, s3;
	s6 =	sor.u32 s10, s11;
	v7 =	vld [tilespmem:s13+$0xFFFFFF60]  }
0x17b: {  	s15 =	simm.s32 $0x0;
	s1 =	sand.u32 $0x74, s12;
	v8 =	vor.u32 s6, v0;
	s0 =	sor.u32 s14, s11;
	v9 =	vld [tilespmem:s13+$0xFFFFFF80]  }
0x17c: {  	s7 =	simm.s32 $0x6;
	s16 =	sand.u32 $0x70, s15;
	s1 =	sor.u32 s1, s11;
	v11 =	vor.u32 s0, v0;
	v10 =	vld [tilespmem:s13+$0xFFFFFFA0]  }
0x17d: {  	s8 =	simm.s32 $0xF;
	s7 =	sand.u32 $0x76, s7;
	s3 =	sor.u32 s16, s11;
	v12 =	vor.u32 s1, v0;
	v13 =	vld [tilespmem:s13+$0xFFFFFFC0]  }
0x17e: {  	s8 =	sand.u32 $0x7F, s8;
	s10 =	simm.s32 $0x7;
	s7 =	sor.u32 s7, s11;
	v14 =	vor.u32 s3, v0;
	v15 =	vld [tilespmem:s13+$0xFFFFFFE0]  }
0x17f: {  	s19 =	simm.s32 $0x1;
	s18 =	sor.u32 s8, s11;
	v16 =	vor.u32 s7, v0;
	s17 =	sand.u32 $0x77, s10;
	v17 =	vld [tilespmem:s13+$0x0]  }
0x180: {  	s21 =	simm.s32 $0x2;
	s20 =	sand.u32 $0x71, s19;
	s17 =	sor.u32 s17, s11;
	v18 =	vor.u32 s18, v0;
	[tilespmem:v8+s25+$0x0] =	vst.idx.msk $0xffff, v7;
	v7 =	vld [tilespmem:s13+$0xE0]  }
0x181: {  	s22 =	sand.u32 $0x72, s21;
	s14 =	sor.u32 s20, s11;
	v20 =	vld [tilespmem:s13+$0x60];
	v8 =	vor.u32 s17, v0;
	[tilespmem:v11+s25+$0x0] =	vst.idx.msk $0xffff, v3  }
0x182: {  	s23 =	simm.s32 $0x9;
	s16 =	sor.u32 s22, s11;
	v11 =	vor.u32 s14, v0;
	[tilespmem:v12+s25+$0x0] =	vst.idx.msk $0xffff, v9;
	v12 =	vld [tilespmem:s13+$0x20]  }
0x183: {  	s24 =	sand.u32 $0x79, s23;
	[tilespmem:v14+s25+$0x0] =	vst.idx.msk $0xffff, v5;
	v14 =	vor.u32 s16, v0;
	v3 =	vld [tilespmem:s13+$0x40]  }
0x184: {  	s12 =	simm.s32 $0x8;
	v9 =	vor.u32 s6, v1;
	[tilespmem:v16+s25+$0x0] =	vst.idx.msk $0xffff, v13;
	s6 =	sor.u32 s24, s11;
	v19 =	vld [tilespmem:s13+$0xFFFFFF70]  }
0x185: {  	s29 =	simm.s32 $0xE;
	s20 =	sand.u32 $0x78, s12;
	v5 =	vld [tilespmem:s13+$0xFFFFFF90];
	v16 =	vor.u32 s6, v0;
	[tilespmem:v18+s25+$0x0] =	vst.idx.msk $0xffff, v7  }
0x186: {  	s19 =	simm.s32 $0xC;
	s8 =	sand.u32 $0x7E, s29;
	v22 =	vor.u32 s7, v1;
	s12 =	sor.u32 s20, s11;
	v13 =	vld [tilespmem:s13+$0xFFFFFFD0];
	[tilespmem:v8+s25+$0x0] =	vst.idx.msk $0xffff, v15  }
0x187: {  	s21 =	sand.u32 $0x7C, s19;
	s8 =	sor.u32 s8, s11;
	v7 =	vor.u32 s12, v0;
	[tilespmem:v11+s25+$0x0] =	vst.idx.msk $0xffff, v4;
	v4 =	vld [tilespmem:s13+$0x80]  }
0x188: {  	s22 =	simm.s32 $0x5;
	s10 =	sor.u32 s21, s11;
	v8 =	vor.u32 s8, v0;
	v11 =	vld [tilespmem:s13+$0xFFFFFF10];
	[tilespmem:v14+s25+$0x0] =	vst.idx.msk $0xffff, v6  }
0x189: {  	s19 =	sand.u32 $0x75, s22;
	v15 =	vor.u32 s10, v0;
	[tilespmem:v9+s25+$0x0] =	vst.idx.msk $0xffff, v19;
	v9 =	vld [tilespmem:s13+$0xFFFFFFF0]  }
0x18a: {  	s23 =	simm.s32 $0xB;
	s19 =	sor.u32 s19, s11;
	v18 =	vor.u32 s1, v1;
	[tilespmem:v16+s25+$0x0] =	vst.idx.msk $0xffff, v12;
	v12 =	vld [tilespmem:s13+$0xF0]  }
0x18b: {  	v14 =	vor.u32 s19, v0;
	s1 =	sand.u32 $0x7B, s23;
	[tilespmem:v22+s25+$0x0] =	vst.idx.msk $0xffff, v13;
	v13 =	vld [tilespmem:s13+$0xB0]  }
0x18c: {  	s1 =	sor.u32 s1, s11;
	v16 =	vor.u32 s18, v1;
	v21 =	vld [tilespmem:s13+$0x30];
	[tilespmem:v7+s25+$0x0] =	vst.idx.msk $0xffff, v17  }
0x18d: {  	v17 =	vor.u32 s1, v0;
	[tilespmem:v8+s25+$0x0] =	vst.idx.msk $0xffff, v2;
	v7 =	vld [tilespmem:s13+$0xFFFFFF50]  }
0x18e: {  	[tilespmem:v15+s25+$0x0] =	vst.idx.msk $0xffff, v4;
	v4 =	vor.u32 s6, v1;
	v8 =	vld [tilespmem:s13+$0xFFFFFF30]  }
0x18f: {  	[tilespmem:v18+s25+$0x0] =	vst.idx.msk $0xffff, v5;
	v6 =	vld [tilespmem:s13+$0x10]  }
0x190: {  	s24 =	simm.s32 $0xA;
	[tilespmem:v14+s25+$0x0] =	vst.idx.msk $0xffff, v10;
	v18 =	vor.u32 s3, v1;
	v5 =	vld [tilespmem:s13+$0x90]  }
0x191: {  	s29 =	sand.u32 $0x7A, s24;
	v19 =	vor.u32 s19, v1;
	v15 =	vld [tilespmem:s13+$0xFFFFFFB0];
	[tilespmem:v16+s25+$0x0] =	vst.idx.msk $0xffff, v12  }
0x192: {  	s28 =	simm.s32 $0x5;
	s18 =	sor.u32 s29, s11;
	v2 =	vor.u32 s0, v1;
	v12 =	vld [tilespmem:s13+$0xD0];
	[tilespmem:v17+s25+$0x0] =	vst.idx.msk $0xffff, v20;
	v17 =	vor.u32 s17, v1  }
0x193: {  	s24 =	simm.s32 $0x200;
	s11 =	simm.s32 $0x80;
	v14 =	vor.u32 s8, v1;
	v16 =	vor.u32 s18, v0;
	[tilespmem:v4+s25+$0x0] =	vst.idx.msk $0xffff, v21;
	s17 =	simm.s32 $0x6700;
	v10 =	vld [tilespmem:s13+$0x70]  }
.LBB2_11:
0x194: {  	s0 =	sadd.s32 $0x12, s15  }
0x195: {  	s6 =	sadd.s32 $0x1D, s15;
	v4 =	vld [tilespmem:s17+$0xC0];
	[tilespmem:v18+s25+$0x0] =	vst.idx.msk $0xffff, v11;
	s23 =	smov.u32 s15;
	s15 =	sadd.s32 $0x10, s15  }
0x196: {  	s20 =	sand.u32 $0xC00, s11;
	s8 =	sand.u32 $0x70, s15;
	v11 =	vld [tilespmem:s17+$0xFFFFFF20];
	s3 =	sadd.s32 $0x1E, s23;
	[tilespmem:v19+s25+$0x0] =	vst.idx.msk $0xffff, v15;
	v15 =	vor.u32 s12, v1  }
0x197: {  	s7 =	sand.u32 $0x72, s0;
	s12 =	sadd.s32 $0x15, s23;
	s0 =	sadd.s32 $0x1F, s23;
	v19 =	vor.u32 s16, v1;
	v18 =	vld [tilespmem:s17+$0xA0];
	[tilespmem:v17+s25+$0x0] =	vst.idx.msk $0xffff, v9  }
0x198: {  	s21 =	sor.u32 s8, s20;
	s8 =	sadd.s32 $0x13, s23;
	s0 =	sand.u32 $0x7F, s0;
	v17 =	vor.u32 s14, v1;
	v9 =	vld [tilespmem:s17+$0xFFFFFF00];
	[tilespmem:v16+s25+$0x0] =	vst.idx.msk $0xffff, v3  }
0x199: {  	v20 =	vor.u32 s18, v1;
	s16 =	sadd.s32 $0x1A, s23;
	s14 =	sadd.s32 $0x14, s23;
	v3 =	vor.u32 s21, v0;
	s8 =	sand.u32 $0x73, s8;
	v16 =	vld [tilespmem:s13+$0x50];
	[tilespmem:v14+s25+$0x0] =	vst.idx.msk $0xffff, v12  }
0x19a: {  	v21 =	vor.u32 s10, v1;
	s0 =	sor.u32 s0, s20;
	s8 =	sor.u32 s8, s20;
	s13 =	sand.u32 $0x74, s14;
	v14 =	vor.u32 s1, v1;
	v12 =	vld [tilespmem:s17+$0xFFFFFF40];
	[tilespmem:v2+s25+$0x0] =	vst.idx.msk $0xffff, v13  }
0x19b: {  	s10 =	sadd.s32 $0x16, s23;
	s6 =	sand.u32 $0x7D, s6;
	v22 =	vor.u32 s8, v0;
	s1 =	sor.u32 s13, s20;
	v13 =	vld [tilespmem:s17+$0xFFFFFF60];
	[tilespmem:v15+s25+$0x0] =	vst.idx.msk $0xffff, v6  }
0x19c: {  	s10 =	sand.u32 $0x76, s10;
	s6 =	sor.u32 s6, s20;
	s13 =	sadd.s32 $0x17, s23;
	v15 =	vor.u32 s1, v0;
	v6 =	vld [tilespmem:s17+$0xFFFFFF80];
	[tilespmem:v19+s25+$0x0] =	vst.idx.msk $0xffff, v7  }
0x19d: {  	s19 =	sor.u32 s10, s20;
	s10 =	sadd.s32 $0x18, s23;
	s14 =	sadd.s32 $0x1C, s23;
	v2 =	vor.u32 s6, v1;
	v7 =	vor.u32 s6, v0;
	v19 =	vld [tilespmem:s17+$0xFFFFFFA0];
	[tilespmem:v17+s25+$0x0] =	vst.idx.msk $0xffff, v8  }
0x19e: {  	s10 =	sand.u32 $0x78, s10;
	s6 =	sand.u32 $0x77, s13;
	s13 =	sand.u32 $0x7A, s16;
	v17 =	vor.u32 s19, v0;
	v8 =	vld [tilespmem:s17+$0xFFFFFFC0];
	[tilespmem:v20+s25+$0x0] =	vst.idx.msk $0xffff, v16  }
0x19f: {  	s18 =	sand.u32 $0x75, s12;
	s12 =	sor.u32 s10, s20;
	s22 =	sor.u32 s6, s20;
	v16 =	vld [tilespmem:s17+$0xFFFFFFE0];
	[tilespmem:v21+s25+$0x0] =	vst.idx.msk $0xffff, v5  }
0x1a0: {  	s10 =	sand.u32 $0x7C, s14;
	s16 =	sor.u32 s7, s20;
	s6 =	sadd.s32 $0x11, s23;
	v20 =	vor.u32 s12, v0;
	v21 =	vor.u32 s0, v0;
	v5 =	vld [tilespmem:s17+$0x0];
	[tilespmem:v14+s25+$0x0] =	vst.idx.msk $0xffff, v10  }
0x1a1: {  	s10 =	sor.u32 s10, s20;
	s7 =	sor.u32 s18, s20;
	s6 =	sand.u32 $0x71, s6;
	v10 =	vor.u32 s8, v1;
	[tilespmem:v22+s25+$0x0] =	vst.idx.msk $0xffff, v13;
	v13 =	vor.u32 s22, v0;
	v14 =	vld [tilespmem:s17+$0xE0]  }
0x1a2: {  	s3 =	sand.u32 $0x7E, s3;
	s18 =	sor.u32 s13, s20;
	s14 =	sor.u32 s6, s20;
	v22 =	vor.u32 s16, v0;
	v23 =	vld [tilespmem:s17+$0xFFFFFF70];
	[tilespmem:v7+s25+$0x0] =	vst.idx.msk $0xffff, v18  }
0x1a3: {  	p0 =	slt.u32 s15, $0x1F0;
	s3 =	sor.u32 s3, s20;
	s6 =	sadd.s32 $0x19, s23;
	v7 =	vor.u32 s14, v0;
	[tilespmem:v15+s25+$0x0] =	vst.idx.msk $0xffff, v6;
	v6 =	vld [tilespmem:s17+$0x20]  }
0x1a4: {  	v24 =	vor.u32 s19, v1;
	s13 =	smov.u32 s17;
	v18 =	vor.u32 s1, v1;
	s1 =	sand.u32 $0x79, s6;
	[tilespmem:v3+s25+$0x0] =	vst.idx.msk $0xffff, v9;
	v15 =	vld [tilespmem:s17+$0xFFFFFF90]  }
0x1a5: {  	s6 =	sor.u32 s1, s20;
	[tilespmem:v17+s25+$0x0] =	vst.idx.msk $0xffff, v8;
	v3 =	vld [tilespmem:s17+$0x40]  }
0x1a6: {  	v8 =	vor.u32 s6, v0;
	v25 =	vld [tilespmem:s17+$0xFFFFFFD0];
	[tilespmem:v21+s25+$0x0] =	vst.idx.msk $0xffff, v14  }
0x1a7: {  	[tilespmem:v13+s25+$0x0] =	vst.idx.msk $0xffff, v16;
	v13 =	vld [tilespmem:s17+$0x60]  }
0x1a8: {  	[tilespmem:v7+s25+$0x0] =	vst.idx.msk $0xffff, v11;
	v14 =	vld [tilespmem:s17+$0x80];
	v7 =	vor.u32 s3, v0  }
0x1a9: {  	[tilespmem:v10+s25+$0x0] =	vst.idx.msk $0xffff, v23;
	v9 =	vld [tilespmem:s17+$0xFFFFFFF0];
	v10 =	vor.u32 s10, v0  }
0x1aa: {  	s1 =	sadd.s32 $0x1B, s23;
	v11 =	vld [tilespmem:s17+$0xFFFFFF10];
	[tilespmem:v22+s25+$0x0] =	vst.idx.msk $0xffff, v12  }
0x1ab: {  	s1 =	sand.u32 $0x7B, s1;
	v12 =	vor.u32 s7, v0;
	[tilespmem:v8+s25+$0x0] =	vst.idx.msk $0xffff, v6;
	v16 =	vld [tilespmem:s17+$0xF0]  }
0x1ac: {  	s1 =	sor.u32 s1, s20;
	v17 =	vor.u32 s0, v1;
	[tilespmem:v20+s25+$0x0] =	vst.idx.msk $0xffff, v5;
	v20 =	vld [tilespmem:s17+$0x30]  }
0x1ad: {  	v21 =	vor.u32 s1, v0;
	v6 =	vld [tilespmem:s17+$0x10];
	[tilespmem:v7+s25+$0x0] =	vst.idx.msk $0xffff, v4  }
0x1ae: {  	v7 =	vld [tilespmem:s17+$0xFFFFFF50];
	[tilespmem:v10+s25+$0x0] =	vst.idx.msk $0xffff, v14  }
0x1af: {  	v4 =	vor.u32 s6, v1;
	[tilespmem:v18+s25+$0x0] =	vst.idx.msk $0xffff, v15;
	v5 =	vld [tilespmem:s17+$0x90]  }
.Ltmp5:
0x1b0: {  	v18 =	vor.u32 s21, v1;
	v8 =	vld [tilespmem:s17+$0xFFFFFF30];
	[tilespmem:v12+s25+$0x0] =	vst.idx.msk $0xffff, v19;
	(pc) =	sbr.rel @p0 .LBB2_11-.Ltmp5, $4  }
0x1b1: {  	v19 =	vor.u32 s7, v1;
	v15 =	vld [tilespmem:s17+$0xFFFFFFB0];
	[tilespmem:v17+s25+$0x0] =	vst.idx.msk $0xffff, v16  }
0x1b2: {  	v17 =	vor.u32 s22, v1;
	[tilespmem:v21+s25+$0x0] =	vst.idx.msk $0xffff, v13;
	v12 =	vld [tilespmem:s17+$0xD0]  }
0x1b3: {  	v16 =	vor.u32 s18, v0;
	[tilespmem:v24+s25+$0x0] =	vst.idx.msk $0xffff, v25;
	v10 =	vld [tilespmem:s17+$0x70]  }
0x1b4: {  	s11 =	sadd.s32 $0x80, s11;
	v14 =	vor.u32 s3, v1;
	s17 =	sadd.s32 $0x200, s17;
	[tilespmem:v4+s25+$0x0] =	vst.idx.msk $0xffff, v20;
	v13 =	vld [tilespmem:s13+$0xB0]  }
0x1b5: {  	_ =	sdelay $0x3  }
0x1b6: {  	[tilespmem:v18+s25+$0x0] =	vst.idx.msk $0xffff, v11  }
0x1b7: {  	v4 =	vor.u32 s12, v1;
	[tilespmem:v17+s25+$0x0] =	vst.idx.msk $0xffff, v9  }
0x1b8: {  	v11 =	vor.u32 s16, v1;
	[tilespmem:v16+s25+$0x0] =	vst.idx.msk $0xffff, v3  }
0x1b9: {  	v9 =	vor.u32 s14, v1;
	[tilespmem:v19+s25+$0x0] =	vst.idx.msk $0xffff, v15  }
0x1ba: {  	v3 =	vld [tilespmem:s13+$0x50];
	v15 =	vor.u32 s18, v1;
	[tilespmem:v14+s25+$0x0] =	vst.idx.msk $0xffff, v12  }
0x1bb: {  	v12 =	vor.u32 s10, v1;
	[tilespmem:v2+s25+$0x0] =	vst.idx.msk $0xffff, v13  }
0x1bc: {  	v2 =	vor.u32 s1, v1;
	[tilespmem:v4+s25+$0x0] =	vst.idx.msk $0xffff, v6  }
0x1bd: {  	[tilespmem:v11+s25+$0x0] =	vst.idx.msk $0xffff, v7  }
0x1be: {  	[tilespmem:v9+s25+$0x0] =	vst.idx.msk $0xffff, v8  }
0x1bf: {  	[tilespmem:v15+s25+$0x0] =	vst.idx.msk $0xffff, v3  }
0x1c0: {  	[tilespmem:v12+s25+$0x0] =	vst.idx.msk $0xffff, v5  }
0x1c1: {  	[tilespmem:v2+s25+$0x0] =	vst.idx.msk $0xffff, v10  }
0x1c2: {  	s0 =	simm.s32 $0x0;
	s17 =	rddreg [dreg:$0x7]  }
0x1c3: {  	[hbm4b:s17+s0] =	stream.linear.scatter [tilespmem:s25], [sflag:$0x4], $0x1000, $0x38;
	[tilespmem:$0x1E400] =	vst v63  }
0x1c4: {  	s3 =	simm.s32 $0x13400;
	s18 =	rddreg [dreg:$0x8]  }
0x1c5: {  	[hbm4b:s18+s0] =	stream.linear.scatter [tilespmem:s3], [sflag:$0x4], $0x1000, $0x38;
	[tilespmem:$0x1E400] =	vst v63  }
0x1c6: {  	s20 =	simm.s32 $0x14400;
	s19 =	rddreg [dreg:$0x9]  }
0x1c7: {  	[hbm4b:s19+s0] =	stream.linear.scatter [tilespmem:s20], [sflag:$0x4], $0x1000, $0x38;
	[tilespmem:$0x1E400] =	vst v63  }
0x1c8: {  	s22 =	simm.s32 $0x15400;
	s21 =	rddreg [dreg:$0xa]  }
0x1c9: {  	[hbm4b:s21+s0] =	stream.linear.scatter [tilespmem:s22], [sflag:$0x4], $0x1000, $0x38;
	[tilespmem:$0x1E400] =	vst v63  }
0x1ca: {  	_ =	swait.ge [sflag:s30], $0x4000  }
0x1cb: {  	[sflag:s30] =	ssyncset.done $0x0  }
0x1cc: {  	[sflag:s30] =	ssyncadd.s32 $0xFFFFC000  }
0x1cd: {  	_ =	swait.ge [sflag:s28], $0x1000  }
0x1ce: {  	[sflag:s28] =	ssyncset.done $0x0  }
0x1cf: {  	[sflag:s28] =	ssyncadd.s32 $0xFFFFF000  }
0x1d0: {  	_ =	swait.ge [sflag:s28], $0x1000  }
0x1d1: {  	[sflag:s28] =	ssyncset.done $0x0  }
0x1d2: {  	[sflag:s28] =	ssyncadd.s32 $0xFFFFF000  }
0x1d3: {  	_ =	swait.ge [sflag:s28], $0x1000  }
0x1d4: {  	[sflag:s28] =	ssyncset.done $0x0  }
0x1d5: {  	[sflag:s28] =	ssyncadd.s32 $0xFFFFF000  }
0x1d6: {  	_ =	swait.ge [sflag:s28], $0x1000  }
0x1d7: {  	[sflag:s28] =	ssyncset.done $0x0  }
0x1d8: {  	s13 =	simm.s32 $0xA5F0;
	[sflag:s28] =	ssyncadd.s32 $0xFFFFF000  }
0x1d9: {  	v2 =	vld [tilespmem:s13+$0xFFFFFFD0]  }
0x1da: {  	v4 =	vld [tilespmem:s13+$0xFFFFFE30]  }
0x1db: {  	v3 =	vld [tilespmem:s13+$0xFFFFFFB0]  }
0x1dc: {  	s23 =	simm.s32 $0x3;
	v5 =	vld [tilespmem:s13+$0xFFFFFE10]  }
0x1dd: {  	s29 =	simm.s32 $0xD;
	s11 =	sand.u32 $0xC00, s0;
	s7 =	sand.u32 $0x73, s23;
	v6 =	vld [tilespmem:s13+$0xFFFFFE50]  }
0x1de: {  	s8 =	simm.s32 $0x4;
	s6 =	sor.u32 s7, s11;
	s10 =	sand.u32 $0x7D, s29;
	v7 =	vld [tilespmem:s13+$0xFFFFFE70]  }
0x1df: {  	s15 =	simm.s32 $0x0;
	s1 =	sand.u32 $0x74, s8;
	v8 =	vor.u32 s6, v0;
	s0 =	sor.u32 s10, s11;
	v9 =	vld [tilespmem:s13+$0xFFFFFE90]  }
0x1e0: {  	s12 =	sand.u32 $0x70, s15;
	s7 =	simm.s32 $0x6;
	s1 =	sor.u32 s1, s11;
	v11 =	vor.u32 s0, v0;
	v10 =	vld [tilespmem:s13+$0xFFFFFEB0]  }
0x1e1: {  	s7 =	sand.u32 $0x76, s7;
	s8 =	simm.s32 $0xF;
	v12 =	vor.u32 s1, v0;
	s3 =	sor.u32 s12, s11;
	v13 =	vld [tilespmem:s13+$0xFFFFFED0]  }
0x1e2: {  	s14 =	simm.s32 $0x7;
	s7 =	sor.u32 s7, s11;
	s8 =	sand.u32 $0x7F, s8;
	v14 =	vor.u32 s3, v0;
	v15 =	vld [tilespmem:s13+$0xFFFFFEF0]  }
0x1e3: {  	s16 =	simm.s32 $0x1;
	v16 =	vor.u32 s7, v0;
	s8 =	sor.u32 s8, s11;
	s10 =	sand.u32 $0x77, s14;
	v17 =	vld [tilespmem:s13+$0xFFFFFF10]  }
0x1e4: {  	v18 =	vor.u32 s8, v0;
	s18 =	sand.u32 $0x71, s16;
	s19 =	simm.s32 $0x2;
	s17 =	sor.u32 s10, s11;
	[tilespmem:v8+s31+$0x0] =	vst.idx.msk $0xffff, v7;
	v7 =	vld [tilespmem:s13+$0xFFFFFFF0]  }
0x1e5: {  	s20 =	sand.u32 $0x72, s19;
	s14 =	sor.u32 s18, s11;
	v20 =	vld [tilespmem:s13+$0xFFFFFF70];
	v8 =	vor.u32 s17, v0;
	[tilespmem:v11+s31+$0x0] =	vst.idx.msk $0xffff, v3  }
0x1e6: {  	s21 =	simm.s32 $0x9;
	s16 =	sor.u32 s20, s11;
	v11 =	vor.u32 s14, v0;
	[tilespmem:v12+s31+$0x0] =	vst.idx.msk $0xffff, v9;
	v12 =	vld [tilespmem:s13+$0xFFFFFF30]  }
0x1e7: {  	s23 =	sand.u32 $0x79, s21;
	[tilespmem:v14+s31+$0x0] =	vst.idx.msk $0xffff, v5;
	v14 =	vor.u32 s16, v0;
	v3 =	vld [tilespmem:s13+$0xFFFFFF50]  }
0x1e8: {  	s22 =	simm.s32 $0x8;
	v9 =	vor.u32 s6, v1;
	[tilespmem:v16+s31+$0x0] =	vst.idx.msk $0xffff, v13;
	s6 =	sor.u32 s23, s11;
	v19 =	vld [tilespmem:s13+$0xFFFFFE80]  }
0x1e9: {  	s29 =	simm.s32 $0xE;
	s19 =	sand.u32 $0x78, s22;
	v5 =	vld [tilespmem:s13+$0xFFFFFEA0];
	v16 =	vor.u32 s6, v0;
	[tilespmem:v18+s31+$0x0] =	vst.idx.msk $0xffff, v7  }
0x1ea: {  	v22 =	vor.u32 s7, v1;
	s20 =	simm.s32 $0xC;
	s10 =	sand.u32 $0x7E, s29;
	s12 =	sor.u32 s19, s11;
	v13 =	vld [tilespmem:s13+$0xFFFFFEE0];
	[tilespmem:v8+s31+$0x0] =	vst.idx.msk $0xffff, v15  }
0x1eb: {  	s18 =	sand.u32 $0x7C, s20;
	s19 =	sor.u32 s10, s11;
	v7 =	vor.u32 s12, v0;
	[tilespmem:v11+s31+$0x0] =	vst.idx.msk $0xffff, v4;
	v4 =	vld [tilespmem:s13+$0xFFFFFF90]  }
0x1ec: {  	s20 =	simm.s32 $0x5;
	s10 =	sor.u32 s18, s11;
	v8 =	vor.u32 s19, v0;
	v11 =	vld [tilespmem:s13+$0xFFFFFE20];
	[tilespmem:v14+s31+$0x0] =	vst.idx.msk $0xffff, v6  }
0x1ed: {  	s21 =	sand.u32 $0x75, s20;
	v15 =	vor.u32 s10, v0;
	[tilespmem:v9+s31+$0x0] =	vst.idx.msk $0xffff, v19;
	v9 =	vld [tilespmem:s13+$0xFFFFFF00]  }
0x1ee: {  	s22 =	simm.s32 $0xB;
	s20 =	sor.u32 s21, s11;
	v18 =	vor.u32 s1, v1;
	[tilespmem:v16+s31+$0x0] =	vst.idx.msk $0xffff, v12;
	v12 =	vld [tilespmem:s13+$0x0]  }
0x1ef: {  	v14 =	vor.u32 s20, v0;
	s1 =	sand.u32 $0x7B, s22;
	[tilespmem:v22+s31+$0x0] =	vst.idx.msk $0xffff, v13;
	v13 =	vld [tilespmem:s13+$0xFFFFFFC0]  }
0x1f0: {  	v16 =	vor.u32 s8, v1;
	s1 =	sor.u32 s1, s11;
	v21 =	vld [tilespmem:s13+$0xFFFFFF40];
	[tilespmem:v7+s31+$0x0] =	vst.idx.msk $0xffff, v17  }
0x1f1: {  	v17 =	vor.u32 s1, v0;
	[tilespmem:v8+s31+$0x0] =	vst.idx.msk $0xffff, v2;
	v7 =	vld [tilespmem:s13+$0xFFFFFE60]  }
0x1f2: {  	[tilespmem:v15+s31+$0x0] =	vst.idx.msk $0xffff, v4;
	v4 =	vor.u32 s6, v1;
	v8 =	vld [tilespmem:s13+$0xFFFFFE40]  }
0x1f3: {  	[tilespmem:v18+s31+$0x0] =	vst.idx.msk $0xffff, v5;
	v6 =	vld [tilespmem:s13+$0xFFFFFF20]  }
0x1f4: {  	s23 =	simm.s32 $0xA;
	[tilespmem:v14+s31+$0x0] =	vst.idx.msk $0xffff, v10;
	v18 =	vor.u32 s3, v1;
	v5 =	vld [tilespmem:s13+$0xFFFFFFA0]  }
0x1f5: {  	s29 =	sand.u32 $0x7A, s23;
	v19 =	vor.u32 s20, v1;
	v15 =	vld [tilespmem:s13+$0xFFFFFEC0];
	[tilespmem:v16+s31+$0x0] =	vst.idx.msk $0xffff, v12  }
0x1f6: {  	s18 =	sor.u32 s29, s11;
	v2 =	vor.u32 s0, v1;
	v12 =	vld [tilespmem:s13+$0xFFFFFFE0];
	[tilespmem:v17+s31+$0x0] =	vst.idx.msk $0xffff, v20;
	v17 =	vor.u32 s17, v1  }
0x1f7: {  	s11 =	simm.s32 $0xA7F0;
	v14 =	vor.u32 s19, v1;
	v16 =	vor.u32 s18, v0;
	[tilespmem:v4+s31+$0x0] =	vst.idx.msk $0xffff, v21;
	s17 =	simm.s32 $0x80;
	v10 =	vld [tilespmem:s13+$0xFFFFFF80]  }
.LBB2_13:
0x1f8: {  	s0 =	sadd.s32 $0x12, s15  }
0x1f9: {  	s6 =	sadd.s32 $0x1D, s15;
	v4 =	vld [tilespmem:s11+$0xFFFFFFD0];
	[tilespmem:v18+s31+$0x0] =	vst.idx.msk $0xffff, v11;
	s23 =	smov.u32 s15;
	s15 =	sadd.s32 $0x10, s15  }
0x1fa: {  	s20 =	sand.u32 $0xC00, s17;
	s8 =	sand.u32 $0x70, s15;
	v11 =	vld [tilespmem:s11+$0xFFFFFE30];
	s3 =	sadd.s32 $0x1E, s23;
	[tilespmem:v19+s31+$0x0] =	vst.idx.msk $0xffff, v15;
	v15 =	vor.u32 s12, v1  }
0x1fb: {  	s7 =	sand.u32 $0x72, s0;
	s12 =	sadd.s32 $0x15, s23;
	s0 =	sadd.s32 $0x1F, s23;
	v19 =	vor.u32 s16, v1;
	v18 =	vld [tilespmem:s11+$0xFFFFFFB0];
	[tilespmem:v17+s31+$0x0] =	vst.idx.msk $0xffff, v9  }
0x1fc: {  	s21 =	sor.u32 s8, s20;
	s8 =	sadd.s32 $0x13, s23;
	s0 =	sand.u32 $0x7F, s0;
	v17 =	vor.u32 s14, v1;
	v9 =	vld [tilespmem:s11+$0xFFFFFE10];
	[tilespmem:v16+s31+$0x0] =	vst.idx.msk $0xffff, v3  }
0x1fd: {  	v20 =	vor.u32 s18, v1;
	s16 =	sadd.s32 $0x1A, s23;
	s14 =	sadd.s32 $0x14, s23;
	v3 =	vor.u32 s21, v0;
	s8 =	sand.u32 $0x73, s8;
	v16 =	vld [tilespmem:s13+$0xFFFFFF60];
	[tilespmem:v14+s31+$0x0] =	vst.idx.msk $0xffff, v12  }
0x1fe: {  	v21 =	vor.u32 s10, v1;
	s0 =	sor.u32 s0, s20;
	s8 =	sor.u32 s8, s20;
	s13 =	sand.u32 $0x74, s14;
	v14 =	vor.u32 s1, v1;
	v12 =	vld [tilespmem:s11+$0xFFFFFE50];
	[tilespmem:v2+s31+$0x0] =	vst.idx.msk $0xffff, v13  }
0x1ff: {  	s10 =	sadd.s32 $0x16, s23;
	s6 =	sand.u32 $0x7D, s6;
	v22 =	vor.u32 s8, v0;
	s1 =	sor.u32 s13, s20;
	v13 =	vld [tilespmem:s11+$0xFFFFFE70];
	[tilespmem:v15+s31+$0x0] =	vst.idx.msk $0xffff, v6  }
0x200: {  	s10 =	sand.u32 $0x76, s10;
	s6 =	sor.u32 s6, s20;
	s13 =	sadd.s32 $0x17, s23;
	v15 =	vor.u32 s1, v0;
	v6 =	vld [tilespmem:s11+$0xFFFFFE90];
	[tilespmem:v19+s31+$0x0] =	vst.idx.msk $0xffff, v7  }
0x201: {  	s19 =	sor.u32 s10, s20;
	s10 =	sadd.s32 $0x18, s23;
	s14 =	sadd.s32 $0x1C, s23;
	v2 =	vor.u32 s6, v1;
	v7 =	vor.u32 s6, v0;
	v19 =	vld [tilespmem:s11+$0xFFFFFEB0];
	[tilespmem:v17+s31+$0x0] =	vst.idx.msk $0xffff, v8  }
0x202: {  	s10 =	sand.u32 $0x78, s10;
	s6 =	sand.u32 $0x77, s13;
	s13 =	sand.u32 $0x7A, s16;
	v17 =	vor.u32 s19, v0;
	v8 =	vld [tilespmem:s11+$0xFFFFFED0];
	[tilespmem:v20+s31+$0x0] =	vst.idx.msk $0xffff, v16  }
0x203: {  	s18 =	sand.u32 $0x75, s12;
	s12 =	sor.u32 s10, s20;
	s22 =	sor.u32 s6, s20;
	v16 =	vld [tilespmem:s11+$0xFFFFFEF0];
	[tilespmem:v21+s31+$0x0] =	vst.idx.msk $0xffff, v5  }
0x204: {  	s10 =	sand.u32 $0x7C, s14;
	s16 =	sor.u32 s7, s20;
	s6 =	sadd.s32 $0x11, s23;
	v20 =	vor.u32 s12, v0;
	v21 =	vor.u32 s0, v0;
	v5 =	vld [tilespmem:s11+$0xFFFFFF10];
	[tilespmem:v14+s31+$0x0] =	vst.idx.msk $0xffff, v10  }
0x205: {  	s10 =	sor.u32 s10, s20;
	s7 =	sor.u32 s18, s20;
	s6 =	sand.u32 $0x71, s6;
	v10 =	vor.u32 s8, v1;
	[tilespmem:v22+s31+$0x0] =	vst.idx.msk $0xffff, v13;
	v13 =	vor.u32 s22, v0;
	v14 =	vld [tilespmem:s11+$0xFFFFFFF0]  }
0x206: {  	s3 =	sand.u32 $0x7E, s3;
	s18 =	sor.u32 s13, s20;
	s14 =	sor.u32 s6, s20;
	v22 =	vor.u32 s16, v0;
	v23 =	vld [tilespmem:s11+$0xFFFFFE80];
	[tilespmem:v7+s31+$0x0] =	vst.idx.msk $0xffff, v18  }
0x207: {  	p0 =	slt.u32 s15, $0x1F0;
	s3 =	sor.u32 s3, s20;
	s6 =	sadd.s32 $0x19, s23;
	v7 =	vor.u32 s14, v0;
	[tilespmem:v15+s31+$0x0] =	vst.idx.msk $0xffff, v6;
	v6 =	vld [tilespmem:s11+$0xFFFFFF30]  }
0x208: {  	v24 =	vor.u32 s19, v1;
	s13 =	smov.u32 s11;
	v18 =	vor.u32 s1, v1;
	s1 =	sand.u32 $0x79, s6;
	[tilespmem:v3+s31+$0x0] =	vst.idx.msk $0xffff, v9;
	v15 =	vld [tilespmem:s11+$0xFFFFFEA0]  }
0x209: {  	s6 =	sor.u32 s1, s20;
	[tilespmem:v17+s31+$0x0] =	vst.idx.msk $0xffff, v8;
	v3 =	vld [tilespmem:s11+$0xFFFFFF50]  }
0x20a: {  	v8 =	vor.u32 s6, v0;
	v25 =	vld [tilespmem:s11+$0xFFFFFEE0];
	[tilespmem:v21+s31+$0x0] =	vst.idx.msk $0xffff, v14  }
0x20b: {  	[tilespmem:v13+s31+$0x0] =	vst.idx.msk $0xffff, v16;
	v13 =	vld [tilespmem:s11+$0xFFFFFF70]  }
0x20c: {  	[tilespmem:v7+s31+$0x0] =	vst.idx.msk $0xffff, v11;
	v14 =	vld [tilespmem:s11+$0xFFFFFF90];
	v7 =	vor.u32 s3, v0  }
0x20d: {  	[tilespmem:v10+s31+$0x0] =	vst.idx.msk $0xffff, v23;
	v9 =	vld [tilespmem:s11+$0xFFFFFF00];
	v10 =	vor.u32 s10, v0  }
0x20e: {  	s1 =	sadd.s32 $0x1B, s23;
	v11 =	vld [tilespmem:s11+$0xFFFFFE20];
	[tilespmem:v22+s31+$0x0] =	vst.idx.msk $0xffff, v12  }
0x20f: {  	s1 =	sand.u32 $0x7B, s1;
	v12 =	vor.u32 s7, v0;
	[tilespmem:v8+s31+$0x0] =	vst.idx.msk $0xffff, v6;
	v16 =	vld [tilespmem:s11+$0x0]  }
0x210: {  	s1 =	sor.u32 s1, s20;
	v17 =	vor.u32 s0, v1;
	[tilespmem:v20+s31+$0x0] =	vst.idx.msk $0xffff, v5;
	v20 =	vld [tilespmem:s11+$0xFFFFFF40]  }
0x211: {  	v21 =	vor.u32 s1, v0;
	v6 =	vld [tilespmem:s11+$0xFFFFFF20];
	[tilespmem:v7+s31+$0x0] =	vst.idx.msk $0xffff, v4  }
0x212: {  	v7 =	vld [tilespmem:s11+$0xFFFFFE60];
	[tilespmem:v10+s31+$0x0] =	vst.idx.msk $0xffff, v14  }
0x213: {  	v4 =	vor.u32 s6, v1;
	[tilespmem:v18+s31+$0x0] =	vst.idx.msk $0xffff, v15;
	v5 =	vld [tilespmem:s11+$0xFFFFFFA0]  }
.Ltmp6:
0x214: {  	v18 =	vor.u32 s21, v1;
	v8 =	vld [tilespmem:s11+$0xFFFFFE40];
	[tilespmem:v12+s31+$0x0] =	vst.idx.msk $0xffff, v19;
	(pc) =	sbr.rel @p0 .LBB2_13-.Ltmp6, $4  }
0x215: {  	v19 =	vor.u32 s7, v1;
	v15 =	vld [tilespmem:s11+$0xFFFFFEC0];
	[tilespmem:v17+s31+$0x0] =	vst.idx.msk $0xffff, v16  }
0x216: {  	v17 =	vor.u32 s22, v1;
	[tilespmem:v21+s31+$0x0] =	vst.idx.msk $0xffff, v13;
	v12 =	vld [tilespmem:s11+$0xFFFFFFE0]  }
0x217: {  	v16 =	vor.u32 s18, v0;
	[tilespmem:v24+s31+$0x0] =	vst.idx.msk $0xffff, v25;
	v10 =	vld [tilespmem:s11+$0xFFFFFF80]  }
0x218: {  	s17 =	sadd.s32 $0x80, s17;
	v14 =	vor.u32 s3, v1;
	s11 =	sadd.s32 $0x200, s11;
	[tilespmem:v4+s31+$0x0] =	vst.idx.msk $0xffff, v20;
	v13 =	vld [tilespmem:s13+$0xFFFFFFC0]  }
0x219: {  	_ =	sdelay $0x3  }
0x21a: {  	[tilespmem:v18+s31+$0x0] =	vst.idx.msk $0xffff, v11  }
0x21b: {  	v4 =	vor.u32 s12, v1;
	[tilespmem:v17+s31+$0x0] =	vst.idx.msk $0xffff, v9  }
0x21c: {  	v60 =	vor.u32 s16, v1;
	[tilespmem:v16+s31+$0x0] =	vst.idx.msk $0xffff, v3  }
0x21d: {  	v61 =	vor.u32 s14, v1;
	[tilespmem:v19+s31+$0x0] =	vst.idx.msk $0xffff, v15  }
0x21e: {  	v63 =	vor.u32 s10, v1;
	[tilespmem:v14+s31+$0x0] =	vst.idx.msk $0xffff, v12  }
0x21f: {  	v62 =	vor.u32 s18, v1;
	v3 =	vld [tilespmem:s13+$0xFFFFFF60];
	[tilespmem:v2+s31+$0x0] =	vst.idx.msk $0xffff, v13  }
0x220: {  	v2 =	vor.u32 s1, v1;
	[tilespmem:v4+s31+$0x0] =	vst.idx.msk $0xffff, v6  }
0x221: {  	[tilespmem:v60+s31+$0x0] =	vst.idx.msk $0xffff, v7  }
0x222: {  	[tilespmem:v61+s31+$0x0] =	vst.idx.msk $0xffff, v8  }
0x223: {  	[tilespmem:v63+s31+$0x0] =	vst.idx.msk $0xffff, v5  }
0x224: {  	[tilespmem:v62+s31+$0x0] =	vst.idx.msk $0xffff, v3  }
0x225: {  	[tilespmem:v2+s31+$0x0] =	vst.idx.msk $0xffff, v10  }
0x226: {  	s0 =	rddreg [dreg:$0xb]  }
0x227: {  	[hbm4b:s0+s2] =	stream.linear.scatter [tilespmem:s31], [sflag:$0x5], $0x1000, $0x38;
	[tilespmem:$0x1E400] =	vst v63  }
0x228: {  	s19 =	simm.s32 $0x17400;
	s18 =	rddreg [dreg:$0xc]  }
0x229: {  	[hbm4b:s18+s2] =	stream.linear.scatter [tilespmem:s19], [sflag:$0x5], $0x1000, $0x38;
	[tilespmem:$0x1E400] =	vst v63  }
0x22a: {  	s21 =	simm.s32 $0x18400;
	s20 =	rddreg [dreg:$0xd]  }
0x22b: {  	[hbm4b:s20+s2] =	stream.linear.scatter [tilespmem:s21], [sflag:$0x5], $0x1000, $0x38;
	[tilespmem:$0x1E400] =	vst v63  }
0x22c: {  	s23 =	simm.s32 $0x19400;
	s22 =	rddreg [dreg:$0xe]  }
0x22d: {  	[hbm4b:s22+s2] =	stream.linear.scatter [tilespmem:s23], [sflag:$0x5], $0x1000, $0x38;
	[tilespmem:$0x1E400] =	vst v63  }
0x22e: {  	_ =	swait.ge [sflag:s26], $0x1000  }
0x22f: {  	[sflag:s26] =	ssyncset.done $0x0  }
0x230: {  	[sflag:s26] =	ssyncadd.s32 $0xFFFFF000  }
0x231: {  	_ =	swait.ge [sflag:s26], $0x1000  }
0x232: {  	[sflag:s26] =	ssyncset.done $0x0  }
0x233: {  	[sflag:s26] =	ssyncadd.s32 $0xFFFFF000  }
0x234: {  	_ =	swait.ge [sflag:s26], $0x1000  }
0x235: {  	[sflag:s26] =	ssyncset.done $0x0  }
0x236: {  	[sflag:s26] =	ssyncadd.s32 $0xFFFFF000  }
0x237: {  	_ =	swait.ge [sflag:s26], $0x1000  }
0x238: {  	[sflag:s26] =	ssyncset.done $0x0  }
0x239: {  	[sflag:s26] =	ssyncadd.s32 $0xFFFFF000  }
0x23a: {  	_ =	swait.ge [sflag:s28], $0x1000  }
0x23b: {  	[sflag:s28] =	ssyncset.done $0x0  }
0x23c: {  	[sflag:s28] =	ssyncadd.s32 $0xFFFFF000  }
0x23d: {  	_ =	swait.ge [sflag:s28], $0x1000  }
0x23e: {  	[sflag:s28] =	ssyncset.done $0x0  }
0x23f: {  	[sflag:s28] =	ssyncadd.s32 $0xFFFFF000  }
0x240: {  	_ =	swait.ge [sflag:s28], $0x1000  }
0x241: {  	[sflag:s28] =	ssyncset.done $0x0  }
0x242: {  	[sflag:s28] =	ssyncadd.s32 $0xFFFFF000  }
0x243: {  	_ =	swait.ge [sflag:s28], $0x1000  }
0x244: {  	[sflag:s28] =	ssyncset.done $0x0  }
0x245: {  	[sflag:s28] =	ssyncadd.s32 $0xFFFFF000;
	s28 =	simm.s32 $0x6  }
0x246: {  	_ =	swait.ge [sflag:s28], $0x1000  }
0x247: {  	[sflag:s28] =	ssyncset.done $0x0  }
0x248: {  	[sflag:s28] =	ssyncadd.s32 $0xFFFFF000  }
0x249: {  	_ =	swait.ge [sflag:s28], $0x1000  }
0x24a: {  	[sflag:s28] =	ssyncset.done $0x0  }
0x24b: {  	[sflag:s28] =	ssyncadd.s32 $0xFFFFF000  }
0x24c: {  	_ =	swait.ge [sflag:s28], $0x1000  }
0x24d: {  	[sflag:s28] =	ssyncset.done $0x0  }
0x24e: {  	[sflag:s28] =	ssyncadd.s32 $0xFFFFF000  }
0x24f: {  	_ =	swait.ge [sflag:s28], $0x1000  }
0x250: {  	s3 =	rddreg [dreg:$0x10]  }
0x251: {  	s29 =	rddreg [dreg:$0xf];
	s3 =	sadd.s32 $0x1, s3  }
0x252: {  	p0 =	sne.s32 s3, s29  }
.Ltmp7:
0x253: {  	_ = 	snop;
	(pc) =	sbr.rel @p0 .LBB2_1-.Ltmp7, $3  }
0x254: {  	_ =	sdelay $0x1  }
0x255: {  	[sflag:s28] =	ssyncset.done $0x0  }
0x256: {  	[sflag:s28] =	ssyncadd.s32 $0xFFFFF000  }
0x257: {  	_ =	sfence.sel $0x180000  }
0x258: {  	[bflag:$0x0] =	sbarrier.arrive $0xFFFF  }
0x259: {  	_ =	strace $0x90000047  }
0x25a: {  	s0 =	stileid.u32;
	[bflag:$0x2] =	sbarrier.arrive $0xFFFF  }
0x25b: {  	p0 =	sne.s32 s0, $0x0;
	s0 =	rddreg [dreg:$0x2]  }
0x25c: {  	s0 =	sadd.s32 @!p0 $0x100000, s0  }
0x25d: {  	[sflag:s0] =	ssyncadd.tile.s32 @!p0 $0x1;
	_ =	shalt  }
.Lfunc_end2:
_tile_overlayer_lowered:
.L_overlay_start_2:
0x25e: {  	(tag) =	ssettag $0x2  }
0x25f: {  	s0 =	rddreg [dreg:$0x0];
	s2 =	stileid.u32  }
0x260: {  	s1 =	rddreg [dreg:$0x1];
	p0 =	sne.s32 s2, $0x0  }
0x261: {  	s3 =	rddreg [dreg:$0x2];
	[bflag:$0x3] =	sbarrier.arrive $0xFFFF;
	s2 =	simm.s32 @!p0 $0x1C07  }
0x262: {  	[timem:s3], [sflag:s2] =	dma.local @!p0 [hbm:s0], s1  }
0x263: {  	s0 =	simm.s32 @!p0 $0x7  }
0x264: {  	_ =	swait.ge @!p0 [sflag:s0], s1  }
0x265: {  	s1 =	ssub.s32 @!p0 $0x0, s1;
	[sflag:s0] =	ssyncset.done @!p0 $0x0  }
0x266: {  	[sflag:s0] =	ssyncadd.s32 @!p0 s1  }
0x267: {  	[bflag:$0x3] =	sbarrier.arrive $0xFFFF  }
0x268: {  	_ =	shalt  }

</sc_bundles>
